<compile_context>
chip_gen: v7x
topology: tpu7x:2x2x1
jax: 0.10.2.dev20260603
libtpu: 0.0.44.dev20260713+nightly
codegen_flags: <defaults>
</compile_context>

<pallas_src>
import functools

import jax
import jax.numpy as jnp
from jax import lax
from jax.experimental import pallas as pl
from jax.experimental.pallas import tpu as pltpu
from jax.experimental.pallas import tpu_sc as plsc

B = 16 * 128 * 128
D = 128
V = 500
NC, NS = 2, 16
NW = NC * NS
BPW = B // NW
C = 128
G = BPW // C
NBUF = 2
HC = C // 2


def _sc_body(x0, x1, x2, t0, t1, t2, out, idxp_v, idx_v, rows_v,
             sh0, sh1, sh2, gsem, osem):
    sid = lax.axis_index("s")
    wid = sid * NC + lax.axis_index("c")
    base = wid * BPW
    xs = (x0, x1, x2)
    tables = (sh0, sh1, sh2)

    @pl.when(sid == 0)
    def _():
        pltpu.sync_copy(t0, sh0)
        pltpu.sync_copy(t1, sh1)
        pltpu.sync_copy(t2, sh2)

    for t in range(3):
        pltpu.sync_copy(xs[t].at[pl.ds(wid * (G // 2), G // 2)],
                        idxp_v.at[t])
    plsc.subcore_barrier()

    def unpack_idx(g, b):
        row = lax.shift_right_logical(g, 1)
        half = lax.bitwise_and(g, 1) * HC
        lomask = jnp.full((16,), jnp.int32(0xFFFF))
        for t in range(3):
            for q in range(HC // 16):
                w = idxp_v[t, row, pl.ds(half + q * 16, 16)]
                idx_v[b, t, pl.ds(q * 16, 16)] = lax.bitwise_and(w, lomask)
                idx_v[b, t, pl.ds(64 + q * 16, 16)] = (
                    lax.shift_right_logical(w, 16))

    def issue_gathers(g, b):
        for t in range(3):
            pltpu.async_copy(tables[t].at[idx_v.at[b, t]], rows_v.at[b, t],
                             gsem.at[b])

    def wait_gathers(b):
        for t in range(3):
            pltpu.make_async_copy(tables[t].at[idx_v.at[b, t]],
                                  rows_v.at[b, t], gsem.at[b]).wait()

    def wait_out(b):
        pltpu.make_async_copy(rows_v.at[b, 0], out.at[pl.ds(base, C)],
                              osem.at[b]).wait()

    unpack_idx(0, 0)
    issue_gathers(0, 0)

    def step(g, b):
        nb = 1 - b
        wait_gathers(b)

        @pl.when(jnp.logical_and(g >= 1, g + 1 < G))
        def _():
            wait_out(nb)

        @pl.when(g + 1 < G)
        def _():
            unpack_idx(g + 1, nb)
            issue_gathers(g + 1, nb)

        @plsc.parallel_loop(0, C, 1, unroll=4)
        def _(r):
            for l in range(D // 16):
                s = pl.ds(l * 16, 16)
                plsc.addupdate(rows_v.at[b, 0, r, s],
                               rows_v[b, 1, r, s] + rows_v[b, 2, r, s])
        pltpu.async_copy(rows_v.at[b, 0], out.at[pl.ds(base + g * C, C)],
                         osem.at[b])

    def outer(gg, carry):
        step(NBUF * gg, 0)
        step(NBUF * gg + 1, 1)
        return carry

    lax.fori_loop(0, G // NBUF, outer, 0)
    wait_out(0)
    wait_out(1)


@functools.partial(jax.jit, static_argnames=())
def _sc_lookup(x0, x1, x2, emb0, emb1, emb2):
    f = pl.kernel(
        _sc_body,
        out_type=jax.ShapeDtypeStruct((B, D), jnp.float32),
        mesh=plsc.VectorSubcoreMesh(core_axis_name="c", subcore_axis_name="s",
                                    num_cores=NC, num_subcores=NS),
        scratch_types=[
            pltpu.VMEM((3, G // 2, C), jnp.int32),
            pltpu.VMEM((NBUF, 3, C), jnp.int32),
            pltpu.VMEM((NBUF, 3, C, D), jnp.float32),
            pltpu.VMEM_SHARED((V, D), jnp.float32),
            pltpu.VMEM_SHARED((V, D), jnp.float32),
            pltpu.VMEM_SHARED((V, D), jnp.float32),
            pltpu.SemaphoreType.DMA((NBUF,)),
            pltpu.SemaphoreType.DMA((NBUF,)),
        ],
    )
    return f(x0, x1, x2, emb0, emb1, emb2)


def _pack_idx(xt):
    c = xt.reshape(B // C, C)
    p = c[:, :HC] | (c[:, HC:] << 16)
    return p.reshape(B // (2 * C), C)


def kernel(x, emb0, emb1, emb2):
    xf = x.reshape(B, 3)
    x0 = _pack_idx(xf[:, 0])
    x1 = _pack_idx(xf[:, 1])
    x2 = _pack_idx(xf[:, 2])
    out = _sc_lookup(x0, x1, x2, emb0, emb1, emb2)
    return out.reshape(x.shape[0], x.shape[1], x.shape[2], D)

# --- scband reference (transcript-rebuilt; emitter-appended) ---
"""Pipeline reference for scband-discrete-bond-encoder-22299470201467 (READ-ONLY COPY).

The authoritative reference and input builder live on the scoring server;
editing this copy changes nothing except your own understanding.
"""

import jax, jax.numpy as jnp
import numpy as np


def setup_inputs(seed: int = 0) -> dict:
    key = jax.random.key(seed)
    kx, k0, k1, k2 = jax.random.split(key, 4)
    # discrete bond features: [B, N, N, F] integer codes in [0, 500)
    x = jax.random.randint(kx, (16, 128, 128, 3), 0, 500, dtype=jnp.int32)
    # three embedding tables [max_num_values, hidden_channels]; padding_idx=0 -> row 0 zeroed
    emb0 = jax.random.normal(k0, (500, 128), dtype=jnp.float32).at[0].set(0.0)
    emb1 = jax.random.normal(k1, (500, 128), dtype=jnp.float32).at[0].set(0.0)
    emb2 = jax.random.normal(k2, (500, 128), dtype=jnp.float32).at[0].set(0.0)
    return {"x": x, "emb0": emb0, "emb1": emb1, "emb2": emb2}


def reference(x, emb0, emb1, emb2):
    # DiscreteBondEncoder.forward: if x.dim()==3 -> unsqueeze(3); here x is 4-D already.
    if x.ndim == 3:
        x = x[:, :, :, None]
    tables = [emb0, emb1, emb2]
    out = 0
    for i in range(x.shape[3]):
        out = out + jnp.take(tables[i], x[:, :, :, i], axis=0)
    return out

if __name__ == "__main__":
    import jax
    _d = setup_inputs()
    print(jax.jit(kernel)(*tuple(_d.values())))

</pallas_src>

<mosaic_0001>
#map = affine_map<(d0, d1) -> (0, 0)>
module attributes {stable_mosaic.version = 14 : i64} {
  func.func @_sc_body(%arg0: i32, %arg1: i32, %arg2: memref<1024x128xi32, #tpu.memory_space<hbm>>, %arg3: memref<1024x128xi32, #tpu.memory_space<hbm>>, %arg4: memref<1024x128xi32, #tpu.memory_space<hbm>>, %arg5: memref<500x128xf32, #tpu.memory_space<hbm>>, %arg6: memref<500x128xf32, #tpu.memory_space<hbm>>, %arg7: memref<500x128xf32, #tpu.memory_space<hbm>>, %arg8: memref<262144x128xf32, #tpu.memory_space<hbm>>, %arg9: memref<3x32x128xi32, #tpu.memory_space<vmem>>, %arg10: memref<2x3x128xi32, #tpu.memory_space<vmem>>, %arg11: memref<2x3x128x128xf32, #tpu.memory_space<vmem>>, %arg12: memref<500x128xf32, #tpu.memory_space<vmem_shared>>, %arg13: memref<500x128xf32, #tpu.memory_space<vmem_shared>>, %arg14: memref<500x128xf32, #tpu.memory_space<vmem_shared>>, %arg15: memref<2x!tpu.dma_semaphore, #tpu.memory_space<semaphore_mem>>, %arg16: memref<2x!tpu.dma_semaphore, #tpu.memory_space<semaphore_mem>>) attributes {dimension_semantics = [#tpu.dimension_semantics<core_parallel>, #tpu.dimension_semantics<subcore_parallel>], iteration_bounds = array<i64: 2, 16>, scalar_prefetch = 0 : i64, scratch_operands = 8 : i64, tpu.core_type = #tpu.core_type<sc_vector_subcore>, window_params = [{transform_indices = #map}, {transform_indices = #map}, {transform_indices = #map}, {transform_indices = #map}, {transform_indices = #map}, {transform_indices = #map}, {transform_indices = #map}]} {
    %mul3A = arith.constant 2 : i32
    %mul3A_0 = arith.muli %arg1, %mul3A : i32
    %add3A = arith.addi %mul3A_0, %arg0 : i32
    %mul3A_1 = arith.constant 8192 : i32
    %mul3A_2 = arith.muli %add3A, %mul3A_1 : i32
    %eq3A = arith.constant 0 : i32
    %eq3A_3 = arith.cmpi eq, %arg1, %eq3A : i32
    %convert_element_type3A = arith.extui %eq3A_3 : i1 to i32
    %cond3A = arith.constant 0 : i32
    %cond3A_4 = arith.cmpi ne, %convert_element_type3A, %cond3A : i32
    scf.if %cond3A_4 {
      "tpu.region"() ({
        %run_scoped3A_442 = tpu.sem_alloc : memref<!tpu.dma_semaphore, #tpu.memory_space<semaphore_mem>>
        tpu.enqueue_dma source(%arg5 : memref<500x128xf32, #tpu.memory_space<hbm>>) target(%arg12 : memref<500x128xf32, #tpu.memory_space<vmem_shared>>) target_semaphore(%run_scoped3A_442 : memref<!tpu.dma_semaphore, #tpu.memory_space<semaphore_mem>>)
        tpu.wait_dma2 semaphore(%run_scoped3A_442 : memref<!tpu.dma_semaphore, #tpu.memory_space<semaphore_mem>>) src(%arg5 : memref<500x128xf32, #tpu.memory_space<hbm>>) dst(%arg12 : memref<500x128xf32, #tpu.memory_space<vmem_shared>>)
        tpu.yield
      }) : () -> ()
      "tpu.region"() ({
        %run_scoped3A_442 = tpu.sem_alloc : memref<!tpu.dma_semaphore, #tpu.memory_space<semaphore_mem>>
        tpu.enqueue_dma source(%arg6 : memref<500x128xf32, #tpu.memory_space<hbm>>) target(%arg13 : memref<500x128xf32, #tpu.memory_space<vmem_shared>>) target_semaphore(%run_scoped3A_442 : memref<!tpu.dma_semaphore, #tpu.memory_space<semaphore_mem>>)
        tpu.wait_dma2 semaphore(%run_scoped3A_442 : memref<!tpu.dma_semaphore, #tpu.memory_space<semaphore_mem>>) src(%arg6 : memref<500x128xf32, #tpu.memory_space<hbm>>) dst(%arg13 : memref<500x128xf32, #tpu.memory_space<vmem_shared>>)
        tpu.yield
      }) : () -> ()
      "tpu.region"() ({
        %run_scoped3A_442 = tpu.sem_alloc : memref<!tpu.dma_semaphore, #tpu.memory_space<semaphore_mem>>
        tpu.enqueue_dma source(%arg7 : memref<500x128xf32, #tpu.memory_space<hbm>>) target(%arg14 : memref<500x128xf32, #tpu.memory_space<vmem_shared>>) target_semaphore(%run_scoped3A_442 : memref<!tpu.dma_semaphore, #tpu.memory_space<semaphore_mem>>)
        tpu.wait_dma2 semaphore(%run_scoped3A_442 : memref<!tpu.dma_semaphore, #tpu.memory_space<semaphore_mem>>) src(%arg7 : memref<500x128xf32, #tpu.memory_space<hbm>>) dst(%arg14 : memref<500x128xf32, #tpu.memory_space<vmem_shared>>)
        tpu.yield
      }) : () -> ()
    } else {
    }
    %mul3A_5 = arith.constant 32 : i32
    %mul3A_6 = arith.muli %add3A, %mul3A_5 : i32
    %run_scoped3A = arith.constant 0 : i32
    "tpu.region"() ({
      %run_scoped3A_442 = tpu.sem_alloc : memref<!tpu.dma_semaphore, #tpu.memory_space<semaphore_mem>>
      %dma_start3A_443 = arith.constant 0 : i32
      %dma_start3A_444 = arith.constant 0 : i32
      %dma_start3A_445 = tpu.memref_slice %arg9[%run_scoped3A, %dma_start3A_443, %dma_start3A_444] : memref<3x32x128xi32, #tpu.memory_space<vmem>> -> memref<1x32x128xi32, #tpu.memory_space<vmem>>
      %dma_start3A_446 = tpu.memref_squeeze %dma_start3A_445 : memref<1x32x128xi32, #tpu.memory_space<vmem>> -> memref<32x128xi32, #tpu.memory_space<vmem>>
      %dma_start3A_447 = arith.constant 0 : i32
      %dma_start3A_448 = tpu.memref_slice %arg2[%mul3A_6, %dma_start3A_447] : memref<1024x128xi32, #tpu.memory_space<hbm>> -> memref<32x128xi32, #tpu.memory_space<hbm>>
      %dma_start3A_449 = arith.constant 0 : i32
      %dma_start3A_450 = arith.constant 0 : i32
      %dma_start3A_451 = tpu.memref_slice %arg9[%run_scoped3A, %dma_start3A_449, %dma_start3A_450] : memref<3x32x128xi32, #tpu.memory_space<vmem>> -> memref<1x32x128xi32, #tpu.memory_space<vmem>>
      %dma_start3A_452 = tpu.memref_squeeze %dma_start3A_451 : memref<1x32x128xi32, #tpu.memory_space<vmem>> -> memref<32x128xi32, #tpu.memory_space<vmem>>
      %dma_start3A_453 = arith.constant 0 : i32
      %dma_start3A_454 = tpu.memref_slice %arg2[%mul3A_6, %dma_start3A_453] : memref<1024x128xi32, #tpu.memory_space<hbm>> -> memref<32x128xi32, #tpu.memory_space<hbm>>
      tpu.enqueue_dma source(%dma_start3A_454 : memref<32x128xi32, #tpu.memory_space<hbm>>) target(%dma_start3A_452 : memref<32x128xi32, #tpu.memory_space<vmem>>) target_semaphore(%run_scoped3A_442 : memref<!tpu.dma_semaphore, #tpu.memory_space<semaphore_mem>>)
      %dma_wait3A_455 = arith.constant 0 : i32
      %dma_wait3A_456 = arith.constant 0 : i32
      %dma_wait3A_457 = tpu.memref_slice %arg9[%run_scoped3A, %dma_wait3A_455, %dma_wait3A_456] : memref<3x32x128xi32, #tpu.memory_space<vmem>> -> memref<1x32x128xi32, #tpu.memory_space<vmem>>
      %dma_wait3A_458 = tpu.memref_squeeze %dma_wait3A_457 : memref<1x32x128xi32, #tpu.memory_space<vmem>> -> memref<32x128xi32, #tpu.memory_space<vmem>>
      %dma_wait3A_459 = arith.constant 0 : i32
      %dma_wait3A_460 = tpu.memref_slice %arg2[%mul3A_6, %dma_wait3A_459] : memref<1024x128xi32, #tpu.memory_space<hbm>> -> memref<32x128xi32, #tpu.memory_space<hbm>>
      %dma_wait3A_461 = arith.constant 0 : i32
      %dma_wait3A_462 = arith.constant 0 : i32
      %dma_wait3A_463 = tpu.memref_slice %arg9[%run_scoped3A, %dma_wait3A_461, %dma_wait3A_462] : memref<3x32x128xi32, #tpu.memory_space<vmem>> -> memref<1x32x128xi32, #tpu.memory_space<vmem>>
      %dma_wait3A_464 = tpu.memref_squeeze %dma_wait3A_463 : memref<1x32x128xi32, #tpu.memory_space<vmem>> -> memref<32x128xi32, #tpu.memory_space<vmem>>
      %dma_wait3A_465 = arith.constant 0 : i32
      %dma_wait3A_466 = tpu.memref_slice %arg2[%mul3A_6, %dma_wait3A_465] : memref<1024x128xi32, #tpu.memory_space<hbm>> -> memref<32x128xi32, #tpu.memory_space<hbm>>
      tpu.wait_dma2 semaphore(%run_scoped3A_442 : memref<!tpu.dma_semaphore, #tpu.memory_space<semaphore_mem>>) src(%dma_wait3A_466 : memref<32x128xi32, #tpu.memory_space<hbm>>) dst(%dma_wait3A_464 : memref<32x128xi32, #tpu.memory_space<vmem>>)
      tpu.yield
    }) : () -> ()
    %mul3A_7 = arith.constant 32 : i32
    %mul3A_8 = arith.muli %add3A, %mul3A_7 : i32
    %run_scoped3A_9 = arith.constant 1 : i32
    "tpu.region"() ({
      %run_scoped3A_442 = tpu.sem_alloc : memref<!tpu.dma_semaphore, #tpu.memory_space<semaphore_mem>>
      %dma_start3A_443 = arith.constant 0 : i32
      %dma_start3A_444 = arith.constant 0 : i32
      %dma_start3A_445 = tpu.memref_slice %arg9[%run_scoped3A_9, %dma_start3A_443, %dma_start3A_444] : memref<3x32x128xi32, #tpu.memory_space<vmem>> -> memref<1x32x128xi32, #tpu.memory_space<vmem>>
      %dma_start3A_446 = tpu.memref_squeeze %dma_start3A_445 : memref<1x32x128xi32, #tpu.memory_space<vmem>> -> memref<32x128xi32, #tpu.memory_space<vmem>>
      %dma_start3A_447 = arith.constant 0 : i32
      %dma_start3A_448 = tpu.memref_slice %arg3[%mul3A_8, %dma_start3A_447] : memref<1024x128xi32, #tpu.memory_space<hbm>> -> memref<32x128xi32, #tpu.memory_space<hbm>>
      %dma_start3A_449 = arith.constant 0 : i32
      %dma_start3A_450 = arith.constant 0 : i32
      %dma_start3A_451 = tpu.memref_slice %arg9[%run_scoped3A_9, %dma_start3A_449, %dma_start3A_450] : memref<3x32x128xi32, #tpu.memory_space<vmem>> -> memref<1x32x128xi32, #tpu.memory_space<vmem>>
      %dma_start3A_452 = tpu.memref_squeeze %dma_start3A_451 : memref<1x32x128xi32, #tpu.memory_space<vmem>> -> memref<32x128xi32, #tpu.memory_space<vmem>>
      %dma_start3A_453 = arith.constant 0 : i32
      %dma_start3A_454 = tpu.memref_slice %arg3[%mul3A_8, %dma_start3A_453] : memref<1024x128xi32, #tpu.memory_space<hbm>> -> memref<32x128xi32, #tpu.memory_space<hbm>>
      tpu.enqueue_dma source(%dma_start3A_454 : memref<32x128xi32, #tpu.memory_space<hbm>>) target(%dma_start3A_452 : memref<32x128xi32, #tpu.memory_space<vmem>>) target_semaphore(%run_scoped3A_442 : memref<!tpu.dma_semaphore, #tpu.memory_space<semaphore_mem>>)
      %dma_wait3A_455 = arith.constant 0 : i32
      %dma_wait3A_456 = arith.constant 0 : i32
      %dma_wait3A_457 = tpu.memref_slice %arg9[%run_scoped3A_9, %dma_wait3A_455, %dma_wait3A_456] : memref<3x32x128xi32, #tpu.memory_space<vmem>> -> memref<1x32x128xi32, #tpu.memory_space<vmem>>
      %dma_wait3A_458 = tpu.memref_squeeze %dma_wait3A_457 : memref<1x32x128xi32, #tpu.memory_space<vmem>> -> memref<32x128xi32, #tpu.memory_space<vmem>>
      %dma_wait3A_459 = arith.constant 0 : i32
      %dma_wait3A_460 = tpu.memref_slice %arg3[%mul3A_8, %dma_wait3A_459] : memref<1024x128xi32, #tpu.memory_space<hbm>> -> memref<32x128xi32, #tpu.memory_space<hbm>>
      %dma_wait3A_461 = arith.constant 0 : i32
      %dma_wait3A_462 = arith.constant 0 : i32
      %dma_wait3A_463 = tpu.memref_slice %arg9[%run_scoped3A_9, %dma_wait3A_461, %dma_wait3A_462] : memref<3x32x128xi32, #tpu.memory_space<vmem>> -> memref<1x32x128xi32, #tpu.memory_space<vmem>>
      %dma_wait3A_464 = tpu.memref_squeeze %dma_wait3A_463 : memref<1x32x128xi32, #tpu.memory_space<vmem>> -> memref<32x128xi32, #tpu.memory_space<vmem>>
      %dma_wait3A_465 = arith.constant 0 : i32
      %dma_wait3A_466 = tpu.memref_slice %arg3[%mul3A_8, %dma_wait3A_465] : memref<1024x128xi32, #tpu.memory_space<hbm>> -> memref<32x128xi32, #tpu.memory_space<hbm>>
      tpu.wait_dma2 semaphore(%run_scoped3A_442 : memref<!tpu.dma_semaphore, #tpu.memory_space<semaphore_mem>>) src(%dma_wait3A_466 : memref<32x128xi32, #tpu.memory_space<hbm>>) dst(%dma_wait3A_464 : memref<32x128xi32, #tpu.memory_space<vmem>>)
      tpu.yield
    }) : () -> ()
    %mul3A_10 = arith.constant 32 : i32
    %mul3A_11 = arith.muli %add3A, %mul3A_10 : i32
    %run_scoped3A_12 = arith.constant 2 : i32
    "tpu.region"() ({
      %run_scoped3A_442 = tpu.sem_alloc : memref<!tpu.dma_semaphore, #tpu.memory_space<semaphore_mem>>
      %dma_start3A_443 = arith.constant 0 : i32
      %dma_start3A_444 = arith.constant 0 : i32
      %dma_start3A_445 = tpu.memref_slice %arg9[%run_scoped3A_12, %dma_start3A_443, %dma_start3A_444] : memref<3x32x128xi32, #tpu.memory_space<vmem>> -> memref<1x32x128xi32, #tpu.memory_space<vmem>>
      %dma_start3A_446 = tpu.memref_squeeze %dma_start3A_445 : memref<1x32x128xi32, #tpu.memory_space<vmem>> -> memref<32x128xi32, #tpu.memory_space<vmem>>
      %dma_start3A_447 = arith.constant 0 : i32
      %dma_start3A_448 = tpu.memref_slice %arg4[%mul3A_11, %dma_start3A_447] : memref<1024x128xi32, #tpu.memory_space<hbm>> -> memref<32x128xi32, #tpu.memory_space<hbm>>
      %dma_start3A_449 = arith.constant 0 : i32
      %dma_start3A_450 = arith.constant 0 : i32
      %dma_start3A_451 = tpu.memref_slice %arg9[%run_scoped3A_12, %dma_start3A_449, %dma_start3A_450] : memref<3x32x128xi32, #tpu.memory_space<vmem>> -> memref<1x32x128xi32, #tpu.memory_space<vmem>>
      %dma_start3A_452 = tpu.memref_squeeze %dma_start3A_451 : memref<1x32x128xi32, #tpu.memory_space<vmem>> -> memref<32x128xi32, #tpu.memory_space<vmem>>
      %dma_start3A_453 = arith.constant 0 : i32
      %dma_start3A_454 = tpu.memref_slice %arg4[%mul3A_11, %dma_start3A_453] : memref<1024x128xi32, #tpu.memory_space<hbm>> -> memref<32x128xi32, #tpu.memory_space<hbm>>
      tpu.enqueue_dma source(%dma_start3A_454 : memref<32x128xi32, #tpu.memory_space<hbm>>) target(%dma_start3A_452 : memref<32x128xi32, #tpu.memory_space<vmem>>) target_semaphore(%run_scoped3A_442 : memref<!tpu.dma_semaphore, #tpu.memory_space<semaphore_mem>>)
      %dma_wait3A_455 = arith.constant 0 : i32
      %dma_wait3A_456 = arith.constant 0 : i32
      %dma_wait3A_457 = tpu.memref_slice %arg9[%run_scoped3A_12, %dma_wait3A_455, %dma_wait3A_456] : memref<3x32x128xi32, #tpu.memory_space<vmem>> -> memref<1x32x128xi32, #tpu.memory_space<vmem>>
      %dma_wait3A_458 = tpu.memref_squeeze %dma_wait3A_457 : memref<1x32x128xi32, #tpu.memory_space<vmem>> -> memref<32x128xi32, #tpu.memory_space<vmem>>
      %dma_wait3A_459 = arith.constant 0 : i32
      %dma_wait3A_460 = tpu.memref_slice %arg4[%mul3A_11, %dma_wait3A_459] : memref<1024x128xi32, #tpu.memory_space<hbm>> -> memref<32x128xi32, #tpu.memory_space<hbm>>
      %dma_wait3A_461 = arith.constant 0 : i32
      %dma_wait3A_462 = arith.constant 0 : i32
      %dma_wait3A_463 = tpu.memref_slice %arg9[%run_scoped3A_12, %dma_wait3A_461, %dma_wait3A_462] : memref<3x32x128xi32, #tpu.memory_space<vmem>> -> memref<1x32x128xi32, #tpu.memory_space<vmem>>
      %dma_wait3A_464 = tpu.memref_squeeze %dma_wait3A_463 : memref<1x32x128xi32, #tpu.memory_space<vmem>> -> memref<32x128xi32, #tpu.memory_space<vmem>>
      %dma_wait3A_465 = arith.constant 0 : i32
      %dma_wait3A_466 = tpu.memref_slice %arg4[%mul3A_11, %dma_wait3A_465] : memref<1024x128xi32, #tpu.memory_space<hbm>> -> memref<32x128xi32, #tpu.memory_space<hbm>>
      tpu.wait_dma2 semaphore(%run_scoped3A_442 : memref<!tpu.dma_semaphore, #tpu.memory_space<semaphore_mem>>) src(%dma_wait3A_466 : memref<32x128xi32, #tpu.memory_space<hbm>>) dst(%dma_wait3A_464 : memref<32x128xi32, #tpu.memory_space<vmem>>)
      tpu.yield
    }) : () -> ()
    %barrier3A = arith.constant 0 : index
    tpu.barrier barrier_id(%barrier3A)
    %shift_right_logical3A = arith.constant 0 : i32
    %shift_right_logical3A_13 = arith.constant 1 : i32
    %shift_right_logical3A_14 = arith.shrui %shift_right_logical3A, %shift_right_logical3A_13 : i32
    %and3A = arith.constant 0 : i32
    %and3A_15 = arith.constant 1 : i32
    %and3A_16 = arith.andi %and3A, %and3A_15 : i32
    %mul3A_17 = arith.constant 64 : i32
    %mul3A_18 = arith.muli %and3A_16, %mul3A_17 : i32
    %broadcast_in_dim3A = arith.constant 65535 : i32
    %broadcast_in_dim3A_19 = vector.broadcast %broadcast_in_dim3A : i32 to vector<16xi32>
    %add3A_20 = arith.constant 0 : i32
    %add3A_21 = arith.addi %mul3A_18, %add3A_20 : i32
    %get3A = arith.constant 0 : i32
    %get3A_22 = arith.index_cast %get3A : i32 to index
    %get3A_23 = arith.index_cast %shift_right_logical3A_14 : i32 to index
    %get3A_24 = arith.index_cast %add3A_21 : i32 to index
    %get3A_25 = tpu.vector_load %arg9[%get3A_22, %get3A_23, %get3A_24] {strides = array<i32>} : memref<3x32x128xi32, #tpu.memory_space<vmem>>, vector<1x1x16xi32>,
    %get3A_26 = vector.shape_cast %get3A_25 : vector<1x1x16xi32> to vector<16xi32>
    %and3A_27 = arith.andi %get3A_26, %broadcast_in_dim3A_19 : vector<16xi32>
    %swap3A = arith.constant 0 : i32
    %swap3A_28 = arith.constant 0 : i32
    %swap3A_29 = arith.index_cast %swap3A : i32 to index
    %swap3A_30 = arith.index_cast %swap3A_28 : i32 to index
    %swap3A_31 = arith.constant 0 : index
    %swap3A_32 = tpu.vector_load %arg10[%swap3A_29, %swap3A_30, %swap3A_31] {strides = array<i32>} : memref<2x3x128xi32, #tpu.memory_space<vmem>>, vector<1x1x16xi32>,
    %swap3A_33 = vector.shape_cast %swap3A_32 : vector<1x1x16xi32> to vector<16xi32>
    %swap3A_34 = vector.shape_cast %and3A_27 : vector<16xi32> to vector<1x1x16xi32>
    tpu.vector_store %arg10[%swap3A_29, %swap3A_30, %swap3A_31], %swap3A_34 {strides = array<i32>} : memref<2x3x128xi32, #tpu.memory_space<vmem>>, vector<1x1x16xi32>,
    %shift_right_logical3A_35 = arith.constant 16 : i32
    %shift_right_logical3A_36 = vector.broadcast %shift_right_logical3A_35 : i32 to vector<16xi32>
    %shift_right_logical3A_37 = arith.shrui %get3A_26, %shift_right_logical3A_36 : vector<16xi32>
    %swap3A_38 = arith.constant 0 : i32
    %swap3A_39 = arith.constant 0 : i32
    %swap3A_40 = arith.index_cast %swap3A_38 : i32 to index
    %swap3A_41 = arith.index_cast %swap3A_39 : i32 to index
    %swap3A_42 = arith.constant 64 : index
    %swap3A_43 = tpu.vector_load %arg10[%swap3A_40, %swap3A_41, %swap3A_42] {strides = array<i32>} : memref<2x3x128xi32, #tpu.memory_space<vmem>>, vector<1x1x16xi32>,
    %swap3A_44 = vector.shape_cast %swap3A_43 : vector<1x1x16xi32> to vector<16xi32>
    %swap3A_45 = vector.shape_cast %shift_right_logical3A_37 : vector<16xi32> to vector<1x1x16xi32>
    tpu.vector_store %arg10[%swap3A_40, %swap3A_41, %swap3A_42], %swap3A_45 {strides = array<i32>} : memref<2x3x128xi32, #tpu.memory_space<vmem>>, vector<1x1x16xi32>,
    %add3A_46 = arith.constant 16 : i32
    %add3A_47 = arith.addi %mul3A_18, %add3A_46 : i32
    %get3A_48 = arith.constant 0 : i32
    %get3A_49 = arith.index_cast %get3A_48 : i32 to index
    %get3A_50 = arith.index_cast %shift_right_logical3A_14 : i32 to index
    %get3A_51 = arith.index_cast %add3A_47 : i32 to index
    %get3A_52 = tpu.vector_load %arg9[%get3A_49, %get3A_50, %get3A_51] {strides = array<i32>} : memref<3x32x128xi32, #tpu.memory_space<vmem>>, vector<1x1x16xi32>,
    %get3A_53 = vector.shape_cast %get3A_52 : vector<1x1x16xi32> to vector<16xi32>
    %and3A_54 = arith.andi %get3A_53, %broadcast_in_dim3A_19 : vector<16xi32>
    %swap3A_55 = arith.constant 0 : i32
    %swap3A_56 = arith.constant 0 : i32
    %swap3A_57 = arith.index_cast %swap3A_55 : i32 to index
    %swap3A_58 = arith.index_cast %swap3A_56 : i32 to index
    %swap3A_59 = arith.constant 16 : index
    %swap3A_60 = tpu.vector_load %arg10[%swap3A_57, %swap3A_58, %swap3A_59] {strides = array<i32>} : memref<2x3x128xi32, #tpu.memory_space<vmem>>, vector<1x1x16xi32>,
    %swap3A_61 = vector.shape_cast %swap3A_60 : vector<1x1x16xi32> to vector<16xi32>
    %swap3A_62 = vector.shape_cast %and3A_54 : vector<16xi32> to vector<1x1x16xi32>
    tpu.vector_store %arg10[%swap3A_57, %swap3A_58, %swap3A_59], %swap3A_62 {strides = array<i32>} : memref<2x3x128xi32, #tpu.memory_space<vmem>>, vector<1x1x16xi32>,
    %shift_right_logical3A_63 = arith.constant 16 : i32
    %shift_right_logical3A_64 = vector.broadcast %shift_right_logical3A_63 : i32 to vector<16xi32>
    %shift_right_logical3A_65 = arith.shrui %get3A_53, %shift_right_logical3A_64 : vector<16xi32>
    %swap3A_66 = arith.constant 0 : i32
    %swap3A_67 = arith.constant 0 : i32
    %swap3A_68 = arith.index_cast %swap3A_66 : i32 to index
    %swap3A_69 = arith.index_cast %swap3A_67 : i32 to index
    %swap3A_70 = arith.constant 80 : index
    %swap3A_71 = tpu.vector_load %arg10[%swap3A_68, %swap3A_69, %swap3A_70] {strides = array<i32>} : memref<2x3x128xi32, #tpu.memory_space<vmem>>, vector<1x1x16xi32>,
    %swap3A_72 = vector.shape_cast %swap3A_71 : vector<1x1x16xi32> to vector<16xi32>
    %swap3A_73 = vector.shape_cast %shift_right_logical3A_65 : vector<16xi32> to vector<1x1x16xi32>
    tpu.vector_store %arg10[%swap3A_68, %swap3A_69, %swap3A_70], %swap3A_73 {strides = array<i32>} : memref<2x3x128xi32, #tpu.memory_space<vmem>>, vector<1x1x16xi32>,
    %add3A_74 = arith.constant 32 : i32
    %add3A_75 = arith.addi %mul3A_18, %add3A_74 : i32
    %get3A_76 = arith.constant 0 : i32
    %get3A_77 = arith.index_cast %get3A_76 : i32 to index
    %get3A_78 = arith.index_cast %shift_right_logical3A_14 : i32 to index
    %get3A_79 = arith.index_cast %add3A_75 : i32 to index
    %get3A_80 = tpu.vector_load %arg9[%get3A_77, %get3A_78, %get3A_79] {strides = array<i32>} : memref<3x32x128xi32, #tpu.memory_space<vmem>>, vector<1x1x16xi32>,
    %get3A_81 = vector.shape_cast %get3A_80 : vector<1x1x16xi32> to vector<16xi32>
    %and3A_82 = arith.andi %get3A_81, %broadcast_in_dim3A_19 : vector<16xi32>
    %swap3A_83 = arith.constant 0 : i32
    %swap3A_84 = arith.constant 0 : i32
    %swap3A_85 = arith.index_cast %swap3A_83 : i32 to index
    %swap3A_86 = arith.index_cast %swap3A_84 : i32 to index
    %swap3A_87 = arith.constant 32 : index
    %swap3A_88 = tpu.vector_load %arg10[%swap3A_85, %swap3A_86, %swap3A_87] {strides = array<i32>} : memref<2x3x128xi32, #tpu.memory_space<vmem>>, vector<1x1x16xi32>,
    %swap3A_89 = vector.shape_cast %swap3A_88 : vector<1x1x16xi32> to vector<16xi32>
    %swap3A_90 = vector.shape_cast %and3A_82 : vector<16xi32> to vector<1x1x16xi32>
    tpu.vector_store %arg10[%swap3A_85, %swap3A_86, %swap3A_87], %swap3A_90 {strides = array<i32>} : memref<2x3x128xi32, #tpu.memory_space<vmem>>, vector<1x1x16xi32>,
    %shift_right_logical3A_91 = arith.constant 16 : i32
    %shift_right_logical3A_92 = vector.broadcast %shift_right_logical3A_91 : i32 to vector<16xi32>
    %shift_right_logical3A_93 = arith.shrui %get3A_81, %shift_right_logical3A_92 : vector<16xi32>
    %swap3A_94 = arith.constant 0 : i32
    %swap3A_95 = arith.constant 0 : i32
    %swap3A_96 = arith.index_cast %swap3A_94 : i32 to index
    %swap3A_97 = arith.index_cast %swap3A_95 : i32 to index
    %swap3A_98 = arith.constant 96 : index
    %swap3A_99 = tpu.vector_load %arg10[%swap3A_96, %swap3A_97, %swap3A_98] {strides = array<i32>} : memref<2x3x128xi32, #tpu.memory_space<vmem>>, vector<1x1x16xi32>,
    %swap3A_100 = vector.shape_cast %swap3A_99 : vector<1x1x16xi32> to vector<16xi32>
    %swap3A_101 = vector.shape_cast %shift_right_logical3A_93 : vector<16xi32> to vector<1x1x16xi32>
    tpu.vector_store %arg10[%swap3A_96, %swap3A_97, %swap3A_98], %swap3A_101 {strides = array<i32>} : memref<2x3x128xi32, #tpu.memory_space<vmem>>, vector<1x1x16xi32>,
    %add3A_102 = arith.constant 48 : i32
    %add3A_103 = arith.addi %mul3A_18, %add3A_102 : i32
    %get3A_104 = arith.constant 0 : i32
    %get3A_105 = arith.index_cast %get3A_104 : i32 to index
    %get3A_106 = arith.index_cast %shift_right_logical3A_14 : i32 to index
    %get3A_107 = arith.index_cast %add3A_103 : i32 to index
    %get3A_108 = tpu.vector_load %arg9[%get3A_105, %get3A_106, %get3A_107] {strides = array<i32>} : memref<3x32x128xi32, #tpu.memory_space<vmem>>, vector<1x1x16xi32>,
    %get3A_109 = vector.shape_cast %get3A_108 : vector<1x1x16xi32> to vector<16xi32>
    %and3A_110 = arith.andi %get3A_109, %broadcast_in_dim3A_19 : vector<16xi32>
    %swap3A_111 = arith.constant 0 : i32
    %swap3A_112 = arith.constant 0 : i32
    %swap3A_113 = arith.index_cast %swap3A_111 : i32 to index
    %swap3A_114 = arith.index_cast %swap3A_112 : i32 to index
    %swap3A_115 = arith.constant 48 : index
    %swap3A_116 = tpu.vector_load %arg10[%swap3A_113, %swap3A_114, %swap3A_115] {strides = array<i32>} : memref<2x3x128xi32, #tpu.memory_space<vmem>>, vector<1x1x16xi32>,
    %swap3A_117 = vector.shape_cast %swap3A_116 : vector<1x1x16xi32> to vector<16xi32>
    %swap3A_118 = vector.shape_cast %and3A_110 : vector<16xi32> to vector<1x1x16xi32>
    tpu.vector_store %arg10[%swap3A_113, %swap3A_114, %swap3A_115], %swap3A_118 {strides = array<i32>} : memref<2x3x128xi32, #tpu.memory_space<vmem>>, vector<1x1x16xi32>,
    %shift_right_logical3A_119 = arith.constant 16 : i32
    %shift_right_logical3A_120 = vector.broadcast %shift_right_logical3A_119 : i32 to vector<16xi32>
    %shift_right_logical3A_121 = arith.shrui %get3A_109, %shift_right_logical3A_120 : vector<16xi32>
    %swap3A_122 = arith.constant 0 : i32
    %swap3A_123 = arith.constant 0 : i32
    %swap3A_124 = arith.index_cast %swap3A_122 : i32 to index
    %swap3A_125 = arith.index_cast %swap3A_123 : i32 to index
    %swap3A_126 = arith.constant 112 : index
    %swap3A_127 = tpu.vector_load %arg10[%swap3A_124, %swap3A_125, %swap3A_126] {strides = array<i32>} : memref<2x3x128xi32, #tpu.memory_space<vmem>>, vector<1x1x16xi32>,
    %swap3A_128 = vector.shape_cast %swap3A_127 : vector<1x1x16xi32> to vector<16xi32>
    %swap3A_129 = vector.shape_cast %shift_right_logical3A_121 : vector<16xi32> to vector<1x1x16xi32>
    tpu.vector_store %arg10[%swap3A_124, %swap3A_125, %swap3A_126], %swap3A_129 {strides = array<i32>} : memref<2x3x128xi32, #tpu.memory_space<vmem>>, vector<1x1x16xi32>,
    %add3A_130 = arith.constant 0 : i32
    %add3A_131 = arith.addi %mul3A_18, %add3A_130 : i32
    %get3A_132 = arith.constant 1 : i32
    %get3A_133 = arith.index_cast %get3A_132 : i32 to index
    %get3A_134 = arith.index_cast %shift_right_logical3A_14 : i32 to index
    %get3A_135 = arith.index_cast %add3A_131 : i32 to index
    %get3A_136 = tpu.vector_load %arg9[%get3A_133, %get3A_134, %get3A_135] {strides = array<i32>} : memref<3x32x128xi32, #tpu.memory_space<vmem>>, vector<1x1x16xi32>,
    %get3A_137 = vector.shape_cast %get3A_136 : vector<1x1x16xi32> to vector<16xi32>
    %and3A_138 = arith.andi %get3A_137, %broadcast_in_dim3A_19 : vector<16xi32>
    %swap3A_139 = arith.constant 0 : i32
    %swap3A_140 = arith.constant 1 : i32
    %swap3A_141 = arith.index_cast %swap3A_139 : i32 to index
    %swap3A_142 = arith.index_cast %swap3A_140 : i32 to index
    %swap3A_143 = arith.constant 0 : index
    %swap3A_144 = tpu.vector_load %arg10[%swap3A_141, %swap3A_142, %swap3A_143] {strides = array<i32>} : memref<2x3x128xi32, #tpu.memory_space<vmem>>, vector<1x1x16xi32>,
    %swap3A_145 = vector.shape_cast %swap3A_144 : vector<1x1x16xi32> to vector<16xi32>
    %swap3A_146 = vector.shape_cast %and3A_138 : vector<16xi32> to vector<1x1x16xi32>
    tpu.vector_store %arg10[%swap3A_141, %swap3A_142, %swap3A_143], %swap3A_146 {strides = array<i32>} : memref<2x3x128xi32, #tpu.memory_space<vmem>>, vector<1x1x16xi32>,
    %shift_right_logical3A_147 = arith.constant 16 : i32
    %shift_right_logical3A_148 = vector.broadcast %shift_right_logical3A_147 : i32 to vector<16xi32>
    %shift_right_logical3A_149 = arith.shrui %get3A_137, %shift_right_logical3A_148 : vector<16xi32>
    %swap3A_150 = arith.constant 0 : i32
    %swap3A_151 = arith.constant 1 : i32
    %swap3A_152 = arith.index_cast %swap3A_150 : i32 to index
    %swap3A_153 = arith.index_cast %swap3A_151 : i32 to index
    %swap3A_154 = arith.constant 64 : index
    %swap3A_155 = tpu.vector_load %arg10[%swap3A_152, %swap3A_153, %swap3A_154] {strides = array<i32>} : memref<2x3x128xi32, #tpu.memory_space<vmem>>, vector<1x1x16xi32>,
    %swap3A_156 = vector.shape_cast %swap3A_155 : vector<1x1x16xi32> to vector<16xi32>
    %swap3A_157 = vector.shape_cast %shift_right_logical3A_149 : vector<16xi32> to vector<1x1x16xi32>
    tpu.vector_store %arg10[%swap3A_152, %swap3A_153, %swap3A_154], %swap3A_157 {strides = array<i32>} : memref<2x3x128xi32, #tpu.memory_space<vmem>>, vector<1x1x16xi32>,
    %add3A_158 = arith.constant 16 : i32
    %add3A_159 = arith.addi %mul3A_18, %add3A_158 : i32
    %get3A_160 = arith.constant 1 : i32
    %get3A_161 = arith.index_cast %get3A_160 : i32 to index
    %get3A_162 = arith.index_cast %shift_right_logical3A_14 : i32 to index
    %get3A_163 = arith.index_cast %add3A_159 : i32 to index
    %get3A_164 = tpu.vector_load %arg9[%get3A_161, %get3A_162, %get3A_163] {strides = array<i32>} : memref<3x32x128xi32, #tpu.memory_space<vmem>>, vector<1x1x16xi32>,
    %get3A_165 = vector.shape_cast %get3A_164 : vector<1x1x16xi32> to vector<16xi32>
    %and3A_166 = arith.andi %get3A_165, %broadcast_in_dim3A_19 : vector<16xi32>
    %swap3A_167 = arith.constant 0 : i32
    %swap3A_168 = arith.constant 1 : i32
    %swap3A_169 = arith.index_cast %swap3A_167 : i32 to index
    %swap3A_170 = arith.index_cast %swap3A_168 : i32 to index
    %swap3A_171 = arith.constant 16 : index
    %swap3A_172 = tpu.vector_load %arg10[%swap3A_169, %swap3A_170, %swap3A_171] {strides = array<i32>} : memref<2x3x128xi32, #tpu.memory_space<vmem>>, vector<1x1x16xi32>,
    %swap3A_173 = vector.shape_cast %swap3A_172 : vector<1x1x16xi32> to vector<16xi32>
    %swap3A_174 = vector.shape_cast %and3A_166 : vector<16xi32> to vector<1x1x16xi32>
    tpu.vector_store %arg10[%swap3A_169, %swap3A_170, %swap3A_171], %swap3A_174 {strides = array<i32>} : memref<2x3x128xi32, #tpu.memory_space<vmem>>, vector<1x1x16xi32>,
    %shift_right_logical3A_175 = arith.constant 16 : i32
    %shift_right_logical3A_176 = vector.broadcast %shift_right_logical3A_175 : i32 to vector<16xi32>
    %shift_right_logical3A_177 = arith.shrui %get3A_165, %shift_right_logical3A_176 : vector<16xi32>
    %swap3A_178 = arith.constant 0 : i32
    %swap3A_179 = arith.constant 1 : i32
    %swap3A_180 = arith.index_cast %swap3A_178 : i32 to index
    %swap3A_181 = arith.index_cast %swap3A_179 : i32 to index
    %swap3A_182 = arith.constant 80 : index
    %swap3A_183 = tpu.vector_load %arg10[%swap3A_180, %swap3A_181, %swap3A_182] {strides = array<i32>} : memref<2x3x128xi32, #tpu.memory_space<vmem>>, vector<1x1x16xi32>,
    %swap3A_184 = vector.shape_cast %swap3A_183 : vector<1x1x16xi32> to vector<16xi32>
    %swap3A_185 = vector.shape_cast %shift_right_logical3A_177 : vector<16xi32> to vector<1x1x16xi32>
    tpu.vector_store %arg10[%swap3A_180, %swap3A_181, %swap3A_182], %swap3A_185 {strides = array<i32>} : memref<2x3x128xi32, #tpu.memory_space<vmem>>, vector<1x1x16xi32>,
    %add3A_186 = arith.constant 32 : i32
    %add3A_187 = arith.addi %mul3A_18, %add3A_186 : i32
    %get3A_188 = arith.constant 1 : i32
    %get3A_189 = arith.index_cast %get3A_188 : i32 to index
    %get3A_190 = arith.index_cast %shift_right_logical3A_14 : i32 to index
    %get3A_191 = arith.index_cast %add3A_187 : i32 to index
    %get3A_192 = tpu.vector_load %arg9[%get3A_189, %get3A_190, %get3A_191] {strides = array<i32>} : memref<3x32x128xi32, #tpu.memory_space<vmem>>, vector<1x1x16xi32>,
    %get3A_193 = vector.shape_cast %get3A_192 : vector<1x1x16xi32> to vector<16xi32>
    %and3A_194 = arith.andi %get3A_193, %broadcast_in_dim3A_19 : vector<16xi32>
    %swap3A_195 = arith.constant 0 : i32
    %swap3A_196 = arith.constant 1 : i32
    %swap3A_197 = arith.index_cast %swap3A_195 : i32 to index
    %swap3A_198 = arith.index_cast %swap3A_196 : i32 to index
    %swap3A_199 = arith.constant 32 : index
    %swap3A_200 = tpu.vector_load %arg10[%swap3A_197, %swap3A_198, %swap3A_199] {strides = array<i32>} : memref<2x3x128xi32, #tpu.memory_space<vmem>>, vector<1x1x16xi32>,
    %swap3A_201 = vector.shape_cast %swap3A_200 : vector<1x1x16xi32> to vector<16xi32>
    %swap3A_202 = vector.shape_cast %and3A_194 : vector<16xi32> to vector<1x1x16xi32>
    tpu.vector_store %arg10[%swap3A_197, %swap3A_198, %swap3A_199], %swap3A_202 {strides = array<i32>} : memref<2x3x128xi32, #tpu.memory_space<vmem>>, vector<1x1x16xi32>,
    %shift_right_logical3A_203 = arith.constant 16 : i32
    %shift_right_logical3A_204 = vector.broadcast %shift_right_logical3A_203 : i32 to vector<16xi32>
    %shift_right_logical3A_205 = arith.shrui %get3A_193, %shift_right_logical3A_204 : vector<16xi32>
    %swap3A_206 = arith.constant 0 : i32
    %swap3A_207 = arith.constant 1 : i32
    %swap3A_208 = arith.index_cast %swap3A_206 : i32 to index
    %swap3A_209 = arith.index_cast %swap3A_207 : i32 to index
    %swap3A_210 = arith.constant 96 : index
    %swap3A_211 = tpu.vector_load %arg10[%swap3A_208, %swap3A_209, %swap3A_210] {strides = array<i32>} : memref<2x3x128xi32, #tpu.memory_space<vmem>>, vector<1x1x16xi32>,
    %swap3A_212 = vector.shape_cast %swap3A_211 : vector<1x1x16xi32> to vector<16xi32>
    %swap3A_213 = vector.shape_cast %shift_right_logical3A_205 : vector<16xi32> to vector<1x1x16xi32>
    tpu.vector_store %arg10[%swap3A_208, %swap3A_209, %swap3A_210], %swap3A_213 {strides = array<i32>} : memref<2x3x128xi32, #tpu.memory_space<vmem>>, vector<1x1x16xi32>,
    %add3A_214 = arith.constant 48 : i32
    %add3A_215 = arith.addi %mul3A_18, %add3A_214 : i32
    %get3A_216 = arith.constant 1 : i32
    %get3A_217 = arith.index_cast %get3A_216 : i32 to index
    %get3A_218 = arith.index_cast %shift_right_logical3A_14 : i32 to index
    %get3A_219 = arith.index_cast %add3A_215 : i32 to index
    %get3A_220 = tpu.vector_load %arg9[%get3A_217, %get3A_218, %get3A_219] {strides = array<i32>} : memref<3x32x128xi32, #tpu.memory_space<vmem>>, vector<1x1x16xi32>,
    %get3A_221 = vector.shape_cast %get3A_220 : vector<1x1x16xi32> to vector<16xi32>
    %and3A_222 = arith.andi %get3A_221, %broadcast_in_dim3A_19 : vector<16xi32>
    %swap3A_223 = arith.constant 0 : i32
    %swap3A_224 = arith.constant 1 : i32
    %swap3A_225 = arith.index_cast %swap3A_223 : i32 to index
    %swap3A_226 = arith.index_cast %swap3A_224 : i32 to index
    %swap3A_227 = arith.constant 48 : index
    %swap3A_228 = tpu.vector_load %arg10[%swap3A_225, %swap3A_226, %swap3A_227] {strides = array<i32>} : memref<2x3x128xi32, #tpu.memory_space<vmem>>, vector<1x1x16xi32>,
    %swap3A_229 = vector.shape_cast %swap3A_228 : vector<1x1x16xi32> to vector<16xi32>
    %swap3A_230 = vector.shape_cast %and3A_222 : vector<16xi32> to vector<1x1x16xi32>
    tpu.vector_store %arg10[%swap3A_225, %swap3A_226, %swap3A_227], %swap3A_230 {strides = array<i32>} : memref<2x3x128xi32, #tpu.memory_space<vmem>>, vector<1x1x16xi32>,
    %shift_right_logical3A_231 = arith.constant 16 : i32
    %shift_right_logical3A_232 = vector.broadcast %shift_right_logical3A_231 : i32 to vector<16xi32>
    %shift_right_logical3A_233 = arith.shrui %get3A_221, %shift_right_logical3A_232 : vector<16xi32>
    %swap3A_234 = arith.constant 0 : i32
    %swap3A_235 = arith.constant 1 : i32
    %swap3A_236 = arith.index_cast %swap3A_234 : i32 to index
    %swap3A_237 = arith.index_cast %swap3A_235 : i32 to index
    %swap3A_238 = arith.constant 112 : index
    %swap3A_239 = tpu.vector_load %arg10[%swap3A_236, %swap3A_237, %swap3A_238] {strides = array<i32>} : memref<2x3x128xi32, #tpu.memory_space<vmem>>, vector<1x1x16xi32>,
    %swap3A_240 = vector.shape_cast %swap3A_239 : vector<1x1x16xi32> to vector<16xi32>
    %swap3A_241 = vector.shape_cast %shift_right_logical3A_233 : vector<16xi32> to vector<1x1x16xi32>
    tpu.vector_store %arg10[%swap3A_236, %swap3A_237, %swap3A_238], %swap3A_241 {strides = array<i32>} : memref<2x3x128xi32, #tpu.memory_space<vmem>>, vector<1x1x16xi32>,
    %add3A_242 = arith.constant 0 : i32
    %add3A_243 = arith.addi %mul3A_18, %add3A_242 : i32
    %get3A_244 = arith.constant 2 : i32
    %get3A_245 = arith.index_cast %get3A_244 : i32 to index
    %get3A_246 = arith.index_cast %shift_right_logical3A_14 : i32 to index
    %get3A_247 = arith.index_cast %add3A_243 : i32 to index
    %get3A_248 = tpu.vector_load %arg9[%get3A_245, %get3A_246, %get3A_247] {strides = array<i32>} : memref<3x32x128xi32, #tpu.memory_space<vmem>>, vector<1x1x16xi32>,
    %get3A_249 = vector.shape_cast %get3A_248 : vector<1x1x16xi32> to vector<16xi32>
    %and3A_250 = arith.andi %get3A_249, %broadcast_in_dim3A_19 : vector<16xi32>
    %swap3A_251 = arith.constant 0 : i32
    %swap3A_252 = arith.constant 2 : i32
    %swap3A_253 = arith.index_cast %swap3A_251 : i32 to index
    %swap3A_254 = arith.index_cast %swap3A_252 : i32 to index
    %swap3A_255 = arith.constant 0 : index
    %swap3A_256 = tpu.vector_load %arg10[%swap3A_253, %swap3A_254, %swap3A_255] {strides = array<i32>} : memref<2x3x128xi32, #tpu.memory_space<vmem>>, vector<1x1x16xi32>,
    %swap3A_257 = vector.shape_cast %swap3A_256 : vector<1x1x16xi32> to vector<16xi32>
    %swap3A_258 = vector.shape_cast %and3A_250 : vector<16xi32> to vector<1x1x16xi32>
    tpu.vector_store %arg10[%swap3A_253, %swap3A_254, %swap3A_255], %swap3A_258 {strides = array<i32>} : memref<2x3x128xi32, #tpu.memory_space<vmem>>, vector<1x1x16xi32>,
    %shift_right_logical3A_259 = arith.constant 16 : i32
    %shift_right_logical3A_260 = vector.broadcast %shift_right_logical3A_259 : i32 to vector<16xi32>
    %shift_right_logical3A_261 = arith.shrui %get3A_249, %shift_right_logical3A_260 : vector<16xi32>
    %swap3A_262 = arith.constant 0 : i32
    %swap3A_263 = arith.constant 2 : i32
    %swap3A_264 = arith.index_cast %swap3A_262 : i32 to index
    %swap3A_265 = arith.index_cast %swap3A_263 : i32 to index
    %swap3A_266 = arith.constant 64 : index
    %swap3A_267 = tpu.vector_load %arg10[%swap3A_264, %swap3A_265, %swap3A_266] {strides = array<i32>} : memref<2x3x128xi32, #tpu.memory_space<vmem>>, vector<1x1x16xi32>,
    %swap3A_268 = vector.shape_cast %swap3A_267 : vector<1x1x16xi32> to vector<16xi32>
    %swap3A_269 = vector.shape_cast %shift_right_logical3A_261 : vector<16xi32> to vector<1x1x16xi32>
    tpu.vector_store %arg10[%swap3A_264, %swap3A_265, %swap3A_266], %swap3A_269 {strides = array<i32>} : memref<2x3x128xi32, #tpu.memory_space<vmem>>, vector<1x1x16xi32>,
    %add3A_270 = arith.constant 16 : i32
    %add3A_271 = arith.addi %mul3A_18, %add3A_270 : i32
    %get3A_272 = arith.constant 2 : i32
    %get3A_273 = arith.index_cast %get3A_272 : i32 to index
    %get3A_274 = arith.index_cast %shift_right_logical3A_14 : i32 to index
    %get3A_275 = arith.index_cast %add3A_271 : i32 to index
    %get3A_276 = tpu.vector_load %arg9[%get3A_273, %get3A_274, %get3A_275] {strides = array<i32>} : memref<3x32x128xi32, #tpu.memory_space<vmem>>, vector<1x1x16xi32>,
    %get3A_277 = vector.shape_cast %get3A_276 : vector<1x1x16xi32> to vector<16xi32>
    %and3A_278 = arith.andi %get3A_277, %broadcast_in_dim3A_19 : vector<16xi32>
    %swap3A_279 = arith.constant 0 : i32
    %swap3A_280 = arith.constant 2 : i32
    %swap3A_281 = arith.index_cast %swap3A_279 : i32 to index
    %swap3A_282 = arith.index_cast %swap3A_280 : i32 to index
    %swap3A_283 = arith.constant 16 : index
    %swap3A_284 = tpu.vector_load %arg10[%swap3A_281, %swap3A_282, %swap3A_283] {strides = array<i32>} : memref<2x3x128xi32, #tpu.memory_space<vmem>>, vector<1x1x16xi32>,
    %swap3A_285 = vector.shape_cast %swap3A_284 : vector<1x1x16xi32> to vector<16xi32>
    %swap3A_286 = vector.shape_cast %and3A_278 : vector<16xi32> to vector<1x1x16xi32>
    tpu.vector_store %arg10[%swap3A_281, %swap3A_282, %swap3A_283], %swap3A_286 {strides = array<i32>} : memref<2x3x128xi32, #tpu.memory_space<vmem>>, vector<1x1x16xi32>,
    %shift_right_logical3A_287 = arith.constant 16 : i32
    %shift_right_logical3A_288 = vector.broadcast %shift_right_logical3A_287 : i32 to vector<16xi32>
    %shift_right_logical3A_289 = arith.shrui %get3A_277, %shift_right_logical3A_288 : vector<16xi32>
    %swap3A_290 = arith.constant 0 : i32
    %swap3A_291 = arith.constant 2 : i32
    %swap3A_292 = arith.index_cast %swap3A_290 : i32 to index
    %swap3A_293 = arith.index_cast %swap3A_291 : i32 to index
    %swap3A_294 = arith.constant 80 : index
    %swap3A_295 = tpu.vector_load %arg10[%swap3A_292, %swap3A_293, %swap3A_294] {strides = array<i32>} : memref<2x3x128xi32, #tpu.memory_space<vmem>>, vector<1x1x16xi32>,
    %swap3A_296 = vector.shape_cast %swap3A_295 : vector<1x1x16xi32> to vector<16xi32>
    %swap3A_297 = vector.shape_cast %shift_right_logical3A_289 : vector<16xi32> to vector<1x1x16xi32>
    tpu.vector_store %arg10[%swap3A_292, %swap3A_293, %swap3A_294], %swap3A_297 {strides = array<i32>} : memref<2x3x128xi32, #tpu.memory_space<vmem>>, vector<1x1x16xi32>,
    %add3A_298 = arith.constant 32 : i32
    %add3A_299 = arith.addi %mul3A_18, %add3A_298 : i32
    %get3A_300 = arith.constant 2 : i32
    %get3A_301 = arith.index_cast %get3A_300 : i32 to index
    %get3A_302 = arith.index_cast %shift_right_logical3A_14 : i32 to index
    %get3A_303 = arith.index_cast %add3A_299 : i32 to index
    %get3A_304 = tpu.vector_load %arg9[%get3A_301, %get3A_302, %get3A_303] {strides = array<i32>} : memref<3x32x128xi32, #tpu.memory_space<vmem>>, vector<1x1x16xi32>,
    %get3A_305 = vector.shape_cast %get3A_304 : vector<1x1x16xi32> to vector<16xi32>
    %and3A_306 = arith.andi %get3A_305, %broadcast_in_dim3A_19 : vector<16xi32>
    %swap3A_307 = arith.constant 0 : i32
    %swap3A_308 = arith.constant 2 : i32
    %swap3A_309 = arith.index_cast %swap3A_307 : i32 to index
    %swap3A_310 = arith.index_cast %swap3A_308 : i32 to index
    %swap3A_311 = arith.constant 32 : index
    %swap3A_312 = tpu.vector_load %arg10[%swap3A_309, %swap3A_310, %swap3A_311] {strides = array<i32>} : memref<2x3x128xi32, #tpu.memory_space<vmem>>, vector<1x1x16xi32>,
    %swap3A_313 = vector.shape_cast %swap3A_312 : vector<1x1x16xi32> to vector<16xi32>
    %swap3A_314 = vector.shape_cast %and3A_306 : vector<16xi32> to vector<1x1x16xi32>
    tpu.vector_store %arg10[%swap3A_309, %swap3A_310, %swap3A_311], %swap3A_314 {strides = array<i32>} : memref<2x3x128xi32, #tpu.memory_space<vmem>>, vector<1x1x16xi32>,
    %shift_right_logical3A_315 = arith.constant 16 : i32
    %shift_right_logical3A_316 = vector.broadcast %shift_right_logical3A_315 : i32 to vector<16xi32>
    %shift_right_logical3A_317 = arith.shrui %get3A_305, %shift_right_logical3A_316 : vector<16xi32>
    %swap3A_318 = arith.constant 0 : i32
    %swap3A_319 = arith.constant 2 : i32
    %swap3A_320 = arith.index_cast %swap3A_318 : i32 to index
    %swap3A_321 = arith.index_cast %swap3A_319 : i32 to index
    %swap3A_322 = arith.constant 96 : index
    %swap3A_323 = tpu.vector_load %arg10[%swap3A_320, %swap3A_321, %swap3A_322] {strides = array<i32>} : memref<2x3x128xi32, #tpu.memory_space<vmem>>, vector<1x1x16xi32>,
    %swap3A_324 = vector.shape_cast %swap3A_323 : vector<1x1x16xi32> to vector<16xi32>
    %swap3A_325 = vector.shape_cast %shift_right_logical3A_317 : vector<16xi32> to vector<1x1x16xi32>
    tpu.vector_store %arg10[%swap3A_320, %swap3A_321, %swap3A_322], %swap3A_325 {strides = array<i32>} : memref<2x3x128xi32, #tpu.memory_space<vmem>>, vector<1x1x16xi32>,
    %add3A_326 = arith.constant 48 : i32
    %add3A_327 = arith.addi %mul3A_18, %add3A_326 : i32
    %get3A_328 = arith.constant 2 : i32
    %get3A_329 = arith.index_cast %get3A_328 : i32 to index
    %get3A_330 = arith.index_cast %shift_right_logical3A_14 : i32 to index
    %get3A_331 = arith.index_cast %add3A_327 : i32 to index
    %get3A_332 = tpu.vector_load %arg9[%get3A_329, %get3A_330, %get3A_331] {strides = array<i32>} : memref<3x32x128xi32, #tpu.memory_space<vmem>>, vector<1x1x16xi32>,
    %get3A_333 = vector.shape_cast %get3A_332 : vector<1x1x16xi32> to vector<16xi32>
    %and3A_334 = arith.andi %get3A_333, %broadcast_in_dim3A_19 : vector<16xi32>
    %swap3A_335 = arith.constant 0 : i32
    %swap3A_336 = arith.constant 2 : i32
    %swap3A_337 = arith.index_cast %swap3A_335 : i32 to index
    %swap3A_338 = arith.index_cast %swap3A_336 : i32 to index
    %swap3A_339 = arith.constant 48 : index
    %swap3A_340 = tpu.vector_load %arg10[%swap3A_337, %swap3A_338, %swap3A_339] {strides = array<i32>} : memref<2x3x128xi32, #tpu.memory_space<vmem>>, vector<1x1x16xi32>,
    %swap3A_341 = vector.shape_cast %swap3A_340 : vector<1x1x16xi32> to vector<16xi32>
    %swap3A_342 = vector.shape_cast %and3A_334 : vector<16xi32> to vector<1x1x16xi32>
    tpu.vector_store %arg10[%swap3A_337, %swap3A_338, %swap3A_339], %swap3A_342 {strides = array<i32>} : memref<2x3x128xi32, #tpu.memory_space<vmem>>, vector<1x1x16xi32>,
    %shift_right_logical3A_343 = arith.constant 16 : i32
    %shift_right_logical3A_344 = vector.broadcast %shift_right_logical3A_343 : i32 to vector<16xi32>
    %shift_right_logical3A_345 = arith.shrui %get3A_333, %shift_right_logical3A_344 : vector<16xi32>
    %swap3A_346 = arith.constant 0 : i32
    %swap3A_347 = arith.constant 2 : i32
    %swap3A_348 = arith.index_cast %swap3A_346 : i32 to index
    %swap3A_349 = arith.index_cast %swap3A_347 : i32 to index
    %swap3A_350 = arith.constant 112 : index
    %swap3A_351 = tpu.vector_load %arg10[%swap3A_348, %swap3A_349, %swap3A_350] {strides = array<i32>} : memref<2x3x128xi32, #tpu.memory_space<vmem>>, vector<1x1x16xi32>,
    %swap3A_352 = vector.shape_cast %swap3A_351 : vector<1x1x16xi32> to vector<16xi32>
    %swap3A_353 = vector.shape_cast %shift_right_logical3A_345 : vector<16xi32> to vector<1x1x16xi32>
    tpu.vector_store %arg10[%swap3A_348, %swap3A_349, %swap3A_350], %swap3A_353 {strides = array<i32>} : memref<2x3x128xi32, #tpu.memory_space<vmem>>, vector<1x1x16xi32>,
    %dma_start3A = arith.constant 0 : i32
    %dma_start3A_354 = arith.constant 0 : i32
    %dma_start3A_355 = arith.constant 0 : i32
    %dma_start3A_356 = arith.constant 0 : i32
    %dma_start3A_357 = arith.constant 0 : i32
    %dma_start3A_358 = arith.constant 0 : i32
    %dma_start3A_359 = arith.constant 0 : i32
    %dma_start3A_360 = tpu.memref_slice %arg11[%dma_start3A_355, %dma_start3A_356, %dma_start3A_358, %dma_start3A_359] : memref<2x3x128x128xf32, #tpu.memory_space<vmem>> -> memref<1x1x128x128xf32, #tpu.memory_space<vmem>>
    %dma_start3A_361 = tpu.memref_squeeze %dma_start3A_360 : memref<1x1x128x128xf32, #tpu.memory_space<vmem>> -> memref<128x128xf32, #tpu.memory_space<vmem>>
    %dma_start3A_362 = arith.constant 0 : i32
    %dma_start3A_363 = tpu.memref_slice %arg10[%dma_start3A, %dma_start3A_354, %dma_start3A_362] : memref<2x3x128xi32, #tpu.memory_space<vmem>> -> memref<1x1x128xi32, #tpu.memory_space<vmem>>
    %dma_start3A_364 = tpu.memref_squeeze %dma_start3A_363 : memref<1x1x128xi32, #tpu.memory_space<vmem>> -> memref<128xi32, #tpu.memory_space<vmem>>
    %dma_start3A_365 = arith.constant 0 : i32
    %dma_start3A_366 = arith.constant 0 : i32
    %dma_start3A_367 = tpu.memref_slice %arg12[%dma_start3A_365, %dma_start3A_366] : memref<500x128xf32, #tpu.memory_space<vmem_shared>> -> memref<500x128xf32, #tpu.memory_space<vmem_shared>>
    %dma_start3A_368 = tpu.memref_slice %arg15[%dma_start3A_357] : memref<2x!tpu.dma_semaphore, #tpu.memory_space<semaphore_mem>> -> memref<1x!tpu.dma_semaphore, #tpu.memory_space<semaphore_mem>>
    %dma_start3A_369 = tpu.memref_squeeze %dma_start3A_368 : memref<1x!tpu.dma_semaphore, #tpu.memory_space<semaphore_mem>> -> memref<!tpu.dma_semaphore, #tpu.memory_space<semaphore_mem>>
    tpu.enqueue_indirect_dma source(%dma_start3A_367 : memref<500x128xf32, #tpu.memory_space<vmem_shared>>) target(%dma_start3A_361 : memref<128x128xf32, #tpu.memory_space<vmem>>) offsets(%dma_start3A_364 : memref<128xi32, #tpu.memory_space<vmem>>) semaphore(%dma_start3A_369 : memref<!tpu.dma_semaphore, #tpu.memory_space<semaphore_mem>>)
    %dma_start3A_370 = arith.constant 0 : i32
    %dma_start3A_371 = arith.constant 1 : i32
    %dma_start3A_372 = arith.constant 0 : i32
    %dma_start3A_373 = arith.constant 1 : i32
    %dma_start3A_374 = arith.constant 0 : i32
    %dma_start3A_375 = arith.constant 0 : i32
    %dma_start3A_376 = arith.constant 0 : i32
    %dma_start3A_377 = tpu.memref_slice %arg11[%dma_start3A_372, %dma_start3A_373, %dma_start3A_375, %dma_start3A_376] : memref<2x3x128x128xf32, #tpu.memory_space<vmem>> -> memref<1x1x128x128xf32, #tpu.memory_space<vmem>>
    %dma_start3A_378 = tpu.memref_squeeze %dma_start3A_377 : memref<1x1x128x128xf32, #tpu.memory_space<vmem>> -> memref<128x128xf32, #tpu.memory_space<vmem>>
    %dma_start3A_379 = arith.constant 0 : i32
    %dma_start3A_380 = tpu.memref_slice %arg10[%dma_start3A_370, %dma_start3A_371, %dma_start3A_379] : memref<2x3x128xi32, #tpu.memory_space<vmem>> -> memref<1x1x128xi32, #tpu.memory_space<vmem>>
    %dma_start3A_381 = tpu.memref_squeeze %dma_start3A_380 : memref<1x1x128xi32, #tpu.memory_space<vmem>> -> memref<128xi32, #tpu.memory_space<vmem>>
    %dma_start3A_382 = arith.constant 0 : i32
    %dma_start3A_383 = arith.constant 0 : i32
    %dma_start3A_384 = tpu.memref_slice %arg13[%dma_start3A_382, %dma_start3A_383] : memref<500x128xf32, #tpu.memory_space<vmem_shared>> -> memref<500x128xf32, #tpu.memory_space<vmem_shared>>
    %dma_start3A_385 = tpu.memref_slice %arg15[%dma_start3A_374] : memref<2x!tpu.dma_semaphore, #tpu.memory_space<semaphore_mem>> -> memref<1x!tpu.dma_semaphore, #tpu.memory_space<semaphore_mem>>
    %dma_start3A_386 = tpu.memref_squeeze %dma_start3A_385 : memref<1x!tpu.dma_semaphore, #tpu.memory_space<semaphore_mem>> -> memref<!tpu.dma_semaphore, #tpu.memory_space<semaphore_mem>>
    tpu.enqueue_indirect_dma source(%dma_start3A_384 : memref<500x128xf32, #tpu.memory_space<vmem_shared>>) target(%dma_start3A_378 : memref<128x128xf32, #tpu.memory_space<vmem>>) offsets(%dma_start3A_381 : memref<128xi32, #tpu.memory_space<vmem>>) semaphore(%dma_start3A_386 : memref<!tpu.dma_semaphore, #tpu.memory_space<semaphore_mem>>)
    %dma_start3A_387 = arith.constant 0 : i32
    %dma_start3A_388 = arith.constant 2 : i32
    %dma_start3A_389 = arith.constant 0 : i32
    %dma_start3A_390 = arith.constant 2 : i32
    %dma_start3A_391 = arith.constant 0 : i32
    %dma_start3A_392 = arith.constant 0 : i32
    %dma_start3A_393 = arith.constant 0 : i32
    %dma_start3A_394 = tpu.memref_slice %arg11[%dma_start3A_389, %dma_start3A_390, %dma_start3A_392, %dma_start3A_393] : memref<2x3x128x128xf32, #tpu.memory_space<vmem>> -> memref<1x1x128x128xf32, #tpu.memory_space<vmem>>
    %dma_start3A_395 = tpu.memref_squeeze %dma_start3A_394 : memref<1x1x128x128xf32, #tpu.memory_space<vmem>> -> memref<128x128xf32, #tpu.memory_space<vmem>>
    %dma_start3A_396 = arith.constant 0 : i32
    %dma_start3A_397 = tpu.memref_slice %arg10[%dma_start3A_387, %dma_start3A_388, %dma_start3A_396] : memref<2x3x128xi32, #tpu.memory_space<vmem>> -> memref<1x1x128xi32, #tpu.memory_space<vmem>>
    %dma_start3A_398 = tpu.memref_squeeze %dma_start3A_397 : memref<1x1x128xi32, #tpu.memory_space<vmem>> -> memref<128xi32, #tpu.memory_space<vmem>>
    %dma_start3A_399 = arith.constant 0 : i32
    %dma_start3A_400 = arith.constant 0 : i32
    %dma_start3A_401 = tpu.memref_slice %arg14[%dma_start3A_399, %dma_start3A_400] : memref<500x128xf32, #tpu.memory_space<vmem_shared>> -> memref<500x128xf32, #tpu.memory_space<vmem_shared>>
    %dma_start3A_402 = tpu.memref_slice %arg15[%dma_start3A_391] : memref<2x!tpu.dma_semaphore, #tpu.memory_space<semaphore_mem>> -> memref<1x!tpu.dma_semaphore, #tpu.memory_space<semaphore_mem>>
    %dma_start3A_403 = tpu.memref_squeeze %dma_start3A_402 : memref<1x!tpu.dma_semaphore, #tpu.memory_space<semaphore_mem>> -> memref<!tpu.dma_semaphore, #tpu.memory_space<semaphore_mem>>
    tpu.enqueue_indirect_dma source(%dma_start3A_401 : memref<500x128xf32, #tpu.memory_space<vmem_shared>>) target(%dma_start3A_395 : memref<128x128xf32, #tpu.memory_space<vmem>>) offsets(%dma_start3A_398 : memref<128xi32, #tpu.memory_space<vmem>>) semaphore(%dma_start3A_403 : memref<!tpu.dma_semaphore, #tpu.memory_space<semaphore_mem>>)
    %scan3A = arith.constant 0 : i32
    %scan3A_404 = arith.constant 0 : i32
    %scan3A_405 = arith.constant 32 : i32
    %scan3A_406 = arith.addi %scan3A_404, %scan3A_405 : i32
    %scan3A_407 = arith.constant 1 : i32
    scf.for %scan3A_442 = %scan3A_404 to %scan3A_406 step %scan3A_407  : i32 {
      %mul3A_443 = arith.constant 2 : i32
      %mul3A_444 = arith.muli %mul3A_443, %scan3A_442 : i32
      %dma_wait3A_445 = arith.constant 0 : i32
      %dma_wait3A_446 = arith.constant 0 : i32
      %dma_wait3A_447 = arith.constant 0 : i32
      %dma_wait3A_448 = arith.constant 0 : i32
      %dma_wait3A_449 = arith.constant 0 : i32
      %dma_wait3A_450 = arith.constant 0 : i32
      %dma_wait3A_451 = arith.constant 0 : i32
      %dma_wait3A_452 = tpu.memref_slice %arg11[%dma_wait3A_447, %dma_wait3A_448, %dma_wait3A_450, %dma_wait3A_451] : memref<2x3x128x128xf32, #tpu.memory_space<vmem>> -> memref<1x1x128x128xf32, #tpu.memory_space<vmem>>
      %dma_wait3A_453 = tpu.memref_squeeze %dma_wait3A_452 : memref<1x1x128x128xf32, #tpu.memory_space<vmem>> -> memref<128x128xf32, #tpu.memory_space<vmem>>
      %dma_wait3A_454 = arith.constant 0 : i32
      %dma_wait3A_455 = tpu.memref_slice %arg10[%dma_wait3A_445, %dma_wait3A_446, %dma_wait3A_454] : memref<2x3x128xi32, #tpu.memory_space<vmem>> -> memref<1x1x128xi32, #tpu.memory_space<vmem>>
      %dma_wait3A_456 = tpu.memref_squeeze %dma_wait3A_455 : memref<1x1x128xi32, #tpu.memory_space<vmem>> -> memref<128xi32, #tpu.memory_space<vmem>>
      %dma_wait3A_457 = arith.constant 0 : i32
      %dma_wait3A_458 = arith.constant 0 : i32
      %dma_wait3A_459 = tpu.memref_slice %arg12[%dma_wait3A_457, %dma_wait3A_458] : memref<500x128xf32, #tpu.memory_space<vmem_shared>> -> memref<500x128xf32, #tpu.memory_space<vmem_shared>>
      %dma_wait3A_460 = tpu.memref_slice %arg15[%dma_wait3A_449] : memref<2x!tpu.dma_semaphore, #tpu.memory_space<semaphore_mem>> -> memref<1x!tpu.dma_semaphore, #tpu.memory_space<semaphore_mem>>
      %dma_wait3A_461 = tpu.memref_squeeze %dma_wait3A_460 : memref<1x!tpu.dma_semaphore, #tpu.memory_space<semaphore_mem>> -> memref<!tpu.dma_semaphore, #tpu.memory_space<semaphore_mem>>
      tpu.wait_indirect_dma semaphore(%dma_wait3A_461 : memref<!tpu.dma_semaphore, #tpu.memory_space<semaphore_mem>>) src(%dma_wait3A_459 : memref<500x128xf32, #tpu.memory_space<vmem_shared>>) dst(%dma_wait3A_453 : memref<128x128xf32, #tpu.memory_space<vmem>>)
      %dma_wait3A_462 = arith.constant 0 : i32
      %dma_wait3A_463 = arith.constant 1 : i32
      %dma_wait3A_464 = arith.constant 0 : i32
      %dma_wait3A_465 = arith.constant 1 : i32
      %dma_wait3A_466 = arith.constant 0 : i32
      %dma_wait3A_467 = arith.constant 0 : i32
      %dma_wait3A_468 = arith.constant 0 : i32
      %dma_wait3A_469 = tpu.memref_slice %arg11[%dma_wait3A_464, %dma_wait3A_465, %dma_wait3A_467, %dma_wait3A_468] : memref<2x3x128x128xf32, #tpu.memory_space<vmem>> -> memref<1x1x128x128xf32, #tpu.memory_space<vmem>>
      %dma_wait3A_470 = tpu.memref_squeeze %dma_wait3A_469 : memref<1x1x128x128xf32, #tpu.memory_space<vmem>> -> memref<128x128xf32, #tpu.memory_space<vmem>>
      %dma_wait3A_471 = arith.constant 0 : i32
      %dma_wait3A_472 = tpu.memref_slice %arg10[%dma_wait3A_462, %dma_wait3A_463, %dma_wait3A_471] : memref<2x3x128xi32, #tpu.memory_space<vmem>> -> memref<1x1x128xi32, #tpu.memory_space<vmem>>
      %dma_wait3A_473 = tpu.memref_squeeze %dma_wait3A_472 : memref<1x1x128xi32, #tpu.memory_space<vmem>> -> memref<128xi32, #tpu.memory_space<vmem>>
      %dma_wait3A_474 = arith.constant 0 : i32
      %dma_wait3A_475 = arith.constant 0 : i32
      %dma_wait3A_476 = tpu.memref_slice %arg13[%dma_wait3A_474, %dma_wait3A_475] : memref<500x128xf32, #tpu.memory_space<vmem_shared>> -> memref<500x128xf32, #tpu.memory_space<vmem_shared>>
      %dma_wait3A_477 = tpu.memref_slice %arg15[%dma_wait3A_466] : memref<2x!tpu.dma_semaphore, #tpu.memory_space<semaphore_mem>> -> memref<1x!tpu.dma_semaphore, #tpu.memory_space<semaphore_mem>>
      %dma_wait3A_478 = tpu.memref_squeeze %dma_wait3A_477 : memref<1x!tpu.dma_semaphore, #tpu.memory_space<semaphore_mem>> -> memref<!tpu.dma_semaphore, #tpu.memory_space<semaphore_mem>>
      tpu.wait_indirect_dma semaphore(%dma_wait3A_478 : memref<!tpu.dma_semaphore, #tpu.memory_space<semaphore_mem>>) src(%dma_wait3A_476 : memref<500x128xf32, #tpu.memory_space<vmem_shared>>) dst(%dma_wait3A_470 : memref<128x128xf32, #tpu.memory_space<vmem>>)
      %dma_wait3A_479 = arith.constant 0 : i32
      %dma_wait3A_480 = arith.constant 2 : i32
      %dma_wait3A_481 = arith.constant 0 : i32
      %dma_wait3A_482 = arith.constant 2 : i32
      %dma_wait3A_483 = arith.constant 0 : i32
      %dma_wait3A_484 = arith.constant 0 : i32
      %dma_wait3A_485 = arith.constant 0 : i32
      %dma_wait3A_486 = tpu.memref_slice %arg11[%dma_wait3A_481, %dma_wait3A_482, %dma_wait3A_484, %dma_wait3A_485] : memref<2x3x128x128xf32, #tpu.memory_space<vmem>> -> memref<1x1x128x128xf32, #tpu.memory_space<vmem>>
      %dma_wait3A_487 = tpu.memref_squeeze %dma_wait3A_486 : memref<1x1x128x128xf32, #tpu.memory_space<vmem>> -> memref<128x128xf32, #tpu.memory_space<vmem>>
      %dma_wait3A_488 = arith.constant 0 : i32
      %dma_wait3A_489 = tpu.memref_slice %arg10[%dma_wait3A_479, %dma_wait3A_480, %dma_wait3A_488] : memref<2x3x128xi32, #tpu.memory_space<vmem>> -> memref<1x1x128xi32, #tpu.memory_space<vmem>>
      %dma_wait3A_490 = tpu.memref_squeeze %dma_wait3A_489 : memref<1x1x128xi32, #tpu.memory_space<vmem>> -> memref<128xi32, #tpu.memory_space<vmem>>
      %dma_wait3A_491 = arith.constant 0 : i32
      %dma_wait3A_492 = arith.constant 0 : i32
      %dma_wait3A_493 = tpu.memref_slice %arg14[%dma_wait3A_491, %dma_wait3A_492] : memref<500x128xf32, #tpu.memory_space<vmem_shared>> -> memref<500x128xf32, #tpu.memory_space<vmem_shared>>
      %dma_wait3A_494 = tpu.memref_slice %arg15[%dma_wait3A_483] : memref<2x!tpu.dma_semaphore, #tpu.memory_space<semaphore_mem>> -> memref<1x!tpu.dma_semaphore, #tpu.memory_space<semaphore_mem>>
      %dma_wait3A_495 = tpu.memref_squeeze %dma_wait3A_494 : memref<1x!tpu.dma_semaphore, #tpu.memory_space<semaphore_mem>> -> memref<!tpu.dma_semaphore, #tpu.memory_space<semaphore_mem>>
      tpu.wait_indirect_dma semaphore(%dma_wait3A_495 : memref<!tpu.dma_semaphore, #tpu.memory_space<semaphore_mem>>) src(%dma_wait3A_493 : memref<500x128xf32, #tpu.memory_space<vmem_shared>>) dst(%dma_wait3A_487 : memref<128x128xf32, #tpu.memory_space<vmem>>)
      %ge3A = arith.constant 1 : i32
      %ge3A_496 = arith.cmpi sge, %mul3A_444, %ge3A : i32
      %add3A_497 = arith.constant 1 : i32
      %add3A_498 = arith.addi %mul3A_444, %add3A_497 : i32
      %lt3A = arith.constant 64 : i32
      %lt3A_499 = arith.cmpi slt, %add3A_498, %lt3A : i32
      %and3A_500 = arith.andi %ge3A_496, %lt3A_499 : i1
      %convert_element_type3A_501 = arith.extui %and3A_500 : i1 to i32
      %cond3A_502 = arith.constant 0 : i32
      %cond3A_503 = arith.cmpi ne, %convert_element_type3A_501, %cond3A_502 : i32
      scf.if %cond3A_503 {
        %dma_wait3A_628 = arith.constant 1 : i32
        %dma_wait3A_629 = arith.constant 0 : i32
        %dma_wait3A_630 = arith.constant 1 : i32
        %dma_wait3A_631 = arith.constant 0 : i32
        %dma_wait3A_632 = arith.constant 0 : i32
        %dma_wait3A_633 = tpu.memref_slice %arg11[%dma_wait3A_628, %dma_wait3A_629, %dma_wait3A_631, %dma_wait3A_632] : memref<2x3x128x128xf32, #tpu.memory_space<vmem>> -> memref<1x1x128x128xf32, #tpu.memory_space<vmem>>
        %dma_wait3A_634 = tpu.memref_squeeze %dma_wait3A_633 : memref<1x1x128x128xf32, #tpu.memory_space<vmem>> -> memref<128x128xf32, #tpu.memory_space<vmem>>
        %dma_wait3A_635 = arith.constant 0 : i32
        %dma_wait3A_636 = tpu.memref_slice %arg8[%mul3A_2, %dma_wait3A_635] : memref<262144x128xf32, #tpu.memory_space<hbm>> -> memref<128x128xf32, #tpu.memory_space<hbm>>
        %dma_wait3A_637 = tpu.memref_slice %arg16[%dma_wait3A_630] : memref<2x!tpu.dma_semaphore, #tpu.memory_space<semaphore_mem>> -> memref<1x!tpu.dma_semaphore, #tpu.memory_space<semaphore_mem>>
        %dma_wait3A_638 = tpu.memref_squeeze %dma_wait3A_637 : memref<1x!tpu.dma_semaphore, #tpu.memory_space<semaphore_mem>> -> memref<!tpu.dma_semaphore, #tpu.memory_space<semaphore_mem>>
        %dma_wait3A_639 = arith.constant 0 : i32
        %dma_wait3A_640 = tpu.memref_slice %arg8[%mul3A_2, %dma_wait3A_639] : memref<262144x128xf32, #tpu.memory_space<hbm>> -> memref<128x128xf32, #tpu.memory_space<hbm>>
        %dma_wait3A_641 = arith.constant 0 : i32
        %dma_wait3A_642 = arith.constant 0 : i32
        %dma_wait3A_643 = tpu.memref_slice %arg11[%dma_wait3A_628, %dma_wait3A_629, %dma_wait3A_641, %dma_wait3A_642] : memref<2x3x128x128xf32, #tpu.memory_space<vmem>> -> memref<1x1x128x128xf32, #tpu.memory_space<vmem>>
        %dma_wait3A_644 = tpu.memref_squeeze %dma_wait3A_643 : memref<1x1x128x128xf32, #tpu.memory_space<vmem>> -> memref<128x128xf32, #tpu.memory_space<vmem>>
        tpu.wait_dma2 semaphore(%dma_wait3A_638 : memref<!tpu.dma_semaphore, #tpu.memory_space<semaphore_mem>>) src(%dma_wait3A_644 : memref<128x128xf32, #tpu.memory_space<vmem>>) dst(%dma_wait3A_640 : memref<128x128xf32, #tpu.memory_space<hbm>>)
      } else {
      }
      %add3A_504 = arith.constant 1 : i32
      %add3A_505 = arith.addi %mul3A_444, %add3A_504 : i32
      %lt3A_506 = arith.constant 64 : i32
      %lt3A_507 = arith.cmpi slt, %add3A_505, %lt3A_506 : i32
      %convert_element_type3A_508 = arith.extui %lt3A_507 : i1 to i32
      %cond3A_509 = arith.constant 0 : i32
      %cond3A_510 = arith.cmpi ne, %convert_element_type3A_508, %cond3A_509 : i32
      scf.if %cond3A_510 {
        %add3A_628 = arith.constant 1 : i32
        %add3A_629 = arith.addi %mul3A_444, %add3A_628 : i32
        %shift_right_logical3A_630 = arith.constant 1 : i32
        %shift_right_logical3A_631 = arith.shrui %add3A_629, %shift_right_logical3A_630 : i32
        %and3A_632 = arith.constant 1 : i32
        %and3A_633 = arith.andi %add3A_629, %and3A_632 : i32
        %mul3A_634 = arith.constant 64 : i32
        %mul3A_635 = arith.muli %and3A_633, %mul3A_634 : i32
        %broadcast_in_dim3A_636 = arith.constant 65535 : i32
        %broadcast_in_dim3A_637 = vector.broadcast %broadcast_in_dim3A_636 : i32 to vector<16xi32>
        %add3A_638 = arith.constant 0 : i32
        %add3A_639 = arith.addi %mul3A_635, %add3A_638 : i32
        %get3A_640 = arith.constant 0 : i32
        %get3A_641 = arith.index_cast %get3A_640 : i32 to index
        %get3A_642 = arith.index_cast %shift_right_logical3A_631 : i32 to index
        %get3A_643 = arith.index_cast %add3A_639 : i32 to index
        %get3A_644 = tpu.vector_load %arg9[%get3A_641, %get3A_642, %get3A_643] {strides = array<i32>} : memref<3x32x128xi32, #tpu.memory_space<vmem>>, vector<1x1x16xi32>,
        %get3A_645 = vector.shape_cast %get3A_644 : vector<1x1x16xi32> to vector<16xi32>
        %and3A_646 = arith.andi %get3A_645, %broadcast_in_dim3A_637 : vector<16xi32>
        %swap3A_647 = arith.constant 1 : i32
        %swap3A_648 = arith.constant 0 : i32
        %swap3A_649 = arith.index_cast %swap3A_647 : i32 to index
        %swap3A_650 = arith.index_cast %swap3A_648 : i32 to index
        %swap3A_651 = arith.constant 0 : index
        %swap3A_652 = tpu.vector_load %arg10[%swap3A_649, %swap3A_650, %swap3A_651] {strides = array<i32>} : memref<2x3x128xi32, #tpu.memory_space<vmem>>, vector<1x1x16xi32>,
        %swap3A_653 = vector.shape_cast %swap3A_652 : vector<1x1x16xi32> to vector<16xi32>
        %swap3A_654 = vector.shape_cast %and3A_646 : vector<16xi32> to vector<1x1x16xi32>
        tpu.vector_store %arg10[%swap3A_649, %swap3A_650, %swap3A_651], %swap3A_654 {strides = array<i32>} : memref<2x3x128xi32, #tpu.memory_space<vmem>>, vector<1x1x16xi32>,
        %shift_right_logical3A_655 = arith.constant 16 : i32
        %shift_right_logical3A_656 = vector.broadcast %shift_right_logical3A_655 : i32 to vector<16xi32>
        %shift_right_logical3A_657 = arith.shrui %get3A_645, %shift_right_logical3A_656 : vector<16xi32>
        %swap3A_658 = arith.constant 1 : i32
        %swap3A_659 = arith.constant 0 : i32
        %swap3A_660 = arith.index_cast %swap3A_658 : i32 to index
        %swap3A_661 = arith.index_cast %swap3A_659 : i32 to index
        %swap3A_662 = arith.constant 64 : index
        %swap3A_663 = tpu.vector_load %arg10[%swap3A_660, %swap3A_661, %swap3A_662] {strides = array<i32>} : memref<2x3x128xi32, #tpu.memory_space<vmem>>, vector<1x1x16xi32>,
        %swap3A_664 = vector.shape_cast %swap3A_663 : vector<1x1x16xi32> to vector<16xi32>
        %swap3A_665 = vector.shape_cast %shift_right_logical3A_657 : vector<16xi32> to vector<1x1x16xi32>
        tpu.vector_store %arg10[%swap3A_660, %swap3A_661, %swap3A_662], %swap3A_665 {strides = array<i32>} : memref<2x3x128xi32, #tpu.memory_space<vmem>>, vector<1x1x16xi32>,
        %add3A_666 = arith.constant 16 : i32
        %add3A_667 = arith.addi %mul3A_635, %add3A_666 : i32
        %get3A_668 = arith.constant 0 : i32
        %get3A_669 = arith.index_cast %get3A_668 : i32 to index
        %get3A_670 = arith.index_cast %shift_right_logical3A_631 : i32 to index
        %get3A_671 = arith.index_cast %add3A_667 : i32 to index
        %get3A_672 = tpu.vector_load %arg9[%get3A_669, %get3A_670, %get3A_671] {strides = array<i32>} : memref<3x32x128xi32, #tpu.memory_space<vmem>>, vector<1x1x16xi32>,
        %get3A_673 = vector.shape_cast %get3A_672 : vector<1x1x16xi32> to vector<16xi32>
        %and3A_674 = arith.andi %get3A_673, %broadcast_in_dim3A_637 : vector<16xi32>
        %swap3A_675 = arith.constant 1 : i32
        %swap3A_676 = arith.constant 0 : i32
        %swap3A_677 = arith.index_cast %swap3A_675 : i32 to index
        %swap3A_678 = arith.index_cast %swap3A_676 : i32 to index
        %swap3A_679 = arith.constant 16 : index
        %swap3A_680 = tpu.vector_load %arg10[%swap3A_677, %swap3A_678, %swap3A_679] {strides = array<i32>} : memref<2x3x128xi32, #tpu.memory_space<vmem>>, vector<1x1x16xi32>,
        %swap3A_681 = vector.shape_cast %swap3A_680 : vector<1x1x16xi32> to vector<16xi32>
        %swap3A_682 = vector.shape_cast %and3A_674 : vector<16xi32> to vector<1x1x16xi32>
        tpu.vector_store %arg10[%swap3A_677, %swap3A_678, %swap3A_679], %swap3A_682 {strides = array<i32>} : memref<2x3x128xi32, #tpu.memory_space<vmem>>, vector<1x1x16xi32>,
        %shift_right_logical3A_683 = arith.constant 16 : i32
        %shift_right_logical3A_684 = vector.broadcast %shift_right_logical3A_683 : i32 to vector<16xi32>
        %shift_right_logical3A_685 = arith.shrui %get3A_673, %shift_right_logical3A_684 : vector<16xi32>
        %swap3A_686 = arith.constant 1 : i32
        %swap3A_687 = arith.constant 0 : i32
        %swap3A_688 = arith.index_cast %swap3A_686 : i32 to index
        %swap3A_689 = arith.index_cast %swap3A_687 : i32 to index
        %swap3A_690 = arith.constant 80 : index
        %swap3A_691 = tpu.vector_load %arg10[%swap3A_688, %swap3A_689, %swap3A_690] {strides = array<i32>} : memref<2x3x128xi32, #tpu.memory_space<vmem>>, vector<1x1x16xi32>,
        %swap3A_692 = vector.shape_cast %swap3A_691 : vector<1x1x16xi32> to vector<16xi32>
        %swap3A_693 = vector.shape_cast %shift_right_logical3A_685 : vector<16xi32> to vector<1x1x16xi32>
        tpu.vector_store %arg10[%swap3A_688, %swap3A_689, %swap3A_690], %swap3A_693 {strides = array<i32>} : memref<2x3x128xi32, #tpu.memory_space<vmem>>, vector<1x1x16xi32>,
        %add3A_694 = arith.constant 32 : i32
        %add3A_695 = arith.addi %mul3A_635, %add3A_694 : i32
        %get3A_696 = arith.constant 0 : i32
        %get3A_697 = arith.index_cast %get3A_696 : i32 to index
        %get3A_698 = arith.index_cast %shift_right_logical3A_631 : i32 to index
        %get3A_699 = arith.index_cast %add3A_695 : i32 to index
        %get3A_700 = tpu.vector_load %arg9[%get3A_697, %get3A_698, %get3A_699] {strides = array<i32>} : memref<3x32x128xi32, #tpu.memory_space<vmem>>, vector<1x1x16xi32>,
        %get3A_701 = vector.shape_cast %get3A_700 : vector<1x1x16xi32> to vector<16xi32>
        %and3A_702 = arith.andi %get3A_701, %broadcast_in_dim3A_637 : vector<16xi32>
        %swap3A_703 = arith.constant 1 : i32
        %swap3A_704 = arith.constant 0 : i32
        %swap3A_705 = arith.index_cast %swap3A_703 : i32 to index
        %swap3A_706 = arith.index_cast %swap3A_704 : i32 to index
        %swap3A_707 = arith.constant 32 : index
        %swap3A_708 = tpu.vector_load %arg10[%swap3A_705, %swap3A_706, %swap3A_707] {strides = array<i32>} : memref<2x3x128xi32, #tpu.memory_space<vmem>>, vector<1x1x16xi32>,
        %swap3A_709 = vector.shape_cast %swap3A_708 : vector<1x1x16xi32> to vector<16xi32>
        %swap3A_710 = vector.shape_cast %and3A_702 : vector<16xi32> to vector<1x1x16xi32>
        tpu.vector_store %arg10[%swap3A_705, %swap3A_706, %swap3A_707], %swap3A_710 {strides = array<i32>} : memref<2x3x128xi32, #tpu.memory_space<vmem>>, vector<1x1x16xi32>,
        %shift_right_logical3A_711 = arith.constant 16 : i32
        %shift_right_logical3A_712 = vector.broadcast %shift_right_logical3A_711 : i32 to vector<16xi32>
        %shift_right_logical3A_713 = arith.shrui %get3A_701, %shift_right_logical3A_712 : vector<16xi32>
        %swap3A_714 = arith.constant 1 : i32
        %swap3A_715 = arith.constant 0 : i32
        %swap3A_716 = arith.index_cast %swap3A_714 : i32 to index
        %swap3A_717 = arith.index_cast %swap3A_715 : i32 to index
        %swap3A_718 = arith.constant 96 : index
        %swap3A_719 = tpu.vector_load %arg10[%swap3A_716, %swap3A_717, %swap3A_718] {strides = array<i32>} : memref<2x3x128xi32, #tpu.memory_space<vmem>>, vector<1x1x16xi32>,
        %swap3A_720 = vector.shape_cast %swap3A_719 : vector<1x1x16xi32> to vector<16xi32>
        %swap3A_721 = vector.shape_cast %shift_right_logical3A_713 : vector<16xi32> to vector<1x1x16xi32>
        tpu.vector_store %arg10[%swap3A_716, %swap3A_717, %swap3A_718], %swap3A_721 {strides = array<i32>} : memref<2x3x128xi32, #tpu.memory_space<vmem>>, vector<1x1x16xi32>,
        %add3A_722 = arith.constant 48 : i32
        %add3A_723 = arith.addi %mul3A_635, %add3A_722 : i32
        %get3A_724 = arith.constant 0 : i32
        %get3A_725 = arith.index_cast %get3A_724 : i32 to index
        %get3A_726 = arith.index_cast %shift_right_logical3A_631 : i32 to index
        %get3A_727 = arith.index_cast %add3A_723 : i32 to index
        %get3A_728 = tpu.vector_load %arg9[%get3A_725, %get3A_726, %get3A_727] {strides = array<i32>} : memref<3x32x128xi32, #tpu.memory_space<vmem>>, vector<1x1x16xi32>,
        %get3A_729 = vector.shape_cast %get3A_728 : vector<1x1x16xi32> to vector<16xi32>
        %and3A_730 = arith.andi %get3A_729, %broadcast_in_dim3A_637 : vector<16xi32>
        %swap3A_731 = arith.constant 1 : i32
        %swap3A_732 = arith.constant 0 : i32
        %swap3A_733 = arith.index_cast %swap3A_731 : i32 to index
        %swap3A_734 = arith.index_cast %swap3A_732 : i32 to index
        %swap3A_735 = arith.constant 48 : index
        %swap3A_736 = tpu.vector_load %arg10[%swap3A_733, %swap3A_734, %swap3A_735] {strides = array<i32>} : memref<2x3x128xi32, #tpu.memory_space<vmem>>, vector<1x1x16xi32>,
        %swap3A_737 = vector.shape_cast %swap3A_736 : vector<1x1x16xi32> to vector<16xi32>
        %swap3A_738 = vector.shape_cast %and3A_730 : vector<16xi32> to vector<1x1x16xi32>
        tpu.vector_store %arg10[%swap3A_733, %swap3A_734, %swap3A_735], %swap3A_738 {strides = array<i32>} : memref<2x3x128xi32, #tpu.memory_space<vmem>>, vector<1x1x16xi32>,
        %shift_right_logical3A_739 = arith.constant 16 : i32
        %shift_right_logical3A_740 = vector.broadcast %shift_right_logical3A_739 : i32 to vector<16xi32>
        %shift_right_logical3A_741 = arith.shrui %get3A_729, %shift_right_logical3A_740 : vector<16xi32>
        %swap3A_742 = arith.constant 1 : i32
        %swap3A_743 = arith.constant 0 : i32
        %swap3A_744 = arith.index_cast %swap3A_742 : i32 to index
        %swap3A_745 = arith.index_cast %swap3A_743 : i32 to index
        %swap3A_746 = arith.constant 112 : index
        %swap3A_747 = tpu.vector_load %arg10[%swap3A_744, %swap3A_745, %swap3A_746] {strides = array<i32>} : memref<2x3x128xi32, #tpu.memory_space<vmem>>, vector<1x1x16xi32>,
        %swap3A_748 = vector.shape_cast %swap3A_747 : vector<1x1x16xi32> to vector<16xi32>
        %swap3A_749 = vector.shape_cast %shift_right_logical3A_741 : vector<16xi32> to vector<1x1x16xi32>
        tpu.vector_store %arg10[%swap3A_744, %swap3A_745, %swap3A_746], %swap3A_749 {strides = array<i32>} : memref<2x3x128xi32, #tpu.memory_space<vmem>>, vector<1x1x16xi32>,
        %add3A_750 = arith.constant 0 : i32
        %add3A_751 = arith.addi %mul3A_635, %add3A_750 : i32
        %get3A_752 = arith.constant 1 : i32
        %get3A_753 = arith.index_cast %get3A_752 : i32 to index
        %get3A_754 = arith.index_cast %shift_right_logical3A_631 : i32 to index
        %get3A_755 = arith.index_cast %add3A_751 : i32 to index
        %get3A_756 = tpu.vector_load %arg9[%get3A_753, %get3A_754, %get3A_755] {strides = array<i32>} : memref<3x32x128xi32, #tpu.memory_space<vmem>>, vector<1x1x16xi32>,
        %get3A_757 = vector.shape_cast %get3A_756 : vector<1x1x16xi32> to vector<16xi32>
        %and3A_758 = arith.andi %get3A_757, %broadcast_in_dim3A_637 : vector<16xi32>
        %swap3A_759 = arith.constant 1 : i32
        %swap3A_760 = arith.constant 1 : i32
        %swap3A_761 = arith.index_cast %swap3A_759 : i32 to index
        %swap3A_762 = arith.index_cast %swap3A_760 : i32 to index
        %swap3A_763 = arith.constant 0 : index
        %swap3A_764 = tpu.vector_load %arg10[%swap3A_761, %swap3A_762, %swap3A_763] {strides = array<i32>} : memref<2x3x128xi32, #tpu.memory_space<vmem>>, vector<1x1x16xi32>,
        %swap3A_765 = vector.shape_cast %swap3A_764 : vector<1x1x16xi32> to vector<16xi32>
        %swap3A_766 = vector.shape_cast %and3A_758 : vector<16xi32> to vector<1x1x16xi32>
        tpu.vector_store %arg10[%swap3A_761, %swap3A_762, %swap3A_763], %swap3A_766 {strides = array<i32>} : memref<2x3x128xi32, #tpu.memory_space<vmem>>, vector<1x1x16xi32>,
        %shift_right_logical3A_767 = arith.constant 16 : i32
        %shift_right_logical3A_768 = vector.broadcast %shift_right_logical3A_767 : i32 to vector<16xi32>
        %shift_right_logical3A_769 = arith.shrui %get3A_757, %shift_right_logical3A_768 : vector<16xi32>
        %swap3A_770 = arith.constant 1 : i32
        %swap3A_771 = arith.constant 1 : i32
        %swap3A_772 = arith.index_cast %swap3A_770 : i32 to index
        %swap3A_773 = arith.index_cast %swap3A_771 : i32 to index
        %swap3A_774 = arith.constant 64 : index
        %swap3A_775 = tpu.vector_load %arg10[%swap3A_772, %swap3A_773, %swap3A_774] {strides = array<i32>} : memref<2x3x128xi32, #tpu.memory_space<vmem>>, vector<1x1x16xi32>,
        %swap3A_776 = vector.shape_cast %swap3A_775 : vector<1x1x16xi32> to vector<16xi32>
        %swap3A_777 = vector.shape_cast %shift_right_logical3A_769 : vector<16xi32> to vector<1x1x16xi32>
        tpu.vector_store %arg10[%swap3A_772, %swap3A_773, %swap3A_774], %swap3A_777 {strides = array<i32>} : memref<2x3x128xi32, #tpu.memory_space<vmem>>, vector<1x1x16xi32>,
        %add3A_778 = arith.constant 16 : i32
        %add3A_779 = arith.addi %mul3A_635, %add3A_778 : i32
        %get3A_780 = arith.constant 1 : i32
        %get3A_781 = arith.index_cast %get3A_780 : i32 to index
        %get3A_782 = arith.index_cast %shift_right_logical3A_631 : i32 to index
        %get3A_783 = arith.index_cast %add3A_779 : i32 to index
        %get3A_784 = tpu.vector_load %arg9[%get3A_781, %get3A_782, %get3A_783] {strides = array<i32>} : memref<3x32x128xi32, #tpu.memory_space<vmem>>, vector<1x1x16xi32>,
        %get3A_785 = vector.shape_cast %get3A_784 : vector<1x1x16xi32> to vector<16xi32>
        %and3A_786 = arith.andi %get3A_785, %broadcast_in_dim3A_637 : vector<16xi32>
        %swap3A_787 = arith.constant 1 : i32
        %swap3A_788 = arith.constant 1 : i32
        %swap3A_789 = arith.index_cast %swap3A_787 : i32 to index
        %swap3A_790 = arith.index_cast %swap3A_788 : i32 to index
        %swap3A_791 = arith.constant 16 : index
        %swap3A_792 = tpu.vector_load %arg10[%swap3A_789, %swap3A_790, %swap3A_791] {strides = array<i32>} : memref<2x3x128xi32, #tpu.memory_space<vmem>>, vector<1x1x16xi32>,
        %swap3A_793 = vector.shape_cast %swap3A_792 : vector<1x1x16xi32> to vector<16xi32>
        %swap3A_794 = vector.shape_cast %and3A_786 : vector<16xi32> to vector<1x1x16xi32>
        tpu.vector_store %arg10[%swap3A_789, %swap3A_790, %swap3A_791], %swap3A_794 {strides = array<i32>} : memref<2x3x128xi32, #tpu.memory_space<vmem>>, vector<1x1x16xi32>,
        %shift_right_logical3A_795 = arith.constant 16 : i32
        %shift_right_logical3A_796 = vector.broadcast %shift_right_logical3A_795 : i32 to vector<16xi32>
        %shift_right_logical3A_797 = arith.shrui %get3A_785, %shift_right_logical3A_796 : vector<16xi32>
        %swap3A_798 = arith.constant 1 : i32
        %swap3A_799 = arith.constant 1 : i32
        %swap3A_800 = arith.index_cast %swap3A_798 : i32 to index
        %swap3A_801 = arith.index_cast %swap3A_799 : i32 to index
        %swap3A_802 = arith.constant 80 : index
        %swap3A_803 = tpu.vector_load %arg10[%swap3A_800, %swap3A_801, %swap3A_802] {strides = array<i32>} : memref<2x3x128xi32, #tpu.memory_space<vmem>>, vector<1x1x16xi32>,
        %swap3A_804 = vector.shape_cast %swap3A_803 : vector<1x1x16xi32> to vector<16xi32>
        %swap3A_805 = vector.shape_cast %shift_right_logical3A_797 : vector<16xi32> to vector<1x1x16xi32>
        tpu.vector_store %arg10[%swap3A_800, %swap3A_801, %swap3A_802], %swap3A_805 {strides = array<i32>} : memref<2x3x128xi32, #tpu.memory_space<vmem>>, vector<1x1x16xi32>,
        %add3A_806 = arith.constant 32 : i32
        %add3A_807 = arith.addi %mul3A_635, %add3A_806 : i32
        %get3A_808 = arith.constant 1 : i32
        %get3A_809 = arith.index_cast %get3A_808 : i32 to index
        %get3A_810 = arith.index_cast %shift_right_logical3A_631 : i32 to index
        %get3A_811 = arith.index_cast %add3A_807 : i32 to index
        %get3A_812 = tpu.vector_load %arg9[%get3A_809, %get3A_810, %get3A_811] {strides = array<i32>} : memref<3x32x128xi32, #tpu.memory_space<vmem>>, vector<1x1x16xi32>,
        %get3A_813 = vector.shape_cast %get3A_812 : vector<1x1x16xi32> to vector<16xi32>
        %and3A_814 = arith.andi %get3A_813, %broadcast_in_dim3A_637 : vector<16xi32>
        %swap3A_815 = arith.constant 1 : i32
        %swap3A_816 = arith.constant 1 : i32
        %swap3A_817 = arith.index_cast %swap3A_815 : i32 to index
        %swap3A_818 = arith.index_cast %swap3A_816 : i32 to index
        %swap3A_819 = arith.constant 32 : index
        %swap3A_820 = tpu.vector_load %arg10[%swap3A_817, %swap3A_818, %swap3A_819] {strides = array<i32>} : memref<2x3x128xi32, #tpu.memory_space<vmem>>, vector<1x1x16xi32>,
        %swap3A_821 = vector.shape_cast %swap3A_820 : vector<1x1x16xi32> to vector<16xi32>
        %swap3A_822 = vector.shape_cast %and3A_814 : vector<16xi32> to vector<1x1x16xi32>
        tpu.vector_store %arg10[%swap3A_817, %swap3A_818, %swap3A_819], %swap3A_822 {strides = array<i32>} : memref<2x3x128xi32, #tpu.memory_space<vmem>>, vector<1x1x16xi32>,
        %shift_right_logical3A_823 = arith.constant 16 : i32
        %shift_right_logical3A_824 = vector.broadcast %shift_right_logical3A_823 : i32 to vector<16xi32>
        %shift_right_logical3A_825 = arith.shrui %get3A_813, %shift_right_logical3A_824 : vector<16xi32>
        %swap3A_826 = arith.constant 1 : i32
        %swap3A_827 = arith.constant 1 : i32
        %swap3A_828 = arith.index_cast %swap3A_826 : i32 to index
        %swap3A_829 = arith.index_cast %swap3A_827 : i32 to index
        %swap3A_830 = arith.constant 96 : index
        %swap3A_831 = tpu.vector_load %arg10[%swap3A_828, %swap3A_829, %swap3A_830] {strides = array<i32>} : memref<2x3x128xi32, #tpu.memory_space<vmem>>, vector<1x1x16xi32>,
        %swap3A_832 = vector.shape_cast %swap3A_831 : vector<1x1x16xi32> to vector<16xi32>
        %swap3A_833 = vector.shape_cast %shift_right_logical3A_825 : vector<16xi32> to vector<1x1x16xi32>
        tpu.vector_store %arg10[%swap3A_828, %swap3A_829, %swap3A_830], %swap3A_833 {strides = array<i32>} : memref<2x3x128xi32, #tpu.memory_space<vmem>>, vector<1x1x16xi32>,
        %add3A_834 = arith.constant 48 : i32
        %add3A_835 = arith.addi %mul3A_635, %add3A_834 : i32
        %get3A_836 = arith.constant 1 : i32
        %get3A_837 = arith.index_cast %get3A_836 : i32 to index
        %get3A_838 = arith.index_cast %shift_right_logical3A_631 : i32 to index
        %get3A_839 = arith.index_cast %add3A_835 : i32 to index
        %get3A_840 = tpu.vector_load %arg9[%get3A_837, %get3A_838, %get3A_839] {strides = array<i32>} : memref<3x32x128xi32, #tpu.memory_space<vmem>>, vector<1x1x16xi32>,
        %get3A_841 = vector.shape_cast %get3A_840 : vector<1x1x16xi32> to vector<16xi32>
        %and3A_842 = arith.andi %get3A_841, %broadcast_in_dim3A_637 : vector<16xi32>
        %swap3A_843 = arith.constant 1 : i32
        %swap3A_844 = arith.constant 1 : i32
        %swap3A_845 = arith.index_cast %swap3A_843 : i32 to index
        %swap3A_846 = arith.index_cast %swap3A_844 : i32 to index
        %swap3A_847 = arith.constant 48 : index
        %swap3A_848 = tpu.vector_load %arg10[%swap3A_845, %swap3A_846, %swap3A_847] {strides = array<i32>} : memref<2x3x128xi32, #tpu.memory_space<vmem>>, vector<1x1x16xi32>,
        %swap3A_849 = vector.shape_cast %swap3A_848 : vector<1x1x16xi32> to vector<16xi32>
        %swap3A_850 = vector.shape_cast %and3A_842 : vector<16xi32> to vector<1x1x16xi32>
        tpu.vector_store %arg10[%swap3A_845, %swap3A_846, %swap3A_847], %swap3A_850 {strides = array<i32>} : memref<2x3x128xi32, #tpu.memory_space<vmem>>, vector<1x1x16xi32>,
        %shift_right_logical3A_851 = arith.constant 16 : i32
        %shift_right_logical3A_852 = vector.broadcast %shift_right_logical3A_851 : i32 to vector<16xi32>
        %shift_right_logical3A_853 = arith.shrui %get3A_841, %shift_right_logical3A_852 : vector<16xi32>
        %swap3A_854 = arith.constant 1 : i32
        %swap3A_855 = arith.constant 1 : i32
        %swap3A_856 = arith.index_cast %swap3A_854 : i32 to index
        %swap3A_857 = arith.index_cast %swap3A_855 : i32 to index
        %swap3A_858 = arith.constant 112 : index
        %swap3A_859 = tpu.vector_load %arg10[%swap3A_856, %swap3A_857, %swap3A_858] {strides = array<i32>} : memref<2x3x128xi32, #tpu.memory_space<vmem>>, vector<1x1x16xi32>,
        %swap3A_860 = vector.shape_cast %swap3A_859 : vector<1x1x16xi32> to vector<16xi32>
        %swap3A_861 = vector.shape_cast %shift_right_logical3A_853 : vector<16xi32> to vector<1x1x16xi32>
        tpu.vector_store %arg10[%swap3A_856, %swap3A_857, %swap3A_858], %swap3A_861 {strides = array<i32>} : memref<2x3x128xi32, #tpu.memory_space<vmem>>, vector<1x1x16xi32>,
        %add3A_862 = arith.constant 0 : i32
        %add3A_863 = arith.addi %mul3A_635, %add3A_862 : i32
        %get3A_864 = arith.constant 2 : i32
        %get3A_865 = arith.index_cast %get3A_864 : i32 to index
        %get3A_866 = arith.index_cast %shift_right_logical3A_631 : i32 to index
        %get3A_867 = arith.index_cast %add3A_863 : i32 to index
        %get3A_868 = tpu.vector_load %arg9[%get3A_865, %get3A_866, %get3A_867] {strides = array<i32>} : memref<3x32x128xi32, #tpu.memory_space<vmem>>, vector<1x1x16xi32>,
        %get3A_869 = vector.shape_cast %get3A_868 : vector<1x1x16xi32> to vector<16xi32>
        %and3A_870 = arith.andi %get3A_869, %broadcast_in_dim3A_637 : vector<16xi32>
        %swap3A_871 = arith.constant 1 : i32
        %swap3A_872 = arith.constant 2 : i32
        %swap3A_873 = arith.index_cast %swap3A_871 : i32 to index
        %swap3A_874 = arith.index_cast %swap3A_872 : i32 to index
        %swap3A_875 = arith.constant 0 : index
        %swap3A_876 = tpu.vector_load %arg10[%swap3A_873, %swap3A_874, %swap3A_875] {strides = array<i32>} : memref<2x3x128xi32, #tpu.memory_space<vmem>>, vector<1x1x16xi32>,
        %swap3A_877 = vector.shape_cast %swap3A_876 : vector<1x1x16xi32> to vector<16xi32>
        %swap3A_878 = vector.shape_cast %and3A_870 : vector<16xi32> to vector<1x1x16xi32>
        tpu.vector_store %arg10[%swap3A_873, %swap3A_874, %swap3A_875], %swap3A_878 {strides = array<i32>} : memref<2x3x128xi32, #tpu.memory_space<vmem>>, vector<1x1x16xi32>,
        %shift_right_logical3A_879 = arith.constant 16 : i32
        %shift_right_logical3A_880 = vector.broadcast %shift_right_logical3A_879 : i32 to vector<16xi32>
        %shift_right_logical3A_881 = arith.shrui %get3A_869, %shift_right_logical3A_880 : vector<16xi32>
        %swap3A_882 = arith.constant 1 : i32
        %swap3A_883 = arith.constant 2 : i32
        %swap3A_884 = arith.index_cast %swap3A_882 : i32 to index
        %swap3A_885 = arith.index_cast %swap3A_883 : i32 to index
        %swap3A_886 = arith.constant 64 : index
        %swap3A_887 = tpu.vector_load %arg10[%swap3A_884, %swap3A_885, %swap3A_886] {strides = array<i32>} : memref<2x3x128xi32, #tpu.memory_space<vmem>>, vector<1x1x16xi32>,
        %swap3A_888 = vector.shape_cast %swap3A_887 : vector<1x1x16xi32> to vector<16xi32>
        %swap3A_889 = vector.shape_cast %shift_right_logical3A_881 : vector<16xi32> to vector<1x1x16xi32>
        tpu.vector_store %arg10[%swap3A_884, %swap3A_885, %swap3A_886], %swap3A_889 {strides = array<i32>} : memref<2x3x128xi32, #tpu.memory_space<vmem>>, vector<1x1x16xi32>,
        %add3A_890 = arith.constant 16 : i32
        %add3A_891 = arith.addi %mul3A_635, %add3A_890 : i32
        %get3A_892 = arith.constant 2 : i32
        %get3A_893 = arith.index_cast %get3A_892 : i32 to index
        %get3A_894 = arith.index_cast %shift_right_logical3A_631 : i32 to index
        %get3A_895 = arith.index_cast %add3A_891 : i32 to index
        %get3A_896 = tpu.vector_load %arg9[%get3A_893, %get3A_894, %get3A_895] {strides = array<i32>} : memref<3x32x128xi32, #tpu.memory_space<vmem>>, vector<1x1x16xi32>,
        %get3A_897 = vector.shape_cast %get3A_896 : vector<1x1x16xi32> to vector<16xi32>
        %and3A_898 = arith.andi %get3A_897, %broadcast_in_dim3A_637 : vector<16xi32>
        %swap3A_899 = arith.constant 1 : i32
        %swap3A_900 = arith.constant 2 : i32
        %swap3A_901 = arith.index_cast %swap3A_899 : i32 to index
        %swap3A_902 = arith.index_cast %swap3A_900 : i32 to index
        %swap3A_903 = arith.constant 16 : index
        %swap3A_904 = tpu.vector_load %arg10[%swap3A_901, %swap3A_902, %swap3A_903] {strides = array<i32>} : memref<2x3x128xi32, #tpu.memory_space<vmem>>, vector<1x1x16xi32>,
        %swap3A_905 = vector.shape_cast %swap3A_904 : vector<1x1x16xi32> to vector<16xi32>
        %swap3A_906 = vector.shape_cast %and3A_898 : vector<16xi32> to vector<1x1x16xi32>
        tpu.vector_store %arg10[%swap3A_901, %swap3A_902, %swap3A_903], %swap3A_906 {strides = array<i32>} : memref<2x3x128xi32, #tpu.memory_space<vmem>>, vector<1x1x16xi32>,
        %shift_right_logical3A_907 = arith.constant 16 : i32
        %shift_right_logical3A_908 = vector.broadcast %shift_right_logical3A_907 : i32 to vector<16xi32>
        %shift_right_logical3A_909 = arith.shrui %get3A_897, %shift_right_logical3A_908 : vector<16xi32>
        %swap3A_910 = arith.constant 1 : i32
        %swap3A_911 = arith.constant 2 : i32
        %swap3A_912 = arith.index_cast %swap3A_910 : i32 to index
        %swap3A_913 = arith.index_cast %swap3A_911 : i32 to index
        %swap3A_914 = arith.constant 80 : index
        %swap3A_915 = tpu.vector_load %arg10[%swap3A_912, %swap3A_913, %swap3A_914] {strides = array<i32>} : memref<2x3x128xi32, #tpu.memory_space<vmem>>, vector<1x1x16xi32>,
        %swap3A_916 = vector.shape_cast %swap3A_915 : vector<1x1x16xi32> to vector<16xi32>
        %swap3A_917 = vector.shape_cast %shift_right_logical3A_909 : vector<16xi32> to vector<1x1x16xi32>
        tpu.vector_store %arg10[%swap3A_912, %swap3A_913, %swap3A_914], %swap3A_917 {strides = array<i32>} : memref<2x3x128xi32, #tpu.memory_space<vmem>>, vector<1x1x16xi32>,
        %add3A_918 = arith.constant 32 : i32
        %add3A_919 = arith.addi %mul3A_635, %add3A_918 : i32
        %get3A_920 = arith.constant 2 : i32
        %get3A_921 = arith.index_cast %get3A_920 : i32 to index
        %get3A_922 = arith.index_cast %shift_right_logical3A_631 : i32 to index
        %get3A_923 = arith.index_cast %add3A_919 : i32 to index
        %get3A_924 = tpu.vector_load %arg9[%get3A_921, %get3A_922, %get3A_923] {strides = array<i32>} : memref<3x32x128xi32, #tpu.memory_space<vmem>>, vector<1x1x16xi32>,
        %get3A_925 = vector.shape_cast %get3A_924 : vector<1x1x16xi32> to vector<16xi32>
        %and3A_926 = arith.andi %get3A_925, %broadcast_in_dim3A_637 : vector<16xi32>
        %swap3A_927 = arith.constant 1 : i32
        %swap3A_928 = arith.constant 2 : i32
        %swap3A_929 = arith.index_cast %swap3A_927 : i32 to index
        %swap3A_930 = arith.index_cast %swap3A_928 : i32 to index
        %swap3A_931 = arith.constant 32 : index
        %swap3A_932 = tpu.vector_load %arg10[%swap3A_929, %swap3A_930, %swap3A_931] {strides = array<i32>} : memref<2x3x128xi32, #tpu.memory_space<vmem>>, vector<1x1x16xi32>,
        %swap3A_933 = vector.shape_cast %swap3A_932 : vector<1x1x16xi32> to vector<16xi32>
        %swap3A_934 = vector.shape_cast %and3A_926 : vector<16xi32> to vector<1x1x16xi32>
        tpu.vector_store %arg10[%swap3A_929, %swap3A_930, %swap3A_931], %swap3A_934 {strides = array<i32>} : memref<2x3x128xi32, #tpu.memory_space<vmem>>, vector<1x1x16xi32>,
        %shift_right_logical3A_935 = arith.constant 16 : i32
        %shift_right_logical3A_936 = vector.broadcast %shift_right_logical3A_935 : i32 to vector<16xi32>
        %shift_right_logical3A_937 = arith.shrui %get3A_925, %shift_right_logical3A_936 : vector<16xi32>
        %swap3A_938 = arith.constant 1 : i32
        %swap3A_939 = arith.constant 2 : i32
        %swap3A_940 = arith.index_cast %swap3A_938 : i32 to index
        %swap3A_941 = arith.index_cast %swap3A_939 : i32 to index
        %swap3A_942 = arith.constant 96 : index
        %swap3A_943 = tpu.vector_load %arg10[%swap3A_940, %swap3A_941, %swap3A_942] {strides = array<i32>} : memref<2x3x128xi32, #tpu.memory_space<vmem>>, vector<1x1x16xi32>,
        %swap3A_944 = vector.shape_cast %swap3A_943 : vector<1x1x16xi32> to vector<16xi32>
        %swap3A_945 = vector.shape_cast %shift_right_logical3A_937 : vector<16xi32> to vector<1x1x16xi32>
        tpu.vector_store %arg10[%swap3A_940, %swap3A_941, %swap3A_942], %swap3A_945 {strides = array<i32>} : memref<2x3x128xi32, #tpu.memory_space<vmem>>, vector<1x1x16xi32>,
        %add3A_946 = arith.constant 48 : i32
        %add3A_947 = arith.addi %mul3A_635, %add3A_946 : i32
        %get3A_948 = arith.constant 2 : i32
        %get3A_949 = arith.index_cast %get3A_948 : i32 to index
        %get3A_950 = arith.index_cast %shift_right_logical3A_631 : i32 to index
        %get3A_951 = arith.index_cast %add3A_947 : i32 to index
        %get3A_952 = tpu.vector_load %arg9[%get3A_949, %get3A_950, %get3A_951] {strides = array<i32>} : memref<3x32x128xi32, #tpu.memory_space<vmem>>, vector<1x1x16xi32>,
        %get3A_953 = vector.shape_cast %get3A_952 : vector<1x1x16xi32> to vector<16xi32>
        %and3A_954 = arith.andi %get3A_953, %broadcast_in_dim3A_637 : vector<16xi32>
        %swap3A_955 = arith.constant 1 : i32
        %swap3A_956 = arith.constant 2 : i32
        %swap3A_957 = arith.index_cast %swap3A_955 : i32 to index
        %swap3A_958 = arith.index_cast %swap3A_956 : i32 to index
        %swap3A_959 = arith.constant 48 : index
        %swap3A_960 = tpu.vector_load %arg10[%swap3A_957, %swap3A_958, %swap3A_959] {strides = array<i32>} : memref<2x3x128xi32, #tpu.memory_space<vmem>>, vector<1x1x16xi32>,
        %swap3A_961 = vector.shape_cast %swap3A_960 : vector<1x1x16xi32> to vector<16xi32>
        %swap3A_962 = vector.shape_cast %and3A_954 : vector<16xi32> to vector<1x1x16xi32>
        tpu.vector_store %arg10[%swap3A_957, %swap3A_958, %swap3A_959], %swap3A_962 {strides = array<i32>} : memref<2x3x128xi32, #tpu.memory_space<vmem>>, vector<1x1x16xi32>,
        %shift_right_logical3A_963 = arith.constant 16 : i32
        %shift_right_logical3A_964 = vector.broadcast %shift_right_logical3A_963 : i32 to vector<16xi32>
        %shift_right_logical3A_965 = arith.shrui %get3A_953, %shift_right_logical3A_964 : vector<16xi32>
        %swap3A_966 = arith.constant 1 : i32
        %swap3A_967 = arith.constant 2 : i32
        %swap3A_968 = arith.index_cast %swap3A_966 : i32 to index
        %swap3A_969 = arith.index_cast %swap3A_967 : i32 to index
        %swap3A_970 = arith.constant 112 : index
        %swap3A_971 = tpu.vector_load %arg10[%swap3A_968, %swap3A_969, %swap3A_970] {strides = array<i32>} : memref<2x3x128xi32, #tpu.memory_space<vmem>>, vector<1x1x16xi32>,
        %swap3A_972 = vector.shape_cast %swap3A_971 : vector<1x1x16xi32> to vector<16xi32>
        %swap3A_973 = vector.shape_cast %shift_right_logical3A_965 : vector<16xi32> to vector<1x1x16xi32>
        tpu.vector_store %arg10[%swap3A_968, %swap3A_969, %swap3A_970], %swap3A_973 {strides = array<i32>} : memref<2x3x128xi32, #tpu.memory_space<vmem>>, vector<1x1x16xi32>,
        %add3A_974 = arith.constant 1 : i32
        %add3A_975 = arith.addi %mul3A_444, %add3A_974 : i32
        %dma_start3A_976 = arith.constant 1 : i32
        %dma_start3A_977 = arith.constant 0 : i32
        %dma_start3A_978 = arith.constant 1 : i32
        %dma_start3A_979 = arith.constant 0 : i32
        %dma_start3A_980 = arith.constant 1 : i32
        %dma_start3A_981 = arith.constant 0 : i32
        %dma_start3A_982 = arith.constant 0 : i32
        %dma_start3A_983 = tpu.memref_slice %arg11[%dma_start3A_978, %dma_start3A_979, %dma_start3A_981, %dma_start3A_982] : memref<2x3x128x128xf32, #tpu.memory_space<vmem>> -> memref<1x1x128x128xf32, #tpu.memory_space<vmem>>
        %dma_start3A_984 = tpu.memref_squeeze %dma_start3A_983 : memref<1x1x128x128xf32, #tpu.memory_space<vmem>> -> memref<128x128xf32, #tpu.memory_space<vmem>>
        %dma_start3A_985 = arith.constant 0 : i32
        %dma_start3A_986 = tpu.memref_slice %arg10[%dma_start3A_976, %dma_start3A_977, %dma_start3A_985] : memref<2x3x128xi32, #tpu.memory_space<vmem>> -> memref<1x1x128xi32, #tpu.memory_space<vmem>>
        %dma_start3A_987 = tpu.memref_squeeze %dma_start3A_986 : memref<1x1x128xi32, #tpu.memory_space<vmem>> -> memref<128xi32, #tpu.memory_space<vmem>>
        %dma_start3A_988 = arith.constant 0 : i32
        %dma_start3A_989 = arith.constant 0 : i32
        %dma_start3A_990 = tpu.memref_slice %arg12[%dma_start3A_988, %dma_start3A_989] : memref<500x128xf32, #tpu.memory_space<vmem_shared>> -> memref<500x128xf32, #tpu.memory_space<vmem_shared>>
        %dma_start3A_991 = tpu.memref_slice %arg15[%dma_start3A_980] : memref<2x!tpu.dma_semaphore, #tpu.memory_space<semaphore_mem>> -> memref<1x!tpu.dma_semaphore, #tpu.memory_space<semaphore_mem>>
        %dma_start3A_992 = tpu.memref_squeeze %dma_start3A_991 : memref<1x!tpu.dma_semaphore, #tpu.memory_space<semaphore_mem>> -> memref<!tpu.dma_semaphore, #tpu.memory_space<semaphore_mem>>
        tpu.enqueue_indirect_dma source(%dma_start3A_990 : memref<500x128xf32, #tpu.memory_space<vmem_shared>>) target(%dma_start3A_984 : memref<128x128xf32, #tpu.memory_space<vmem>>) offsets(%dma_start3A_987 : memref<128xi32, #tpu.memory_space<vmem>>) semaphore(%dma_start3A_992 : memref<!tpu.dma_semaphore, #tpu.memory_space<semaphore_mem>>)
        %dma_start3A_993 = arith.constant 1 : i32
        %dma_start3A_994 = arith.constant 1 : i32
        %dma_start3A_995 = arith.constant 1 : i32
        %dma_start3A_996 = arith.constant 1 : i32
        %dma_start3A_997 = arith.constant 1 : i32
        %dma_start3A_998 = arith.constant 0 : i32
        %dma_start3A_999 = arith.constant 0 : i32
        %dma_start3A_1000 = tpu.memref_slice %arg11[%dma_start3A_995, %dma_start3A_996, %dma_start3A_998, %dma_start3A_999] : memref<2x3x128x128xf32, #tpu.memory_space<vmem>> -> memref<1x1x128x128xf32, #tpu.memory_space<vmem>>
        %dma_start3A_1001 = tpu.memref_squeeze %dma_start3A_1000 : memref<1x1x128x128xf32, #tpu.memory_space<vmem>> -> memref<128x128xf32, #tpu.memory_space<vmem>>
        %dma_start3A_1002 = arith.constant 0 : i32
        %dma_start3A_1003 = tpu.memref_slice %arg10[%dma_start3A_993, %dma_start3A_994, %dma_start3A_1002] : memref<2x3x128xi32, #tpu.memory_space<vmem>> -> memref<1x1x128xi32, #tpu.memory_space<vmem>>
        %dma_start3A_1004 = tpu.memref_squeeze %dma_start3A_1003 : memref<1x1x128xi32, #tpu.memory_space<vmem>> -> memref<128xi32, #tpu.memory_space<vmem>>
        %dma_start3A_1005 = arith.constant 0 : i32
        %dma_start3A_1006 = arith.constant 0 : i32
        %dma_start3A_1007 = tpu.memref_slice %arg13[%dma_start3A_1005, %dma_start3A_1006] : memref<500x128xf32, #tpu.memory_space<vmem_shared>> -> memref<500x128xf32, #tpu.memory_space<vmem_shared>>
        %dma_start3A_1008 = tpu.memref_slice %arg15[%dma_start3A_997] : memref<2x!tpu.dma_semaphore, #tpu.memory_space<semaphore_mem>> -> memref<1x!tpu.dma_semaphore, #tpu.memory_space<semaphore_mem>>
        %dma_start3A_1009 = tpu.memref_squeeze %dma_start3A_1008 : memref<1x!tpu.dma_semaphore, #tpu.memory_space<semaphore_mem>> -> memref<!tpu.dma_semaphore, #tpu.memory_space<semaphore_mem>>
        tpu.enqueue_indirect_dma source(%dma_start3A_1007 : memref<500x128xf32, #tpu.memory_space<vmem_shared>>) target(%dma_start3A_1001 : memref<128x128xf32, #tpu.memory_space<vmem>>) offsets(%dma_start3A_1004 : memref<128xi32, #tpu.memory_space<vmem>>) semaphore(%dma_start3A_1009 : memref<!tpu.dma_semaphore, #tpu.memory_space<semaphore_mem>>)
        %dma_start3A_1010 = arith.constant 1 : i32
        %dma_start3A_1011 = arith.constant 2 : i32
        %dma_start3A_1012 = arith.constant 1 : i32
        %dma_start3A_1013 = arith.constant 2 : i32
        %dma_start3A_1014 = arith.constant 1 : i32
        %dma_start3A_1015 = arith.constant 0 : i32
        %dma_start3A_1016 = arith.constant 0 : i32
        %dma_start3A_1017 = tpu.memref_slice %arg11[%dma_start3A_1012, %dma_start3A_1013, %dma_start3A_1015, %dma_start3A_1016] : memref<2x3x128x128xf32, #tpu.memory_space<vmem>> -> memref<1x1x128x128xf32, #tpu.memory_space<vmem>>
        %dma_start3A_1018 = tpu.memref_squeeze %dma_start3A_1017 : memref<1x1x128x128xf32, #tpu.memory_space<vmem>> -> memref<128x128xf32, #tpu.memory_space<vmem>>
        %dma_start3A_1019 = arith.constant 0 : i32
        %dma_start3A_1020 = tpu.memref_slice %arg10[%dma_start3A_1010, %dma_start3A_1011, %dma_start3A_1019] : memref<2x3x128xi32, #tpu.memory_space<vmem>> -> memref<1x1x128xi32, #tpu.memory_space<vmem>>
        %dma_start3A_1021 = tpu.memref_squeeze %dma_start3A_1020 : memref<1x1x128xi32, #tpu.memory_space<vmem>> -> memref<128xi32, #tpu.memory_space<vmem>>
        %dma_start3A_1022 = arith.constant 0 : i32
        %dma_start3A_1023 = arith.constant 0 : i32
        %dma_start3A_1024 = tpu.memref_slice %arg14[%dma_start3A_1022, %dma_start3A_1023] : memref<500x128xf32, #tpu.memory_space<vmem_shared>> -> memref<500x128xf32, #tpu.memory_space<vmem_shared>>
        %dma_start3A_1025 = tpu.memref_slice %arg15[%dma_start3A_1014] : memref<2x!tpu.dma_semaphore, #tpu.memory_space<semaphore_mem>> -> memref<1x!tpu.dma_semaphore, #tpu.memory_space<semaphore_mem>>
        %dma_start3A_1026 = tpu.memref_squeeze %dma_start3A_1025 : memref<1x!tpu.dma_semaphore, #tpu.memory_space<semaphore_mem>> -> memref<!tpu.dma_semaphore, #tpu.memory_space<semaphore_mem>>
        tpu.enqueue_indirect_dma source(%dma_start3A_1024 : memref<500x128xf32, #tpu.memory_space<vmem_shared>>) target(%dma_start3A_1018 : memref<128x128xf32, #tpu.memory_space<vmem>>) offsets(%dma_start3A_1021 : memref<128xi32, #tpu.memory_space<vmem>>) semaphore(%dma_start3A_1026 : memref<!tpu.dma_semaphore, #tpu.memory_space<semaphore_mem>>)
      } else {
      }
      %parallel_loop3A = arith.constant 0 : i32
      %parallel_loop3A_511 = arith.constant 128 : i32
      %parallel_loop3A_512 = arith.constant 1 : i32
      scf.for %parallel_loop3A_628 = %parallel_loop3A to %parallel_loop3A_511 step %parallel_loop3A_512  : i32 {
        %parallel_loop3A_629 = arith.constant 0 : i32
        %parallel_loop3A_630 = arith.constant 1 : i32
        %parallel_loop3A_631 = arith.index_cast %parallel_loop3A_629 : i32 to index
        %parallel_loop3A_632 = arith.index_cast %parallel_loop3A_630 : i32 to index
        %parallel_loop3A_633 = arith.index_cast %parallel_loop3A_628 : i32 to index
        %parallel_loop3A_634 = arith.constant 0 : index
        %parallel_loop3A_635 = tpu.vector_load %arg11[%parallel_loop3A_631, %parallel_loop3A_632, %parallel_loop3A_633, %parallel_loop3A_634] {strides = array<i32>} : memref<2x3x128x128xf32, #tpu.memory_space<vmem>>, vector<1x1x1x16xf32>,
        %parallel_loop3A_636 = vector.shape_cast %parallel_loop3A_635 : vector<1x1x1x16xf32> to vector<16xf32>
        %parallel_loop3A_637 = arith.constant 0 : i32
        %parallel_loop3A_638 = arith.constant 2 : i32
        %parallel_loop3A_639 = arith.index_cast %parallel_loop3A_637 : i32 to index
        %parallel_loop3A_640 = arith.index_cast %parallel_loop3A_638 : i32 to index
        %parallel_loop3A_641 = arith.index_cast %parallel_loop3A_628 : i32 to index
        %parallel_loop3A_642 = arith.constant 0 : index
        %parallel_loop3A_643 = tpu.vector_load %arg11[%parallel_loop3A_639, %parallel_loop3A_640, %parallel_loop3A_641, %parallel_loop3A_642] {strides = array<i32>} : memref<2x3x128x128xf32, #tpu.memory_space<vmem>>, vector<1x1x1x16xf32>,
        %parallel_loop3A_644 = vector.shape_cast %parallel_loop3A_643 : vector<1x1x1x16xf32> to vector<16xf32>
        %parallel_loop3A_645 = arith.addf %parallel_loop3A_636, %parallel_loop3A_644 : vector<16xf32>
        %parallel_loop3A_646 = arith.constant 0 : i32
        %parallel_loop3A_647 = arith.constant 0 : i32
        %parallel_loop3A_648 = arith.index_cast %parallel_loop3A_646 : i32 to index
        %parallel_loop3A_649 = arith.index_cast %parallel_loop3A_647 : i32 to index
        %parallel_loop3A_650 = arith.index_cast %parallel_loop3A_628 : i32 to index
        %parallel_loop3A_651 = arith.constant 0 : index
        %parallel_loop3A_652 = tpu.vector_load %arg11[%parallel_loop3A_648, %parallel_loop3A_649, %parallel_loop3A_650, %parallel_loop3A_651] {strides = array<i32>} : memref<2x3x128x128xf32, #tpu.memory_space<vmem>>, vector<1x1x1x16xf32>,
        %parallel_loop3A_653 = vector.shape_cast %parallel_loop3A_652 : vector<1x1x1x16xf32> to vector<16xf32>
        %parallel_loop3A_654 = vector.shape_cast %parallel_loop3A_645 : vector<16xf32> to vector<1x1x1x16xf32>
        tpu.vector_store %arg11[%parallel_loop3A_648, %parallel_loop3A_649, %parallel_loop3A_650, %parallel_loop3A_651], %parallel_loop3A_654 {add = true, strides = array<i32>} : memref<2x3x128x128xf32, #tpu.memory_space<vmem>>, vector<1x1x1x16xf32>,
        %parallel_loop3A_655 = arith.constant 0 : i32
        %parallel_loop3A_656 = arith.constant 1 : i32
        %parallel_loop3A_657 = arith.index_cast %parallel_loop3A_655 : i32 to index
        %parallel_loop3A_658 = arith.index_cast %parallel_loop3A_656 : i32 to index
        %parallel_loop3A_659 = arith.index_cast %parallel_loop3A_628 : i32 to index
        %parallel_loop3A_660 = arith.constant 16 : index
        %parallel_loop3A_661 = tpu.vector_load %arg11[%parallel_loop3A_657, %parallel_loop3A_658, %parallel_loop3A_659, %parallel_loop3A_660] {strides = array<i32>} : memref<2x3x128x128xf32, #tpu.memory_space<vmem>>, vector<1x1x1x16xf32>,
        %parallel_loop3A_662 = vector.shape_cast %parallel_loop3A_661 : vector<1x1x1x16xf32> to vector<16xf32>
        %parallel_loop3A_663 = arith.constant 0 : i32
        %parallel_loop3A_664 = arith.constant 2 : i32
        %parallel_loop3A_665 = arith.index_cast %parallel_loop3A_663 : i32 to index
        %parallel_loop3A_666 = arith.index_cast %parallel_loop3A_664 : i32 to index
        %parallel_loop3A_667 = arith.index_cast %parallel_loop3A_628 : i32 to index
        %parallel_loop3A_668 = arith.constant 16 : index
        %parallel_loop3A_669 = tpu.vector_load %arg11[%parallel_loop3A_665, %parallel_loop3A_666, %parallel_loop3A_667, %parallel_loop3A_668] {strides = array<i32>} : memref<2x3x128x128xf32, #tpu.memory_space<vmem>>, vector<1x1x1x16xf32>,
        %parallel_loop3A_670 = vector.shape_cast %parallel_loop3A_669 : vector<1x1x1x16xf32> to vector<16xf32>
        %parallel_loop3A_671 = arith.addf %parallel_loop3A_662, %parallel_loop3A_670 : vector<16xf32>
        %parallel_loop3A_672 = arith.constant 0 : i32
        %parallel_loop3A_673 = arith.constant 0 : i32
        %parallel_loop3A_674 = arith.index_cast %parallel_loop3A_672 : i32 to index
        %parallel_loop3A_675 = arith.index_cast %parallel_loop3A_673 : i32 to index
        %parallel_loop3A_676 = arith.index_cast %parallel_loop3A_628 : i32 to index
        %parallel_loop3A_677 = arith.constant 16 : index
        %parallel_loop3A_678 = tpu.vector_load %arg11[%parallel_loop3A_674, %parallel_loop3A_675, %parallel_loop3A_676, %parallel_loop3A_677] {strides = array<i32>} : memref<2x3x128x128xf32, #tpu.memory_space<vmem>>, vector<1x1x1x16xf32>,
        %parallel_loop3A_679 = vector.shape_cast %parallel_loop3A_678 : vector<1x1x1x16xf32> to vector<16xf32>
        %parallel_loop3A_680 = vector.shape_cast %parallel_loop3A_671 : vector<16xf32> to vector<1x1x1x16xf32>
        tpu.vector_store %arg11[%parallel_loop3A_674, %parallel_loop3A_675, %parallel_loop3A_676, %parallel_loop3A_677], %parallel_loop3A_680 {add = true, strides = array<i32>} : memref<2x3x128x128xf32, #tpu.memory_space<vmem>>, vector<1x1x1x16xf32>,
        %parallel_loop3A_681 = arith.constant 0 : i32
        %parallel_loop3A_682 = arith.constant 1 : i32
        %parallel_loop3A_683 = arith.index_cast %parallel_loop3A_681 : i32 to index
        %parallel_loop3A_684 = arith.index_cast %parallel_loop3A_682 : i32 to index
        %parallel_loop3A_685 = arith.index_cast %parallel_loop3A_628 : i32 to index
        %parallel_loop3A_686 = arith.constant 32 : index
        %parallel_loop3A_687 = tpu.vector_load %arg11[%parallel_loop3A_683, %parallel_loop3A_684, %parallel_loop3A_685, %parallel_loop3A_686] {strides = array<i32>} : memref<2x3x128x128xf32, #tpu.memory_space<vmem>>, vector<1x1x1x16xf32>,
        %parallel_loop3A_688 = vector.shape_cast %parallel_loop3A_687 : vector<1x1x1x16xf32> to vector<16xf32>
        %parallel_loop3A_689 = arith.constant 0 : i32
        %parallel_loop3A_690 = arith.constant 2 : i32
        %parallel_loop3A_691 = arith.index_cast %parallel_loop3A_689 : i32 to index
        %parallel_loop3A_692 = arith.index_cast %parallel_loop3A_690 : i32 to index
        %parallel_loop3A_693 = arith.index_cast %parallel_loop3A_628 : i32 to index
        %parallel_loop3A_694 = arith.constant 32 : index
        %parallel_loop3A_695 = tpu.vector_load %arg11[%parallel_loop3A_691, %parallel_loop3A_692, %parallel_loop3A_693, %parallel_loop3A_694] {strides = array<i32>} : memref<2x3x128x128xf32, #tpu.memory_space<vmem>>, vector<1x1x1x16xf32>,
        %parallel_loop3A_696 = vector.shape_cast %parallel_loop3A_695 : vector<1x1x1x16xf32> to vector<16xf32>
        %parallel_loop3A_697 = arith.addf %parallel_loop3A_688, %parallel_loop3A_696 : vector<16xf32>
        %parallel_loop3A_698 = arith.constant 0 : i32
        %parallel_loop3A_699 = arith.constant 0 : i32
        %parallel_loop3A_700 = arith.index_cast %parallel_loop3A_698 : i32 to index
        %parallel_loop3A_701 = arith.index_cast %parallel_loop3A_699 : i32 to index
        %parallel_loop3A_702 = arith.index_cast %parallel_loop3A_628 : i32 to index
        %parallel_loop3A_703 = arith.constant 32 : index
        %parallel_loop3A_704 = tpu.vector_load %arg11[%parallel_loop3A_700, %parallel_loop3A_701, %parallel_loop3A_702, %parallel_loop3A_703] {strides = array<i32>} : memref<2x3x128x128xf32, #tpu.memory_space<vmem>>, vector<1x1x1x16xf32>,
        %parallel_loop3A_705 = vector.shape_cast %parallel_loop3A_704 : vector<1x1x1x16xf32> to vector<16xf32>
        %parallel_loop3A_706 = vector.shape_cast %parallel_loop3A_697 : vector<16xf32> to vector<1x1x1x16xf32>
        tpu.vector_store %arg11[%parallel_loop3A_700, %parallel_loop3A_701, %parallel_loop3A_702, %parallel_loop3A_703], %parallel_loop3A_706 {add = true, strides = array<i32>} : memref<2x3x128x128xf32, #tpu.memory_space<vmem>>, vector<1x1x1x16xf32>,
        %parallel_loop3A_707 = arith.constant 0 : i32
        %parallel_loop3A_708 = arith.constant 1 : i32
        %parallel_loop3A_709 = arith.index_cast %parallel_loop3A_707 : i32 to index
        %parallel_loop3A_710 = arith.index_cast %parallel_loop3A_708 : i32 to index
        %parallel_loop3A_711 = arith.index_cast %parallel_loop3A_628 : i32 to index
        %parallel_loop3A_712 = arith.constant 48 : index
        %parallel_loop3A_713 = tpu.vector_load %arg11[%parallel_loop3A_709, %parallel_loop3A_710, %parallel_loop3A_711, %parallel_loop3A_712] {strides = array<i32>} : memref<2x3x128x128xf32, #tpu.memory_space<vmem>>, vector<1x1x1x16xf32>,
        %parallel_loop3A_714 = vector.shape_cast %parallel_loop3A_713 : vector<1x1x1x16xf32> to vector<16xf32>
        %parallel_loop3A_715 = arith.constant 0 : i32
        %parallel_loop3A_716 = arith.constant 2 : i32
        %parallel_loop3A_717 = arith.index_cast %parallel_loop3A_715 : i32 to index
        %parallel_loop3A_718 = arith.index_cast %parallel_loop3A_716 : i32 to index
        %parallel_loop3A_719 = arith.index_cast %parallel_loop3A_628 : i32 to index
        %parallel_loop3A_720 = arith.constant 48 : index
        %parallel_loop3A_721 = tpu.vector_load %arg11[%parallel_loop3A_717, %parallel_loop3A_718, %parallel_loop3A_719, %parallel_loop3A_720] {strides = array<i32>} : memref<2x3x128x128xf32, #tpu.memory_space<vmem>>, vector<1x1x1x16xf32>,
        %parallel_loop3A_722 = vector.shape_cast %parallel_loop3A_721 : vector<1x1x1x16xf32> to vector<16xf32>
        %parallel_loop3A_723 = arith.addf %parallel_loop3A_714, %parallel_loop3A_722 : vector<16xf32>
        %parallel_loop3A_724 = arith.constant 0 : i32
        %parallel_loop3A_725 = arith.constant 0 : i32
        %parallel_loop3A_726 = arith.index_cast %parallel_loop3A_724 : i32 to index
        %parallel_loop3A_727 = arith.index_cast %parallel_loop3A_725 : i32 to index
        %parallel_loop3A_728 = arith.index_cast %parallel_loop3A_628 : i32 to index
        %parallel_loop3A_729 = arith.constant 48 : index
        %parallel_loop3A_730 = tpu.vector_load %arg11[%parallel_loop3A_726, %parallel_loop3A_727, %parallel_loop3A_728, %parallel_loop3A_729] {strides = array<i32>} : memref<2x3x128x128xf32, #tpu.memory_space<vmem>>, vector<1x1x1x16xf32>,
        %parallel_loop3A_731 = vector.shape_cast %parallel_loop3A_730 : vector<1x1x1x16xf32> to vector<16xf32>
        %parallel_loop3A_732 = vector.shape_cast %parallel_loop3A_723 : vector<16xf32> to vector<1x1x1x16xf32>
        tpu.vector_store %arg11[%parallel_loop3A_726, %parallel_loop3A_727, %parallel_loop3A_728, %parallel_loop3A_729], %parallel_loop3A_732 {add = true, strides = array<i32>} : memref<2x3x128x128xf32, #tpu.memory_space<vmem>>, vector<1x1x1x16xf32>,
        %parallel_loop3A_733 = arith.constant 0 : i32
        %parallel_loop3A_734 = arith.constant 1 : i32
        %parallel_loop3A_735 = arith.index_cast %parallel_loop3A_733 : i32 to index
        %parallel_loop3A_736 = arith.index_cast %parallel_loop3A_734 : i32 to index
        %parallel_loop3A_737 = arith.index_cast %parallel_loop3A_628 : i32 to index
        %parallel_loop3A_738 = arith.constant 64 : index
        %parallel_loop3A_739 = tpu.vector_load %arg11[%parallel_loop3A_735, %parallel_loop3A_736, %parallel_loop3A_737, %parallel_loop3A_738] {strides = array<i32>} : memref<2x3x128x128xf32, #tpu.memory_space<vmem>>, vector<1x1x1x16xf32>,
        %parallel_loop3A_740 = vector.shape_cast %parallel_loop3A_739 : vector<1x1x1x16xf32> to vector<16xf32>
        %parallel_loop3A_741 = arith.constant 0 : i32
        %parallel_loop3A_742 = arith.constant 2 : i32
        %parallel_loop3A_743 = arith.index_cast %parallel_loop3A_741 : i32 to index
        %parallel_loop3A_744 = arith.index_cast %parallel_loop3A_742 : i32 to index
        %parallel_loop3A_745 = arith.index_cast %parallel_loop3A_628 : i32 to index
        %parallel_loop3A_746 = arith.constant 64 : index
        %parallel_loop3A_747 = tpu.vector_load %arg11[%parallel_loop3A_743, %parallel_loop3A_744, %parallel_loop3A_745, %parallel_loop3A_746] {strides = array<i32>} : memref<2x3x128x128xf32, #tpu.memory_space<vmem>>, vector<1x1x1x16xf32>,
        %parallel_loop3A_748 = vector.shape_cast %parallel_loop3A_747 : vector<1x1x1x16xf32> to vector<16xf32>
        %parallel_loop3A_749 = arith.addf %parallel_loop3A_740, %parallel_loop3A_748 : vector<16xf32>
        %parallel_loop3A_750 = arith.constant 0 : i32
        %parallel_loop3A_751 = arith.constant 0 : i32
        %parallel_loop3A_752 = arith.index_cast %parallel_loop3A_750 : i32 to index
        %parallel_loop3A_753 = arith.index_cast %parallel_loop3A_751 : i32 to index
        %parallel_loop3A_754 = arith.index_cast %parallel_loop3A_628 : i32 to index
        %parallel_loop3A_755 = arith.constant 64 : index
        %parallel_loop3A_756 = tpu.vector_load %arg11[%parallel_loop3A_752, %parallel_loop3A_753, %parallel_loop3A_754, %parallel_loop3A_755] {strides = array<i32>} : memref<2x3x128x128xf32, #tpu.memory_space<vmem>>, vector<1x1x1x16xf32>,
        %parallel_loop3A_757 = vector.shape_cast %parallel_loop3A_756 : vector<1x1x1x16xf32> to vector<16xf32>
        %parallel_loop3A_758 = vector.shape_cast %parallel_loop3A_749 : vector<16xf32> to vector<1x1x1x16xf32>
        tpu.vector_store %arg11[%parallel_loop3A_752, %parallel_loop3A_753, %parallel_loop3A_754, %parallel_loop3A_755], %parallel_loop3A_758 {add = true, strides = array<i32>} : memref<2x3x128x128xf32, #tpu.memory_space<vmem>>, vector<1x1x1x16xf32>,
        %parallel_loop3A_759 = arith.constant 0 : i32
        %parallel_loop3A_760 = arith.constant 1 : i32
        %parallel_loop3A_761 = arith.index_cast %parallel_loop3A_759 : i32 to index
        %parallel_loop3A_762 = arith.index_cast %parallel_loop3A_760 : i32 to index
        %parallel_loop3A_763 = arith.index_cast %parallel_loop3A_628 : i32 to index
        %parallel_loop3A_764 = arith.constant 80 : index
        %parallel_loop3A_765 = tpu.vector_load %arg11[%parallel_loop3A_761, %parallel_loop3A_762, %parallel_loop3A_763, %parallel_loop3A_764] {strides = array<i32>} : memref<2x3x128x128xf32, #tpu.memory_space<vmem>>, vector<1x1x1x16xf32>,
        %parallel_loop3A_766 = vector.shape_cast %parallel_loop3A_765 : vector<1x1x1x16xf32> to vector<16xf32>
        %parallel_loop3A_767 = arith.constant 0 : i32
        %parallel_loop3A_768 = arith.constant 2 : i32
        %parallel_loop3A_769 = arith.index_cast %parallel_loop3A_767 : i32 to index
        %parallel_loop3A_770 = arith.index_cast %parallel_loop3A_768 : i32 to index
        %parallel_loop3A_771 = arith.index_cast %parallel_loop3A_628 : i32 to index
        %parallel_loop3A_772 = arith.constant 80 : index
        %parallel_loop3A_773 = tpu.vector_load %arg11[%parallel_loop3A_769, %parallel_loop3A_770, %parallel_loop3A_771, %parallel_loop3A_772] {strides = array<i32>} : memref<2x3x128x128xf32, #tpu.memory_space<vmem>>, vector<1x1x1x16xf32>,
        %parallel_loop3A_774 = vector.shape_cast %parallel_loop3A_773 : vector<1x1x1x16xf32> to vector<16xf32>
        %parallel_loop3A_775 = arith.addf %parallel_loop3A_766, %parallel_loop3A_774 : vector<16xf32>
        %parallel_loop3A_776 = arith.constant 0 : i32
        %parallel_loop3A_777 = arith.constant 0 : i32
        %parallel_loop3A_778 = arith.index_cast %parallel_loop3A_776 : i32 to index
        %parallel_loop3A_779 = arith.index_cast %parallel_loop3A_777 : i32 to index
        %parallel_loop3A_780 = arith.index_cast %parallel_loop3A_628 : i32 to index
        %parallel_loop3A_781 = arith.constant 80 : index
        %parallel_loop3A_782 = tpu.vector_load %arg11[%parallel_loop3A_778, %parallel_loop3A_779, %parallel_loop3A_780, %parallel_loop3A_781] {strides = array<i32>} : memref<2x3x128x128xf32, #tpu.memory_space<vmem>>, vector<1x1x1x16xf32>,
        %parallel_loop3A_783 = vector.shape_cast %parallel_loop3A_782 : vector<1x1x1x16xf32> to vector<16xf32>
        %parallel_loop3A_784 = vector.shape_cast %parallel_loop3A_775 : vector<16xf32> to vector<1x1x1x16xf32>
        tpu.vector_store %arg11[%parallel_loop3A_778, %parallel_loop3A_779, %parallel_loop3A_780, %parallel_loop3A_781], %parallel_loop3A_784 {add = true, strides = array<i32>} : memref<2x3x128x128xf32, #tpu.memory_space<vmem>>, vector<1x1x1x16xf32>,
        %parallel_loop3A_785 = arith.constant 0 : i32
        %parallel_loop3A_786 = arith.constant 1 : i32
        %parallel_loop3A_787 = arith.index_cast %parallel_loop3A_785 : i32 to index
        %parallel_loop3A_788 = arith.index_cast %parallel_loop3A_786 : i32 to index
        %parallel_loop3A_789 = arith.index_cast %parallel_loop3A_628 : i32 to index
        %parallel_loop3A_790 = arith.constant 96 : index
        %parallel_loop3A_791 = tpu.vector_load %arg11[%parallel_loop3A_787, %parallel_loop3A_788, %parallel_loop3A_789, %parallel_loop3A_790] {strides = array<i32>} : memref<2x3x128x128xf32, #tpu.memory_space<vmem>>, vector<1x1x1x16xf32>,
        %parallel_loop3A_792 = vector.shape_cast %parallel_loop3A_791 : vector<1x1x1x16xf32> to vector<16xf32>
        %parallel_loop3A_793 = arith.constant 0 : i32
        %parallel_loop3A_794 = arith.constant 2 : i32
        %parallel_loop3A_795 = arith.index_cast %parallel_loop3A_793 : i32 to index
        %parallel_loop3A_796 = arith.index_cast %parallel_loop3A_794 : i32 to index
        %parallel_loop3A_797 = arith.index_cast %parallel_loop3A_628 : i32 to index
        %parallel_loop3A_798 = arith.constant 96 : index
        %parallel_loop3A_799 = tpu.vector_load %arg11[%parallel_loop3A_795, %parallel_loop3A_796, %parallel_loop3A_797, %parallel_loop3A_798] {strides = array<i32>} : memref<2x3x128x128xf32, #tpu.memory_space<vmem>>, vector<1x1x1x16xf32>,
        %parallel_loop3A_800 = vector.shape_cast %parallel_loop3A_799 : vector<1x1x1x16xf32> to vector<16xf32>
        %parallel_loop3A_801 = arith.addf %parallel_loop3A_792, %parallel_loop3A_800 : vector<16xf32>
        %parallel_loop3A_802 = arith.constant 0 : i32
        %parallel_loop3A_803 = arith.constant 0 : i32
        %parallel_loop3A_804 = arith.index_cast %parallel_loop3A_802 : i32 to index
        %parallel_loop3A_805 = arith.index_cast %parallel_loop3A_803 : i32 to index
        %parallel_loop3A_806 = arith.index_cast %parallel_loop3A_628 : i32 to index
        %parallel_loop3A_807 = arith.constant 96 : index
        %parallel_loop3A_808 = tpu.vector_load %arg11[%parallel_loop3A_804, %parallel_loop3A_805, %parallel_loop3A_806, %parallel_loop3A_807] {strides = array<i32>} : memref<2x3x128x128xf32, #tpu.memory_space<vmem>>, vector<1x1x1x16xf32>,
        %parallel_loop3A_809 = vector.shape_cast %parallel_loop3A_808 : vector<1x1x1x16xf32> to vector<16xf32>
        %parallel_loop3A_810 = vector.shape_cast %parallel_loop3A_801 : vector<16xf32> to vector<1x1x1x16xf32>
        tpu.vector_store %arg11[%parallel_loop3A_804, %parallel_loop3A_805, %parallel_loop3A_806, %parallel_loop3A_807], %parallel_loop3A_810 {add = true, strides = array<i32>} : memref<2x3x128x128xf32, #tpu.memory_space<vmem>>, vector<1x1x1x16xf32>,
        %parallel_loop3A_811 = arith.constant 0 : i32
        %parallel_loop3A_812 = arith.constant 1 : i32
        %parallel_loop3A_813 = arith.index_cast %parallel_loop3A_811 : i32 to index
        %parallel_loop3A_814 = arith.index_cast %parallel_loop3A_812 : i32 to index
        %parallel_loop3A_815 = arith.index_cast %parallel_loop3A_628 : i32 to index
        %parallel_loop3A_816 = arith.constant 112 : index
        %parallel_loop3A_817 = tpu.vector_load %arg11[%parallel_loop3A_813, %parallel_loop3A_814, %parallel_loop3A_815, %parallel_loop3A_816] {strides = array<i32>} : memref<2x3x128x128xf32, #tpu.memory_space<vmem>>, vector<1x1x1x16xf32>,
        %parallel_loop3A_818 = vector.shape_cast %parallel_loop3A_817 : vector<1x1x1x16xf32> to vector<16xf32>
        %parallel_loop3A_819 = arith.constant 0 : i32
        %parallel_loop3A_820 = arith.constant 2 : i32
        %parallel_loop3A_821 = arith.index_cast %parallel_loop3A_819 : i32 to index
        %parallel_loop3A_822 = arith.index_cast %parallel_loop3A_820 : i32 to index
        %parallel_loop3A_823 = arith.index_cast %parallel_loop3A_628 : i32 to index
        %parallel_loop3A_824 = arith.constant 112 : index
        %parallel_loop3A_825 = tpu.vector_load %arg11[%parallel_loop3A_821, %parallel_loop3A_822, %parallel_loop3A_823, %parallel_loop3A_824] {strides = array<i32>} : memref<2x3x128x128xf32, #tpu.memory_space<vmem>>, vector<1x1x1x16xf32>,
        %parallel_loop3A_826 = vector.shape_cast %parallel_loop3A_825 : vector<1x1x1x16xf32> to vector<16xf32>
        %parallel_loop3A_827 = arith.addf %parallel_loop3A_818, %parallel_loop3A_826 : vector<16xf32>
        %parallel_loop3A_828 = arith.constant 0 : i32
        %parallel_loop3A_829 = arith.constant 0 : i32
        %parallel_loop3A_830 = arith.index_cast %parallel_loop3A_828 : i32 to index
        %parallel_loop3A_831 = arith.index_cast %parallel_loop3A_829 : i32 to index
        %parallel_loop3A_832 = arith.index_cast %parallel_loop3A_628 : i32 to index
        %parallel_loop3A_833 = arith.constant 112 : index
        %parallel_loop3A_834 = tpu.vector_load %arg11[%parallel_loop3A_830, %parallel_loop3A_831, %parallel_loop3A_832, %parallel_loop3A_833] {strides = array<i32>} : memref<2x3x128x128xf32, #tpu.memory_space<vmem>>, vector<1x1x1x16xf32>,
        %parallel_loop3A_835 = vector.shape_cast %parallel_loop3A_834 : vector<1x1x1x16xf32> to vector<16xf32>
        %parallel_loop3A_836 = vector.shape_cast %parallel_loop3A_827 : vector<16xf32> to vector<1x1x1x16xf32>
        tpu.vector_store %arg11[%parallel_loop3A_830, %parallel_loop3A_831, %parallel_loop3A_832, %parallel_loop3A_833], %parallel_loop3A_836 {add = true, strides = array<i32>} : memref<2x3x128x128xf32, #tpu.memory_space<vmem>>, vector<1x1x1x16xf32>,
      } {sc.loop_unroll_factor = 4 : i64, sc.parallel_access}
      %mul3A_513 = arith.constant 128 : i32
      %mul3A_514 = arith.muli %mul3A_444, %mul3A_513 : i32
      %add3A_515 = arith.addi %mul3A_2, %mul3A_514 : i32
      %dma_start3A_516 = arith.constant 0 : i32
      %dma_start3A_517 = arith.constant 0 : i32
      %dma_start3A_518 = arith.constant 0 : i32
      %dma_start3A_519 = arith.constant 0 : i32
      %dma_start3A_520 = arith.constant 0 : i32
      %dma_start3A_521 = tpu.memref_slice %arg11[%dma_start3A_516, %dma_start3A_517, %dma_start3A_519, %dma_start3A_520] : memref<2x3x128x128xf32, #tpu.memory_space<vmem>> -> memref<1x1x128x128xf32, #tpu.memory_space<vmem>>
      %dma_start3A_522 = tpu.memref_squeeze %dma_start3A_521 : memref<1x1x128x128xf32, #tpu.memory_space<vmem>> -> memref<128x128xf32, #tpu.memory_space<vmem>>
      %dma_start3A_523 = arith.constant 0 : i32
      %dma_start3A_524 = tpu.memref_slice %arg8[%add3A_515, %dma_start3A_523] : memref<262144x128xf32, #tpu.memory_space<hbm>> -> memref<128x128xf32, #tpu.memory_space<hbm>>
      %dma_start3A_525 = tpu.memref_slice %arg16[%dma_start3A_518] : memref<2x!tpu.dma_semaphore, #tpu.memory_space<semaphore_mem>> -> memref<1x!tpu.dma_semaphore, #tpu.memory_space<semaphore_mem>>
      %dma_start3A_526 = tpu.memref_squeeze %dma_start3A_525 : memref<1x!tpu.dma_semaphore, #tpu.memory_space<semaphore_mem>> -> memref<!tpu.dma_semaphore, #tpu.memory_space<semaphore_mem>>
      %dma_start3A_527 = arith.constant 0 : i32
      %dma_start3A_528 = tpu.memref_slice %arg8[%add3A_515, %dma_start3A_527] : memref<262144x128xf32, #tpu.memory_space<hbm>> -> memref<128x128xf32, #tpu.memory_space<hbm>>
      %dma_start3A_529 = arith.constant 0 : i32
      %dma_start3A_530 = arith.constant 0 : i32
      %dma_start3A_531 = tpu.memref_slice %arg11[%dma_start3A_516, %dma_start3A_517, %dma_start3A_529, %dma_start3A_530] : memref<2x3x128x128xf32, #tpu.memory_space<vmem>> -> memref<1x1x128x128xf32, #tpu.memory_space<vmem>>
      %dma_start3A_532 = tpu.memref_squeeze %dma_start3A_531 : memref<1x1x128x128xf32, #tpu.memory_space<vmem>> -> memref<128x128xf32, #tpu.memory_space<vmem>>
      tpu.enqueue_dma source(%dma_start3A_532 : memref<128x128xf32, #tpu.memory_space<vmem>>) target(%dma_start3A_528 : memref<128x128xf32, #tpu.memory_space<hbm>>) target_semaphore(%dma_start3A_526 : memref<!tpu.dma_semaphore, #tpu.memory_space<semaphore_mem>>)
      %mul3A_533 = arith.constant 2 : i32
      %mul3A_534 = arith.muli %mul3A_533, %scan3A_442 : i32
      %add3A_535 = arith.constant 1 : i32
      %add3A_536 = arith.addi %mul3A_534, %add3A_535 : i32
      %dma_wait3A_537 = arith.constant 1 : i32
      %dma_wait3A_538 = arith.constant 0 : i32
      %dma_wait3A_539 = arith.constant 1 : i32
      %dma_wait3A_540 = arith.constant 0 : i32
      %dma_wait3A_541 = arith.constant 1 : i32
      %dma_wait3A_542 = arith.constant 0 : i32
      %dma_wait3A_543 = arith.constant 0 : i32
      %dma_wait3A_544 = tpu.memref_slice %arg11[%dma_wait3A_539, %dma_wait3A_540, %dma_wait3A_542, %dma_wait3A_543] : memref<2x3x128x128xf32, #tpu.memory_space<vmem>> -> memref<1x1x128x128xf32, #tpu.memory_space<vmem>>
      %dma_wait3A_545 = tpu.memref_squeeze %dma_wait3A_544 : memref<1x1x128x128xf32, #tpu.memory_space<vmem>> -> memref<128x128xf32, #tpu.memory_space<vmem>>
      %dma_wait3A_546 = arith.constant 0 : i32
      %dma_wait3A_547 = tpu.memref_slice %arg10[%dma_wait3A_537, %dma_wait3A_538, %dma_wait3A_546] : memref<2x3x128xi32, #tpu.memory_space<vmem>> -> memref<1x1x128xi32, #tpu.memory_space<vmem>>
      %dma_wait3A_548 = tpu.memref_squeeze %dma_wait3A_547 : memref<1x1x128xi32, #tpu.memory_space<vmem>> -> memref<128xi32, #tpu.memory_space<vmem>>
      %dma_wait3A_549 = arith.constant 0 : i32
      %dma_wait3A_550 = arith.constant 0 : i32
      %dma_wait3A_551 = tpu.memref_slice %arg12[%dma_wait3A_549, %dma_wait3A_550] : memref<500x128xf32, #tpu.memory_space<vmem_shared>> -> memref<500x128xf32, #tpu.memory_space<vmem_shared>>
      %dma_wait3A_552 = tpu.memref_slice %arg15[%dma_wait3A_541] : memref<2x!tpu.dma_semaphore, #tpu.memory_space<semaphore_mem>> -> memref<1x!tpu.dma_semaphore, #tpu.memory_space<semaphore_mem>>
      %dma_wait3A_553 = tpu.memref_squeeze %dma_wait3A_552 : memref<1x!tpu.dma_semaphore, #tpu.memory_space<semaphore_mem>> -> memref<!tpu.dma_semaphore, #tpu.memory_space<semaphore_mem>>
      tpu.wait_indirect_dma semaphore(%dma_wait3A_553 : memref<!tpu.dma_semaphore, #tpu.memory_space<semaphore_mem>>) src(%dma_wait3A_551 : memref<500x128xf32, #tpu.memory_space<vmem_shared>>) dst(%dma_wait3A_545 : memref<128x128xf32, #tpu.memory_space<vmem>>)
      %dma_wait3A_554 = arith.constant 1 : i32
      %dma_wait3A_555 = arith.constant 1 : i32
      %dma_wait3A_556 = arith.constant 1 : i32
      %dma_wait3A_557 = arith.constant 1 : i32
      %dma_wait3A_558 = arith.constant 1 : i32
      %dma_wait3A_559 = arith.constant 0 : i32
      %dma_wait3A_560 = arith.constant 0 : i32
      %dma_wait3A_561 = tpu.memref_slice %arg11[%dma_wait3A_556, %dma_wait3A_557, %dma_wait3A_559, %dma_wait3A_560] : memref<2x3x128x128xf32, #tpu.memory_space<vmem>> -> memref<1x1x128x128xf32, #tpu.memory_space<vmem>>
      %dma_wait3A_562 = tpu.memref_squeeze %dma_wait3A_561 : memref<1x1x128x128xf32, #tpu.memory_space<vmem>> -> memref<128x128xf32, #tpu.memory_space<vmem>>
      %dma_wait3A_563 = arith.constant 0 : i32
      %dma_wait3A_564 = tpu.memref_slice %arg10[%dma_wait3A_554, %dma_wait3A_555, %dma_wait3A_563] : memref<2x3x128xi32, #tpu.memory_space<vmem>> -> memref<1x1x128xi32, #tpu.memory_space<vmem>>
      %dma_wait3A_565 = tpu.memref_squeeze %dma_wait3A_564 : memref<1x1x128xi32, #tpu.memory_space<vmem>> -> memref<128xi32, #tpu.memory_space<vmem>>
      %dma_wait3A_566 = arith.constant 0 : i32
      %dma_wait3A_567 = arith.constant 0 : i32
      %dma_wait3A_568 = tpu.memref_slice %arg13[%dma_wait3A_566, %dma_wait3A_567] : memref<500x128xf32, #tpu.memory_space<vmem_shared>> -> memref<500x128xf32, #tpu.memory_space<vmem_shared>>
      %dma_wait3A_569 = tpu.memref_slice %arg15[%dma_wait3A_558] : memref<2x!tpu.dma_semaphore, #tpu.memory_space<semaphore_mem>> -> memref<1x!tpu.dma_semaphore, #tpu.memory_space<semaphore_mem>>
      %dma_wait3A_570 = tpu.memref_squeeze %dma_wait3A_569 : memref<1x!tpu.dma_semaphore, #tpu.memory_space<semaphore_mem>> -> memref<!tpu.dma_semaphore, #tpu.memory_space<semaphore_mem>>
      tpu.wait_indirect_dma semaphore(%dma_wait3A_570 : memref<!tpu.dma_semaphore, #tpu.memory_space<semaphore_mem>>) src(%dma_wait3A_568 : memref<500x128xf32, #tpu.memory_space<vmem_shared>>) dst(%dma_wait3A_562 : memref<128x128xf32, #tpu.memory_space<vmem>>)
      %dma_wait3A_571 = arith.constant 1 : i32
      %dma_wait3A_572 = arith.constant 2 : i32
      %dma_wait3A_573 = arith.constant 1 : i32
      %dma_wait3A_574 = arith.constant 2 : i32
      %dma_wait3A_575 = arith.constant 1 : i32
      %dma_wait3A_576 = arith.constant 0 : i32
      %dma_wait3A_577 = arith.constant 0 : i32
      %dma_wait3A_578 = tpu.memref_slice %arg11[%dma_wait3A_573, %dma_wait3A_574, %dma_wait3A_576, %dma_wait3A_577] : memref<2x3x128x128xf32, #tpu.memory_space<vmem>> -> memref<1x1x128x128xf32, #tpu.memory_space<vmem>>
      %dma_wait3A_579 = tpu.memref_squeeze %dma_wait3A_578 : memref<1x1x128x128xf32, #tpu.memory_space<vmem>> -> memref<128x128xf32, #tpu.memory_space<vmem>>
      %dma_wait3A_580 = arith.constant 0 : i32
      %dma_wait3A_581 = tpu.memref_slice %arg10[%dma_wait3A_571, %dma_wait3A_572, %dma_wait3A_580] : memref<2x3x128xi32, #tpu.memory_space<vmem>> -> memref<1x1x128xi32, #tpu.memory_space<vmem>>
      %dma_wait3A_582 = tpu.memref_squeeze %dma_wait3A_581 : memref<1x1x128xi32, #tpu.memory_space<vmem>> -> memref<128xi32, #tpu.memory_space<vmem>>
      %dma_wait3A_583 = arith.constant 0 : i32
      %dma_wait3A_584 = arith.constant 0 : i32
      %dma_wait3A_585 = tpu.memref_slice %arg14[%dma_wait3A_583, %dma_wait3A_584] : memref<500x128xf32, #tpu.memory_space<vmem_shared>> -> memref<500x128xf32, #tpu.memory_space<vmem_shared>>
      %dma_wait3A_586 = tpu.memref_slice %arg15[%dma_wait3A_575] : memref<2x!tpu.dma_semaphore, #tpu.memory_space<semaphore_mem>> -> memref<1x!tpu.dma_semaphore, #tpu.memory_space<semaphore_mem>>
      %dma_wait3A_587 = tpu.memref_squeeze %dma_wait3A_586 : memref<1x!tpu.dma_semaphore, #tpu.memory_space<semaphore_mem>> -> memref<!tpu.dma_semaphore, #tpu.memory_space<semaphore_mem>>
      tpu.wait_indirect_dma semaphore(%dma_wait3A_587 : memref<!tpu.dma_semaphore, #tpu.memory_space<semaphore_mem>>) src(%dma_wait3A_585 : memref<500x128xf32, #tpu.memory_space<vmem_shared>>) dst(%dma_wait3A_579 : memref<128x128xf32, #tpu.memory_space<vmem>>)
      %ge3A_588 = arith.constant 1 : i32
      %ge3A_589 = arith.cmpi sge, %add3A_536, %ge3A_588 : i32
      %add3A_590 = arith.constant 1 : i32
      %add3A_591 = arith.addi %add3A_536, %add3A_590 : i32
      %lt3A_592 = arith.constant 64 : i32
      %lt3A_593 = arith.cmpi slt, %add3A_591, %lt3A_592 : i32
      %and3A_594 = arith.andi %ge3A_589, %lt3A_593 : i1
      %convert_element_type3A_595 = arith.extui %and3A_594 : i1 to i32
      %cond3A_596 = arith.constant 0 : i32
      %cond3A_597 = arith.cmpi ne, %convert_element_type3A_595, %cond3A_596 : i32
      scf.if %cond3A_597 {
        %dma_wait3A_628 = arith.constant 0 : i32
        %dma_wait3A_629 = arith.constant 0 : i32
        %dma_wait3A_630 = arith.constant 0 : i32
        %dma_wait3A_631 = arith.constant 0 : i32
        %dma_wait3A_632 = arith.constant 0 : i32
        %dma_wait3A_633 = tpu.memref_slice %arg11[%dma_wait3A_628, %dma_wait3A_629, %dma_wait3A_631, %dma_wait3A_632] : memref<2x3x128x128xf32, #tpu.memory_space<vmem>> -> memref<1x1x128x128xf32, #tpu.memory_space<vmem>>
        %dma_wait3A_634 = tpu.memref_squeeze %dma_wait3A_633 : memref<1x1x128x128xf32, #tpu.memory_space<vmem>> -> memref<128x128xf32, #tpu.memory_space<vmem>>
        %dma_wait3A_635 = arith.constant 0 : i32
        %dma_wait3A_636 = tpu.memref_slice %arg8[%mul3A_2, %dma_wait3A_635] : memref<262144x128xf32, #tpu.memory_space<hbm>> -> memref<128x128xf32, #tpu.memory_space<hbm>>
        %dma_wait3A_637 = tpu.memref_slice %arg16[%dma_wait3A_630] : memref<2x!tpu.dma_semaphore, #tpu.memory_space<semaphore_mem>> -> memref<1x!tpu.dma_semaphore, #tpu.memory_space<semaphore_mem>>
        %dma_wait3A_638 = tpu.memref_squeeze %dma_wait3A_637 : memref<1x!tpu.dma_semaphore, #tpu.memory_space<semaphore_mem>> -> memref<!tpu.dma_semaphore, #tpu.memory_space<semaphore_mem>>
        %dma_wait3A_639 = arith.constant 0 : i32
        %dma_wait3A_640 = tpu.memref_slice %arg8[%mul3A_2, %dma_wait3A_639] : memref<262144x128xf32, #tpu.memory_space<hbm>> -> memref<128x128xf32, #tpu.memory_space<hbm>>
        %dma_wait3A_641 = arith.constant 0 : i32
        %dma_wait3A_642 = arith.constant 0 : i32
        %dma_wait3A_643 = tpu.memref_slice %arg11[%dma_wait3A_628, %dma_wait3A_629, %dma_wait3A_641, %dma_wait3A_642] : memref<2x3x128x128xf32, #tpu.memory_space<vmem>> -> memref<1x1x128x128xf32, #tpu.memory_space<vmem>>
        %dma_wait3A_644 = tpu.memref_squeeze %dma_wait3A_643 : memref<1x1x128x128xf32, #tpu.memory_space<vmem>> -> memref<128x128xf32, #tpu.memory_space<vmem>>
        tpu.wait_dma2 semaphore(%dma_wait3A_638 : memref<!tpu.dma_semaphore, #tpu.memory_space<semaphore_mem>>) src(%dma_wait3A_644 : memref<128x128xf32, #tpu.memory_space<vmem>>) dst(%dma_wait3A_640 : memref<128x128xf32, #tpu.memory_space<hbm>>)
      } else {
      }
      %add3A_598 = arith.constant 1 : i32
      %add3A_599 = arith.addi %add3A_536, %add3A_598 : i32
      %lt3A_600 = arith.constant 64 : i32
      %lt3A_601 = arith.cmpi slt, %add3A_599, %lt3A_600 : i32
      %convert_element_type3A_602 = arith.extui %lt3A_601 : i1 to i32
      %cond3A_603 = arith.constant 0 : i32
      %cond3A_604 = arith.cmpi ne, %convert_element_type3A_602, %cond3A_603 : i32
      scf.if %cond3A_604 {
        %add3A_628 = arith.constant 1 : i32
        %add3A_629 = arith.addi %add3A_536, %add3A_628 : i32
        %shift_right_logical3A_630 = arith.constant 1 : i32
        %shift_right_logical3A_631 = arith.shrui %add3A_629, %shift_right_logical3A_630 : i32
        %and3A_632 = arith.constant 1 : i32
        %and3A_633 = arith.andi %add3A_629, %and3A_632 : i32
        %mul3A_634 = arith.constant 64 : i32
        %mul3A_635 = arith.muli %and3A_633, %mul3A_634 : i32
        %broadcast_in_dim3A_636 = arith.constant 65535 : i32
        %broadcast_in_dim3A_637 = vector.broadcast %broadcast_in_dim3A_636 : i32 to vector<16xi32>
        %add3A_638 = arith.constant 0 : i32
        %add3A_639 = arith.addi %mul3A_635, %add3A_638 : i32
        %get3A_640 = arith.constant 0 : i32
        %get3A_641 = arith.index_cast %get3A_640 : i32 to index
        %get3A_642 = arith.index_cast %shift_right_logical3A_631 : i32 to index
        %get3A_643 = arith.index_cast %add3A_639 : i32 to index
        %get3A_644 = tpu.vector_load %arg9[%get3A_641, %get3A_642, %get3A_643] {strides = array<i32>} : memref<3x32x128xi32, #tpu.memory_space<vmem>>, vector<1x1x16xi32>,
        %get3A_645 = vector.shape_cast %get3A_644 : vector<1x1x16xi32> to vector<16xi32>
        %and3A_646 = arith.andi %get3A_645, %broadcast_in_dim3A_637 : vector<16xi32>
        %swap3A_647 = arith.constant 0 : i32
        %swap3A_648 = arith.constant 0 : i32
        %swap3A_649 = arith.index_cast %swap3A_647 : i32 to index
        %swap3A_650 = arith.index_cast %swap3A_648 : i32 to index
        %swap3A_651 = arith.constant 0 : index
        %swap3A_652 = tpu.vector_load %arg10[%swap3A_649, %swap3A_650, %swap3A_651] {strides = array<i32>} : memref<2x3x128xi32, #tpu.memory_space<vmem>>, vector<1x1x16xi32>,
        %swap3A_653 = vector.shape_cast %swap3A_652 : vector<1x1x16xi32> to vector<16xi32>
        %swap3A_654 = vector.shape_cast %and3A_646 : vector<16xi32> to vector<1x1x16xi32>
        tpu.vector_store %arg10[%swap3A_649, %swap3A_650, %swap3A_651], %swap3A_654 {strides = array<i32>} : memref<2x3x128xi32, #tpu.memory_space<vmem>>, vector<1x1x16xi32>,
        %shift_right_logical3A_655 = arith.constant 16 : i32
        %shift_right_logical3A_656 = vector.broadcast %shift_right_logical3A_655 : i32 to vector<16xi32>
        %shift_right_logical3A_657 = arith.shrui %get3A_645, %shift_right_logical3A_656 : vector<16xi32>
        %swap3A_658 = arith.constant 0 : i32
        %swap3A_659 = arith.constant 0 : i32
        %swap3A_660 = arith.index_cast %swap3A_658 : i32 to index
        %swap3A_661 = arith.index_cast %swap3A_659 : i32 to index
        %swap3A_662 = arith.constant 64 : index
        %swap3A_663 = tpu.vector_load %arg10[%swap3A_660, %swap3A_661, %swap3A_662] {strides = array<i32>} : memref<2x3x128xi32, #tpu.memory_space<vmem>>, vector<1x1x16xi32>,
        %swap3A_664 = vector.shape_cast %swap3A_663 : vector<1x1x16xi32> to vector<16xi32>
        %swap3A_665 = vector.shape_cast %shift_right_logical3A_657 : vector<16xi32> to vector<1x1x16xi32>
        tpu.vector_store %arg10[%swap3A_660, %swap3A_661, %swap3A_662], %swap3A_665 {strides = array<i32>} : memref<2x3x128xi32, #tpu.memory_space<vmem>>, vector<1x1x16xi32>,
        %add3A_666 = arith.constant 16 : i32
        %add3A_667 = arith.addi %mul3A_635, %add3A_666 : i32
        %get3A_668 = arith.constant 0 : i32
        %get3A_669 = arith.index_cast %get3A_668 : i32 to index
        %get3A_670 = arith.index_cast %shift_right_logical3A_631 : i32 to index
        %get3A_671 = arith.index_cast %add3A_667 : i32 to index
        %get3A_672 = tpu.vector_load %arg9[%get3A_669, %get3A_670, %get3A_671] {strides = array<i32>} : memref<3x32x128xi32, #tpu.memory_space<vmem>>, vector<1x1x16xi32>,
        %get3A_673 = vector.shape_cast %get3A_672 : vector<1x1x16xi32> to vector<16xi32>
        %and3A_674 = arith.andi %get3A_673, %broadcast_in_dim3A_637 : vector<16xi32>
        %swap3A_675 = arith.constant 0 : i32
        %swap3A_676 = arith.constant 0 : i32
        %swap3A_677 = arith.index_cast %swap3A_675 : i32 to index
        %swap3A_678 = arith.index_cast %swap3A_676 : i32 to index
        %swap3A_679 = arith.constant 16 : index
        %swap3A_680 = tpu.vector_load %arg10[%swap3A_677, %swap3A_678, %swap3A_679] {strides = array<i32>} : memref<2x3x128xi32, #tpu.memory_space<vmem>>, vector<1x1x16xi32>,
        %swap3A_681 = vector.shape_cast %swap3A_680 : vector<1x1x16xi32> to vector<16xi32>
        %swap3A_682 = vector.shape_cast %and3A_674 : vector<16xi32> to vector<1x1x16xi32>
        tpu.vector_store %arg10[%swap3A_677, %swap3A_678, %swap3A_679], %swap3A_682 {strides = array<i32>} : memref<2x3x128xi32, #tpu.memory_space<vmem>>, vector<1x1x16xi32>,
        %shift_right_logical3A_683 = arith.constant 16 : i32
        %shift_right_logical3A_684 = vector.broadcast %shift_right_logical3A_683 : i32 to vector<16xi32>
        %shift_right_logical3A_685 = arith.shrui %get3A_673, %shift_right_logical3A_684 : vector<16xi32>
        %swap3A_686 = arith.constant 0 : i32
        %swap3A_687 = arith.constant 0 : i32
        %swap3A_688 = arith.index_cast %swap3A_686 : i32 to index
        %swap3A_689 = arith.index_cast %swap3A_687 : i32 to index
        %swap3A_690 = arith.constant 80 : index
        %swap3A_691 = tpu.vector_load %arg10[%swap3A_688, %swap3A_689, %swap3A_690] {strides = array<i32>} : memref<2x3x128xi32, #tpu.memory_space<vmem>>, vector<1x1x16xi32>,
        %swap3A_692 = vector.shape_cast %swap3A_691 : vector<1x1x16xi32> to vector<16xi32>
        %swap3A_693 = vector.shape_cast %shift_right_logical3A_685 : vector<16xi32> to vector<1x1x16xi32>
        tpu.vector_store %arg10[%swap3A_688, %swap3A_689, %swap3A_690], %swap3A_693 {strides = array<i32>} : memref<2x3x128xi32, #tpu.memory_space<vmem>>, vector<1x1x16xi32>,
        %add3A_694 = arith.constant 32 : i32
        %add3A_695 = arith.addi %mul3A_635, %add3A_694 : i32
        %get3A_696 = arith.constant 0 : i32
        %get3A_697 = arith.index_cast %get3A_696 : i32 to index
        %get3A_698 = arith.index_cast %shift_right_logical3A_631 : i32 to index
        %get3A_699 = arith.index_cast %add3A_695 : i32 to index
        %get3A_700 = tpu.vector_load %arg9[%get3A_697, %get3A_698, %get3A_699] {strides = array<i32>} : memref<3x32x128xi32, #tpu.memory_space<vmem>>, vector<1x1x16xi32>,
        %get3A_701 = vector.shape_cast %get3A_700 : vector<1x1x16xi32> to vector<16xi32>
        %and3A_702 = arith.andi %get3A_701, %broadcast_in_dim3A_637 : vector<16xi32>
        %swap3A_703 = arith.constant 0 : i32
        %swap3A_704 = arith.constant 0 : i32
        %swap3A_705 = arith.index_cast %swap3A_703 : i32 to index
        %swap3A_706 = arith.index_cast %swap3A_704 : i32 to index
        %swap3A_707 = arith.constant 32 : index
        %swap3A_708 = tpu.vector_load %arg10[%swap3A_705, %swap3A_706, %swap3A_707] {strides = array<i32>} : memref<2x3x128xi32, #tpu.memory_space<vmem>>, vector<1x1x16xi32>,
        %swap3A_709 = vector.shape_cast %swap3A_708 : vector<1x1x16xi32> to vector<16xi32>
        %swap3A_710 = vector.shape_cast %and3A_702 : vector<16xi32> to vector<1x1x16xi32>
        tpu.vector_store %arg10[%swap3A_705, %swap3A_706, %swap3A_707], %swap3A_710 {strides = array<i32>} : memref<2x3x128xi32, #tpu.memory_space<vmem>>, vector<1x1x16xi32>,
        %shift_right_logical3A_711 = arith.constant 16 : i32
        %shift_right_logical3A_712 = vector.broadcast %shift_right_logical3A_711 : i32 to vector<16xi32>
        %shift_right_logical3A_713 = arith.shrui %get3A_701, %shift_right_logical3A_712 : vector<16xi32>
        %swap3A_714 = arith.constant 0 : i32
        %swap3A_715 = arith.constant 0 : i32
        %swap3A_716 = arith.index_cast %swap3A_714 : i32 to index
        %swap3A_717 = arith.index_cast %swap3A_715 : i32 to index
        %swap3A_718 = arith.constant 96 : index
        %swap3A_719 = tpu.vector_load %arg10[%swap3A_716, %swap3A_717, %swap3A_718] {strides = array<i32>} : memref<2x3x128xi32, #tpu.memory_space<vmem>>, vector<1x1x16xi32>,
        %swap3A_720 = vector.shape_cast %swap3A_719 : vector<1x1x16xi32> to vector<16xi32>
        %swap3A_721 = vector.shape_cast %shift_right_logical3A_713 : vector<16xi32> to vector<1x1x16xi32>
        tpu.vector_store %arg10[%swap3A_716, %swap3A_717, %swap3A_718], %swap3A_721 {strides = array<i32>} : memref<2x3x128xi32, #tpu.memory_space<vmem>>, vector<1x1x16xi32>,
        %add3A_722 = arith.constant 48 : i32
        %add3A_723 = arith.addi %mul3A_635, %add3A_722 : i32
        %get3A_724 = arith.constant 0 : i32
        %get3A_725 = arith.index_cast %get3A_724 : i32 to index
        %get3A_726 = arith.index_cast %shift_right_logical3A_631 : i32 to index
        %get3A_727 = arith.index_cast %add3A_723 : i32 to index
        %get3A_728 = tpu.vector_load %arg9[%get3A_725, %get3A_726, %get3A_727] {strides = array<i32>} : memref<3x32x128xi32, #tpu.memory_space<vmem>>, vector<1x1x16xi32>,
        %get3A_729 = vector.shape_cast %get3A_728 : vector<1x1x16xi32> to vector<16xi32>
        %and3A_730 = arith.andi %get3A_729, %broadcast_in_dim3A_637 : vector<16xi32>
        %swap3A_731 = arith.constant 0 : i32
        %swap3A_732 = arith.constant 0 : i32
        %swap3A_733 = arith.index_cast %swap3A_731 : i32 to index
        %swap3A_734 = arith.index_cast %swap3A_732 : i32 to index
        %swap3A_735 = arith.constant 48 : index
        %swap3A_736 = tpu.vector_load %arg10[%swap3A_733, %swap3A_734, %swap3A_735] {strides = array<i32>} : memref<2x3x128xi32, #tpu.memory_space<vmem>>, vector<1x1x16xi32>,
        %swap3A_737 = vector.shape_cast %swap3A_736 : vector<1x1x16xi32> to vector<16xi32>
        %swap3A_738 = vector.shape_cast %and3A_730 : vector<16xi32> to vector<1x1x16xi32>
        tpu.vector_store %arg10[%swap3A_733, %swap3A_734, %swap3A_735], %swap3A_738 {strides = array<i32>} : memref<2x3x128xi32, #tpu.memory_space<vmem>>, vector<1x1x16xi32>,
        %shift_right_logical3A_739 = arith.constant 16 : i32
        %shift_right_logical3A_740 = vector.broadcast %shift_right_logical3A_739 : i32 to vector<16xi32>
        %shift_right_logical3A_741 = arith.shrui %get3A_729, %shift_right_logical3A_740 : vector<16xi32>
        %swap3A_742 = arith.constant 0 : i32
        %swap3A_743 = arith.constant 0 : i32
        %swap3A_744 = arith.index_cast %swap3A_742 : i32 to index
        %swap3A_745 = arith.index_cast %swap3A_743 : i32 to index
        %swap3A_746 = arith.constant 112 : index
        %swap3A_747 = tpu.vector_load %arg10[%swap3A_744, %swap3A_745, %swap3A_746] {strides = array<i32>} : memref<2x3x128xi32, #tpu.memory_space<vmem>>, vector<1x1x16xi32>,
        %swap3A_748 = vector.shape_cast %swap3A_747 : vector<1x1x16xi32> to vector<16xi32>
        %swap3A_749 = vector.shape_cast %shift_right_logical3A_741 : vector<16xi32> to vector<1x1x16xi32>
        tpu.vector_store %arg10[%swap3A_744, %swap3A_745, %swap3A_746], %swap3A_749 {strides = array<i32>} : memref<2x3x128xi32, #tpu.memory_space<vmem>>, vector<1x1x16xi32>,
        %add3A_750 = arith.constant 0 : i32
        %add3A_751 = arith.addi %mul3A_635, %add3A_750 : i32
        %get3A_752 = arith.constant 1 : i32
        %get3A_753 = arith.index_cast %get3A_752 : i32 to index
        %get3A_754 = arith.index_cast %shift_right_logical3A_631 : i32 to index
        %get3A_755 = arith.index_cast %add3A_751 : i32 to index
        %get3A_756 = tpu.vector_load %arg9[%get3A_753, %get3A_754, %get3A_755] {strides = array<i32>} : memref<3x32x128xi32, #tpu.memory_space<vmem>>, vector<1x1x16xi32>,
        %get3A_757 = vector.shape_cast %get3A_756 : vector<1x1x16xi32> to vector<16xi32>
        %and3A_758 = arith.andi %get3A_757, %broadcast_in_dim3A_637 : vector<16xi32>
        %swap3A_759 = arith.constant 0 : i32
        %swap3A_760 = arith.constant 1 : i32
        %swap3A_761 = arith.index_cast %swap3A_759 : i32 to index
        %swap3A_762 = arith.index_cast %swap3A_760 : i32 to index
        %swap3A_763 = arith.constant 0 : index
        %swap3A_764 = tpu.vector_load %arg10[%swap3A_761, %swap3A_762, %swap3A_763] {strides = array<i32>} : memref<2x3x128xi32, #tpu.memory_space<vmem>>, vector<1x1x16xi32>,
        %swap3A_765 = vector.shape_cast %swap3A_764 : vector<1x1x16xi32> to vector<16xi32>
        %swap3A_766 = vector.shape_cast %and3A_758 : vector<16xi32> to vector<1x1x16xi32>
        tpu.vector_store %arg10[%swap3A_761, %swap3A_762, %swap3A_763], %swap3A_766 {strides = array<i32>} : memref<2x3x128xi32, #tpu.memory_space<vmem>>, vector<1x1x16xi32>,
        %shift_right_logical3A_767 = arith.constant 16 : i32
        %shift_right_logical3A_768 = vector.broadcast %shift_right_logical3A_767 : i32 to vector<16xi32>
        %shift_right_logical3A_769 = arith.shrui %get3A_757, %shift_right_logical3A_768 : vector<16xi32>
        %swap3A_770 = arith.constant 0 : i32
        %swap3A_771 = arith.constant 1 : i32
        %swap3A_772 = arith.index_cast %swap3A_770 : i32 to index
        %swap3A_773 = arith.index_cast %swap3A_771 : i32 to index
        %swap3A_774 = arith.constant 64 : index
        %swap3A_775 = tpu.vector_load %arg10[%swap3A_772, %swap3A_773, %swap3A_774] {strides = array<i32>} : memref<2x3x128xi32, #tpu.memory_space<vmem>>, vector<1x1x16xi32>,
        %swap3A_776 = vector.shape_cast %swap3A_775 : vector<1x1x16xi32> to vector<16xi32>
        %swap3A_777 = vector.shape_cast %shift_right_logical3A_769 : vector<16xi32> to vector<1x1x16xi32>
        tpu.vector_store %arg10[%swap3A_772, %swap3A_773, %swap3A_774], %swap3A_777 {strides = array<i32>} : memref<2x3x128xi32, #tpu.memory_space<vmem>>, vector<1x1x16xi32>,
        %add3A_778 = arith.constant 16 : i32
        %add3A_779 = arith.addi %mul3A_635, %add3A_778 : i32
        %get3A_780 = arith.constant 1 : i32
        %get3A_781 = arith.index_cast %get3A_780 : i32 to index
        %get3A_782 = arith.index_cast %shift_right_logical3A_631 : i32 to index
        %get3A_783 = arith.index_cast %add3A_779 : i32 to index
        %get3A_784 = tpu.vector_load %arg9[%get3A_781, %get3A_782, %get3A_783] {strides = array<i32>} : memref<3x32x128xi32, #tpu.memory_space<vmem>>, vector<1x1x16xi32>,
        %get3A_785 = vector.shape_cast %get3A_784 : vector<1x1x16xi32> to vector<16xi32>
        %and3A_786 = arith.andi %get3A_785, %broadcast_in_dim3A_637 : vector<16xi32>
        %swap3A_787 = arith.constant 0 : i32
        %swap3A_788 = arith.constant 1 : i32
        %swap3A_789 = arith.index_cast %swap3A_787 : i32 to index
        %swap3A_790 = arith.index_cast %swap3A_788 : i32 to index
        %swap3A_791 = arith.constant 16 : index
        %swap3A_792 = tpu.vector_load %arg10[%swap3A_789, %swap3A_790, %swap3A_791] {strides = array<i32>} : memref<2x3x128xi32, #tpu.memory_space<vmem>>, vector<1x1x16xi32>,
        %swap3A_793 = vector.shape_cast %swap3A_792 : vector<1x1x16xi32> to vector<16xi32>
        %swap3A_794 = vector.shape_cast %and3A_786 : vector<16xi32> to vector<1x1x16xi32>
        tpu.vector_store %arg10[%swap3A_789, %swap3A_790, %swap3A_791], %swap3A_794 {strides = array<i32>} : memref<2x3x128xi32, #tpu.memory_space<vmem>>, vector<1x1x16xi32>,
        %shift_right_logical3A_795 = arith.constant 16 : i32
        %shift_right_logical3A_796 = vector.broadcast %shift_right_logical3A_795 : i32 to vector<16xi32>
        %shift_right_logical3A_797 = arith.shrui %get3A_785, %shift_right_logical3A_796 : vector<16xi32>
        %swap3A_798 = arith.constant 0 : i32
        %swap3A_799 = arith.constant 1 : i32
        %swap3A_800 = arith.index_cast %swap3A_798 : i32 to index
        %swap3A_801 = arith.index_cast %swap3A_799 : i32 to index
        %swap3A_802 = arith.constant 80 : index
        %swap3A_803 = tpu.vector_load %arg10[%swap3A_800, %swap3A_801, %swap3A_802] {strides = array<i32>} : memref<2x3x128xi32, #tpu.memory_space<vmem>>, vector<1x1x16xi32>,
        %swap3A_804 = vector.shape_cast %swap3A_803 : vector<1x1x16xi32> to vector<16xi32>
        %swap3A_805 = vector.shape_cast %shift_right_logical3A_797 : vector<16xi32> to vector<1x1x16xi32>
        tpu.vector_store %arg10[%swap3A_800, %swap3A_801, %swap3A_802], %swap3A_805 {strides = array<i32>} : memref<2x3x128xi32, #tpu.memory_space<vmem>>, vector<1x1x16xi32>,
        %add3A_806 = arith.constant 32 : i32
        %add3A_807 = arith.addi %mul3A_635, %add3A_806 : i32
        %get3A_808 = arith.constant 1 : i32
        %get3A_809 = arith.index_cast %get3A_808 : i32 to index
        %get3A_810 = arith.index_cast %shift_right_logical3A_631 : i32 to index
        %get3A_811 = arith.index_cast %add3A_807 : i32 to index
        %get3A_812 = tpu.vector_load %arg9[%get3A_809, %get3A_810, %get3A_811] {strides = array<i32>} : memref<3x32x128xi32, #tpu.memory_space<vmem>>, vector<1x1x16xi32>,
        %get3A_813 = vector.shape_cast %get3A_812 : vector<1x1x16xi32> to vector<16xi32>
        %and3A_814 = arith.andi %get3A_813, %broadcast_in_dim3A_637 : vector<16xi32>
        %swap3A_815 = arith.constant 0 : i32
        %swap3A_816 = arith.constant 1 : i32
        %swap3A_817 = arith.index_cast %swap3A_815 : i32 to index
        %swap3A_818 = arith.index_cast %swap3A_816 : i32 to index
        %swap3A_819 = arith.constant 32 : index
        %swap3A_820 = tpu.vector_load %arg10[%swap3A_817, %swap3A_818, %swap3A_819] {strides = array<i32>} : memref<2x3x128xi32, #tpu.memory_space<vmem>>, vector<1x1x16xi32>,
        %swap3A_821 = vector.shape_cast %swap3A_820 : vector<1x1x16xi32> to vector<16xi32>
        %swap3A_822 = vector.shape_cast %and3A_814 : vector<16xi32> to vector<1x1x16xi32>
        tpu.vector_store %arg10[%swap3A_817, %swap3A_818, %swap3A_819], %swap3A_822 {strides = array<i32>} : memref<2x3x128xi32, #tpu.memory_space<vmem>>, vector<1x1x16xi32>,
        %shift_right_logical3A_823 = arith.constant 16 : i32
        %shift_right_logical3A_824 = vector.broadcast %shift_right_logical3A_823 : i32 to vector<16xi32>
        %shift_right_logical3A_825 = arith.shrui %get3A_813, %shift_right_logical3A_824 : vector<16xi32>
        %swap3A_826 = arith.constant 0 : i32
        %swap3A_827 = arith.constant 1 : i32
        %swap3A_828 = arith.index_cast %swap3A_826 : i32 to index
        %swap3A_829 = arith.index_cast %swap3A_827 : i32 to index
        %swap3A_830 = arith.constant 96 : index
        %swap3A_831 = tpu.vector_load %arg10[%swap3A_828, %swap3A_829, %swap3A_830] {strides = array<i32>} : memref<2x3x128xi32, #tpu.memory_space<vmem>>, vector<1x1x16xi32>,
        %swap3A_832 = vector.shape_cast %swap3A_831 : vector<1x1x16xi32> to vector<16xi32>
        %swap3A_833 = vector.shape_cast %shift_right_logical3A_825 : vector<16xi32> to vector<1x1x16xi32>
        tpu.vector_store %arg10[%swap3A_828, %swap3A_829, %swap3A_830], %swap3A_833 {strides = array<i32>} : memref<2x3x128xi32, #tpu.memory_space<vmem>>, vector<1x1x16xi32>,
        %add3A_834 = arith.constant 48 : i32
        %add3A_835 = arith.addi %mul3A_635, %add3A_834 : i32
        %get3A_836 = arith.constant 1 : i32
        %get3A_837 = arith.index_cast %get3A_836 : i32 to index
        %get3A_838 = arith.index_cast %shift_right_logical3A_631 : i32 to index
        %get3A_839 = arith.index_cast %add3A_835 : i32 to index
        %get3A_840 = tpu.vector_load %arg9[%get3A_837, %get3A_838, %get3A_839] {strides = array<i32>} : memref<3x32x128xi32, #tpu.memory_space<vmem>>, vector<1x1x16xi32>,
        %get3A_841 = vector.shape_cast %get3A_840 : vector<1x1x16xi32> to vector<16xi32>
        %and3A_842 = arith.andi %get3A_841, %broadcast_in_dim3A_637 : vector<16xi32>
        %swap3A_843 = arith.constant 0 : i32
        %swap3A_844 = arith.constant 1 : i32
        %swap3A_845 = arith.index_cast %swap3A_843 : i32 to index
        %swap3A_846 = arith.index_cast %swap3A_844 : i32 to index
        %swap3A_847 = arith.constant 48 : index
        %swap3A_848 = tpu.vector_load %arg10[%swap3A_845, %swap3A_846, %swap3A_847] {strides = array<i32>} : memref<2x3x128xi32, #tpu.memory_space<vmem>>, vector<1x1x16xi32>,
        %swap3A_849 = vector.shape_cast %swap3A_848 : vector<1x1x16xi32> to vector<16xi32>
        %swap3A_850 = vector.shape_cast %and3A_842 : vector<16xi32> to vector<1x1x16xi32>
        tpu.vector_store %arg10[%swap3A_845, %swap3A_846, %swap3A_847], %swap3A_850 {strides = array<i32>} : memref<2x3x128xi32, #tpu.memory_space<vmem>>, vector<1x1x16xi32>,
        %shift_right_logical3A_851 = arith.constant 16 : i32
        %shift_right_logical3A_852 = vector.broadcast %shift_right_logical3A_851 : i32 to vector<16xi32>
        %shift_right_logical3A_853 = arith.shrui %get3A_841, %shift_right_logical3A_852 : vector<16xi32>
        %swap3A_854 = arith.constant 0 : i32
        %swap3A_855 = arith.constant 1 : i32
        %swap3A_856 = arith.index_cast %swap3A_854 : i32 to index
        %swap3A_857 = arith.index_cast %swap3A_855 : i32 to index
        %swap3A_858 = arith.constant 112 : index
        %swap3A_859 = tpu.vector_load %arg10[%swap3A_856, %swap3A_857, %swap3A_858] {strides = array<i32>} : memref<2x3x128xi32, #tpu.memory_space<vmem>>, vector<1x1x16xi32>,
        %swap3A_860 = vector.shape_cast %swap3A_859 : vector<1x1x16xi32> to vector<16xi32>
        %swap3A_861 = vector.shape_cast %shift_right_logical3A_853 : vector<16xi32> to vector<1x1x16xi32>
        tpu.vector_store %arg10[%swap3A_856, %swap3A_857, %swap3A_858], %swap3A_861 {strides = array<i32>} : memref<2x3x128xi32, #tpu.memory_space<vmem>>, vector<1x1x16xi32>,
        %add3A_862 = arith.constant 0 : i32
        %add3A_863 = arith.addi %mul3A_635, %add3A_862 : i32
        %get3A_864 = arith.constant 2 : i32
        %get3A_865 = arith.index_cast %get3A_864 : i32 to index
        %get3A_866 = arith.index_cast %shift_right_logical3A_631 : i32 to index
        %get3A_867 = arith.index_cast %add3A_863 : i32 to index
        %get3A_868 = tpu.vector_load %arg9[%get3A_865, %get3A_866, %get3A_867] {strides = array<i32>} : memref<3x32x128xi32, #tpu.memory_space<vmem>>, vector<1x1x16xi32>,
        %get3A_869 = vector.shape_cast %get3A_868 : vector<1x1x16xi32> to vector<16xi32>
        %and3A_870 = arith.andi %get3A_869, %broadcast_in_dim3A_637 : vector<16xi32>
        %swap3A_871 = arith.constant 0 : i32
        %swap3A_872 = arith.constant 2 : i32
        %swap3A_873 = arith.index_cast %swap3A_871 : i32 to index
        %swap3A_874 = arith.index_cast %swap3A_872 : i32 to index
        %swap3A_875 = arith.constant 0 : index
        %swap3A_876 = tpu.vector_load %arg10[%swap3A_873, %swap3A_874, %swap3A_875] {strides = array<i32>} : memref<2x3x128xi32, #tpu.memory_space<vmem>>, vector<1x1x16xi32>,
        %swap3A_877 = vector.shape_cast %swap3A_876 : vector<1x1x16xi32> to vector<16xi32>
        %swap3A_878 = vector.shape_cast %and3A_870 : vector<16xi32> to vector<1x1x16xi32>
        tpu.vector_store %arg10[%swap3A_873, %swap3A_874, %swap3A_875], %swap3A_878 {strides = array<i32>} : memref<2x3x128xi32, #tpu.memory_space<vmem>>, vector<1x1x16xi32>,
        %shift_right_logical3A_879 = arith.constant 16 : i32
        %shift_right_logical3A_880 = vector.broadcast %shift_right_logical3A_879 : i32 to vector<16xi32>
        %shift_right_logical3A_881 = arith.shrui %get3A_869, %shift_right_logical3A_880 : vector<16xi32>
        %swap3A_882 = arith.constant 0 : i32
        %swap3A_883 = arith.constant 2 : i32
        %swap3A_884 = arith.index_cast %swap3A_882 : i32 to index
        %swap3A_885 = arith.index_cast %swap3A_883 : i32 to index
        %swap3A_886 = arith.constant 64 : index
        %swap3A_887 = tpu.vector_load %arg10[%swap3A_884, %swap3A_885, %swap3A_886] {strides = array<i32>} : memref<2x3x128xi32, #tpu.memory_space<vmem>>, vector<1x1x16xi32>,
        %swap3A_888 = vector.shape_cast %swap3A_887 : vector<1x1x16xi32> to vector<16xi32>
        %swap3A_889 = vector.shape_cast %shift_right_logical3A_881 : vector<16xi32> to vector<1x1x16xi32>
        tpu.vector_store %arg10[%swap3A_884, %swap3A_885, %swap3A_886], %swap3A_889 {strides = array<i32>} : memref<2x3x128xi32, #tpu.memory_space<vmem>>, vector<1x1x16xi32>,
        %add3A_890 = arith.constant 16 : i32
        %add3A_891 = arith.addi %mul3A_635, %add3A_890 : i32
        %get3A_892 = arith.constant 2 : i32
        %get3A_893 = arith.index_cast %get3A_892 : i32 to index
        %get3A_894 = arith.index_cast %shift_right_logical3A_631 : i32 to index
        %get3A_895 = arith.index_cast %add3A_891 : i32 to index
        %get3A_896 = tpu.vector_load %arg9[%get3A_893, %get3A_894, %get3A_895] {strides = array<i32>} : memref<3x32x128xi32, #tpu.memory_space<vmem>>, vector<1x1x16xi32>,
        %get3A_897 = vector.shape_cast %get3A_896 : vector<1x1x16xi32> to vector<16xi32>
        %and3A_898 = arith.andi %get3A_897, %broadcast_in_dim3A_637 : vector<16xi32>
        %swap3A_899 = arith.constant 0 : i32
        %swap3A_900 = arith.constant 2 : i32
        %swap3A_901 = arith.index_cast %swap3A_899 : i32 to index
        %swap3A_902 = arith.index_cast %swap3A_900 : i32 to index
        %swap3A_903 = arith.constant 16 : index
        %swap3A_904 = tpu.vector_load %arg10[%swap3A_901, %swap3A_902, %swap3A_903] {strides = array<i32>} : memref<2x3x128xi32, #tpu.memory_space<vmem>>, vector<1x1x16xi32>,
        %swap3A_905 = vector.shape_cast %swap3A_904 : vector<1x1x16xi32> to vector<16xi32>
        %swap3A_906 = vector.shape_cast %and3A_898 : vector<16xi32> to vector<1x1x16xi32>
        tpu.vector_store %arg10[%swap3A_901, %swap3A_902, %swap3A_903], %swap3A_906 {strides = array<i32>} : memref<2x3x128xi32, #tpu.memory_space<vmem>>, vector<1x1x16xi32>,
        %shift_right_logical3A_907 = arith.constant 16 : i32
        %shift_right_logical3A_908 = vector.broadcast %shift_right_logical3A_907 : i32 to vector<16xi32>
        %shift_right_logical3A_909 = arith.shrui %get3A_897, %shift_right_logical3A_908 : vector<16xi32>
        %swap3A_910 = arith.constant 0 : i32
        %swap3A_911 = arith.constant 2 : i32
        %swap3A_912 = arith.index_cast %swap3A_910 : i32 to index
        %swap3A_913 = arith.index_cast %swap3A_911 : i32 to index
        %swap3A_914 = arith.constant 80 : index
        %swap3A_915 = tpu.vector_load %arg10[%swap3A_912, %swap3A_913, %swap3A_914] {strides = array<i32>} : memref<2x3x128xi32, #tpu.memory_space<vmem>>, vector<1x1x16xi32>,
        %swap3A_916 = vector.shape_cast %swap3A_915 : vector<1x1x16xi32> to vector<16xi32>
        %swap3A_917 = vector.shape_cast %shift_right_logical3A_909 : vector<16xi32> to vector<1x1x16xi32>
        tpu.vector_store %arg10[%swap3A_912, %swap3A_913, %swap3A_914], %swap3A_917 {strides = array<i32>} : memref<2x3x128xi32, #tpu.memory_space<vmem>>, vector<1x1x16xi32>,
        %add3A_918 = arith.constant 32 : i32
        %add3A_919 = arith.addi %mul3A_635, %add3A_918 : i32
        %get3A_920 = arith.constant 2 : i32
        %get3A_921 = arith.index_cast %get3A_920 : i32 to index
        %get3A_922 = arith.index_cast %shift_right_logical3A_631 : i32 to index
        %get3A_923 = arith.index_cast %add3A_919 : i32 to index
        %get3A_924 = tpu.vector_load %arg9[%get3A_921, %get3A_922, %get3A_923] {strides = array<i32>} : memref<3x32x128xi32, #tpu.memory_space<vmem>>, vector<1x1x16xi32>,
        %get3A_925 = vector.shape_cast %get3A_924 : vector<1x1x16xi32> to vector<16xi32>
        %and3A_926 = arith.andi %get3A_925, %broadcast_in_dim3A_637 : vector<16xi32>
        %swap3A_927 = arith.constant 0 : i32
        %swap3A_928 = arith.constant 2 : i32
        %swap3A_929 = arith.index_cast %swap3A_927 : i32 to index
        %swap3A_930 = arith.index_cast %swap3A_928 : i32 to index
        %swap3A_931 = arith.constant 32 : index
        %swap3A_932 = tpu.vector_load %arg10[%swap3A_929, %swap3A_930, %swap3A_931] {strides = array<i32>} : memref<2x3x128xi32, #tpu.memory_space<vmem>>, vector<1x1x16xi32>,
        %swap3A_933 = vector.shape_cast %swap3A_932 : vector<1x1x16xi32> to vector<16xi32>
        %swap3A_934 = vector.shape_cast %and3A_926 : vector<16xi32> to vector<1x1x16xi32>
        tpu.vector_store %arg10[%swap3A_929, %swap3A_930, %swap3A_931], %swap3A_934 {strides = array<i32>} : memref<2x3x128xi32, #tpu.memory_space<vmem>>, vector<1x1x16xi32>,
        %shift_right_logical3A_935 = arith.constant 16 : i32
        %shift_right_logical3A_936 = vector.broadcast %shift_right_logical3A_935 : i32 to vector<16xi32>
        %shift_right_logical3A_937 = arith.shrui %get3A_925, %shift_right_logical3A_936 : vector<16xi32>
        %swap3A_938 = arith.constant 0 : i32
        %swap3A_939 = arith.constant 2 : i32
        %swap3A_940 = arith.index_cast %swap3A_938 : i32 to index
        %swap3A_941 = arith.index_cast %swap3A_939 : i32 to index
        %swap3A_942 = arith.constant 96 : index
        %swap3A_943 = tpu.vector_load %arg10[%swap3A_940, %swap3A_941, %swap3A_942] {strides = array<i32>} : memref<2x3x128xi32, #tpu.memory_space<vmem>>, vector<1x1x16xi32>,
        %swap3A_944 = vector.shape_cast %swap3A_943 : vector<1x1x16xi32> to vector<16xi32>
        %swap3A_945 = vector.shape_cast %shift_right_logical3A_937 : vector<16xi32> to vector<1x1x16xi32>
        tpu.vector_store %arg10[%swap3A_940, %swap3A_941, %swap3A_942], %swap3A_945 {strides = array<i32>} : memref<2x3x128xi32, #tpu.memory_space<vmem>>, vector<1x1x16xi32>,
        %add3A_946 = arith.constant 48 : i32
        %add3A_947 = arith.addi %mul3A_635, %add3A_946 : i32
        %get3A_948 = arith.constant 2 : i32
        %get3A_949 = arith.index_cast %get3A_948 : i32 to index
        %get3A_950 = arith.index_cast %shift_right_logical3A_631 : i32 to index
        %get3A_951 = arith.index_cast %add3A_947 : i32 to index
        %get3A_952 = tpu.vector_load %arg9[%get3A_949, %get3A_950, %get3A_951] {strides = array<i32>} : memref<3x32x128xi32, #tpu.memory_space<vmem>>, vector<1x1x16xi32>,
        %get3A_953 = vector.shape_cast %get3A_952 : vector<1x1x16xi32> to vector<16xi32>
        %and3A_954 = arith.andi %get3A_953, %broadcast_in_dim3A_637 : vector<16xi32>
        %swap3A_955 = arith.constant 0 : i32
        %swap3A_956 = arith.constant 2 : i32
        %swap3A_957 = arith.index_cast %swap3A_955 : i32 to index
        %swap3A_958 = arith.index_cast %swap3A_956 : i32 to index
        %swap3A_959 = arith.constant 48 : index
        %swap3A_960 = tpu.vector_load %arg10[%swap3A_957, %swap3A_958, %swap3A_959] {strides = array<i32>} : memref<2x3x128xi32, #tpu.memory_space<vmem>>, vector<1x1x16xi32>,
        %swap3A_961 = vector.shape_cast %swap3A_960 : vector<1x1x16xi32> to vector<16xi32>
        %swap3A_962 = vector.shape_cast %and3A_954 : vector<16xi32> to vector<1x1x16xi32>
        tpu.vector_store %arg10[%swap3A_957, %swap3A_958, %swap3A_959], %swap3A_962 {strides = array<i32>} : memref<2x3x128xi32, #tpu.memory_space<vmem>>, vector<1x1x16xi32>,
        %shift_right_logical3A_963 = arith.constant 16 : i32
        %shift_right_logical3A_964 = vector.broadcast %shift_right_logical3A_963 : i32 to vector<16xi32>
        %shift_right_logical3A_965 = arith.shrui %get3A_953, %shift_right_logical3A_964 : vector<16xi32>
        %swap3A_966 = arith.constant 0 : i32
        %swap3A_967 = arith.constant 2 : i32
        %swap3A_968 = arith.index_cast %swap3A_966 : i32 to index
        %swap3A_969 = arith.index_cast %swap3A_967 : i32 to index
        %swap3A_970 = arith.constant 112 : index
        %swap3A_971 = tpu.vector_load %arg10[%swap3A_968, %swap3A_969, %swap3A_970] {strides = array<i32>} : memref<2x3x128xi32, #tpu.memory_space<vmem>>, vector<1x1x16xi32>,
        %swap3A_972 = vector.shape_cast %swap3A_971 : vector<1x1x16xi32> to vector<16xi32>
        %swap3A_973 = vector.shape_cast %shift_right_logical3A_965 : vector<16xi32> to vector<1x1x16xi32>
        tpu.vector_store %arg10[%swap3A_968, %swap3A_969, %swap3A_970], %swap3A_973 {strides = array<i32>} : memref<2x3x128xi32, #tpu.memory_space<vmem>>, vector<1x1x16xi32>,
        %add3A_974 = arith.constant 1 : i32
        %add3A_975 = arith.addi %add3A_536, %add3A_974 : i32
        %dma_start3A_976 = arith.constant 0 : i32
        %dma_start3A_977 = arith.constant 0 : i32
        %dma_start3A_978 = arith.constant 0 : i32
        %dma_start3A_979 = arith.constant 0 : i32
        %dma_start3A_980 = arith.constant 0 : i32
        %dma_start3A_981 = arith.constant 0 : i32
        %dma_start3A_982 = arith.constant 0 : i32
        %dma_start3A_983 = tpu.memref_slice %arg11[%dma_start3A_978, %dma_start3A_979, %dma_start3A_981, %dma_start3A_982] : memref<2x3x128x128xf32, #tpu.memory_space<vmem>> -> memref<1x1x128x128xf32, #tpu.memory_space<vmem>>
        %dma_start3A_984 = tpu.memref_squeeze %dma_start3A_983 : memref<1x1x128x128xf32, #tpu.memory_space<vmem>> -> memref<128x128xf32, #tpu.memory_space<vmem>>
        %dma_start3A_985 = arith.constant 0 : i32
        %dma_start3A_986 = tpu.memref_slice %arg10[%dma_start3A_976, %dma_start3A_977, %dma_start3A_985] : memref<2x3x128xi32, #tpu.memory_space<vmem>> -> memref<1x1x128xi32, #tpu.memory_space<vmem>>
        %dma_start3A_987 = tpu.memref_squeeze %dma_start3A_986 : memref<1x1x128xi32, #tpu.memory_space<vmem>> -> memref<128xi32, #tpu.memory_space<vmem>>
        %dma_start3A_988 = arith.constant 0 : i32
        %dma_start3A_989 = arith.constant 0 : i32
        %dma_start3A_990 = tpu.memref_slice %arg12[%dma_start3A_988, %dma_start3A_989] : memref<500x128xf32, #tpu.memory_space<vmem_shared>> -> memref<500x128xf32, #tpu.memory_space<vmem_shared>>
        %dma_start3A_991 = tpu.memref_slice %arg15[%dma_start3A_980] : memref<2x!tpu.dma_semaphore, #tpu.memory_space<semaphore_mem>> -> memref<1x!tpu.dma_semaphore, #tpu.memory_space<semaphore_mem>>
        %dma_start3A_992 = tpu.memref_squeeze %dma_start3A_991 : memref<1x!tpu.dma_semaphore, #tpu.memory_space<semaphore_mem>> -> memref<!tpu.dma_semaphore, #tpu.memory_space<semaphore_mem>>
        tpu.enqueue_indirect_dma source(%dma_start3A_990 : memref<500x128xf32, #tpu.memory_space<vmem_shared>>) target(%dma_start3A_984 : memref<128x128xf32, #tpu.memory_space<vmem>>) offsets(%dma_start3A_987 : memref<128xi32, #tpu.memory_space<vmem>>) semaphore(%dma_start3A_992 : memref<!tpu.dma_semaphore, #tpu.memory_space<semaphore_mem>>)
        %dma_start3A_993 = arith.constant 0 : i32
        %dma_start3A_994 = arith.constant 1 : i32
        %dma_start3A_995 = arith.constant 0 : i32
        %dma_start3A_996 = arith.constant 1 : i32
        %dma_start3A_997 = arith.constant 0 : i32
        %dma_start3A_998 = arith.constant 0 : i32
        %dma_start3A_999 = arith.constant 0 : i32
        %dma_start3A_1000 = tpu.memref_slice %arg11[%dma_start3A_995, %dma_start3A_996, %dma_start3A_998, %dma_start3A_999] : memref<2x3x128x128xf32, #tpu.memory_space<vmem>> -> memref<1x1x128x128xf32, #tpu.memory_space<vmem>>
        %dma_start3A_1001 = tpu.memref_squeeze %dma_start3A_1000 : memref<1x1x128x128xf32, #tpu.memory_space<vmem>> -> memref<128x128xf32, #tpu.memory_space<vmem>>
        %dma_start3A_1002 = arith.constant 0 : i32
        %dma_start3A_1003 = tpu.memref_slice %arg10[%dma_start3A_993, %dma_start3A_994, %dma_start3A_1002] : memref<2x3x128xi32, #tpu.memory_space<vmem>> -> memref<1x1x128xi32, #tpu.memory_space<vmem>>
        %dma_start3A_1004 = tpu.memref_squeeze %dma_start3A_1003 : memref<1x1x128xi32, #tpu.memory_space<vmem>> -> memref<128xi32, #tpu.memory_space<vmem>>
        %dma_start3A_1005 = arith.constant 0 : i32
        %dma_start3A_1006 = arith.constant 0 : i32
        %dma_start3A_1007 = tpu.memref_slice %arg13[%dma_start3A_1005, %dma_start3A_1006] : memref<500x128xf32, #tpu.memory_space<vmem_shared>> -> memref<500x128xf32, #tpu.memory_space<vmem_shared>>
        %dma_start3A_1008 = tpu.memref_slice %arg15[%dma_start3A_997] : memref<2x!tpu.dma_semaphore, #tpu.memory_space<semaphore_mem>> -> memref<1x!tpu.dma_semaphore, #tpu.memory_space<semaphore_mem>>
        %dma_start3A_1009 = tpu.memref_squeeze %dma_start3A_1008 : memref<1x!tpu.dma_semaphore, #tpu.memory_space<semaphore_mem>> -> memref<!tpu.dma_semaphore, #tpu.memory_space<semaphore_mem>>
        tpu.enqueue_indirect_dma source(%dma_start3A_1007 : memref<500x128xf32, #tpu.memory_space<vmem_shared>>) target(%dma_start3A_1001 : memref<128x128xf32, #tpu.memory_space<vmem>>) offsets(%dma_start3A_1004 : memref<128xi32, #tpu.memory_space<vmem>>) semaphore(%dma_start3A_1009 : memref<!tpu.dma_semaphore, #tpu.memory_space<semaphore_mem>>)
        %dma_start3A_1010 = arith.constant 0 : i32
        %dma_start3A_1011 = arith.constant 2 : i32
        %dma_start3A_1012 = arith.constant 0 : i32
        %dma_start3A_1013 = arith.constant 2 : i32
        %dma_start3A_1014 = arith.constant 0 : i32
        %dma_start3A_1015 = arith.constant 0 : i32
        %dma_start3A_1016 = arith.constant 0 : i32
        %dma_start3A_1017 = tpu.memref_slice %arg11[%dma_start3A_1012, %dma_start3A_1013, %dma_start3A_1015, %dma_start3A_1016] : memref<2x3x128x128xf32, #tpu.memory_space<vmem>> -> memref<1x1x128x128xf32, #tpu.memory_space<vmem>>
        %dma_start3A_1018 = tpu.memref_squeeze %dma_start3A_1017 : memref<1x1x128x128xf32, #tpu.memory_space<vmem>> -> memref<128x128xf32, #tpu.memory_space<vmem>>
        %dma_start3A_1019 = arith.constant 0 : i32
        %dma_start3A_1020 = tpu.memref_slice %arg10[%dma_start3A_1010, %dma_start3A_1011, %dma_start3A_1019] : memref<2x3x128xi32, #tpu.memory_space<vmem>> -> memref<1x1x128xi32, #tpu.memory_space<vmem>>
        %dma_start3A_1021 = tpu.memref_squeeze %dma_start3A_1020 : memref<1x1x128xi32, #tpu.memory_space<vmem>> -> memref<128xi32, #tpu.memory_space<vmem>>
        %dma_start3A_1022 = arith.constant 0 : i32
        %dma_start3A_1023 = arith.constant 0 : i32
        %dma_start3A_1024 = tpu.memref_slice %arg14[%dma_start3A_1022, %dma_start3A_1023] : memref<500x128xf32, #tpu.memory_space<vmem_shared>> -> memref<500x128xf32, #tpu.memory_space<vmem_shared>>
        %dma_start3A_1025 = tpu.memref_slice %arg15[%dma_start3A_1014] : memref<2x!tpu.dma_semaphore, #tpu.memory_space<semaphore_mem>> -> memref<1x!tpu.dma_semaphore, #tpu.memory_space<semaphore_mem>>
        %dma_start3A_1026 = tpu.memref_squeeze %dma_start3A_1025 : memref<1x!tpu.dma_semaphore, #tpu.memory_space<semaphore_mem>> -> memref<!tpu.dma_semaphore, #tpu.memory_space<semaphore_mem>>
        tpu.enqueue_indirect_dma source(%dma_start3A_1024 : memref<500x128xf32, #tpu.memory_space<vmem_shared>>) target(%dma_start3A_1018 : memref<128x128xf32, #tpu.memory_space<vmem>>) offsets(%dma_start3A_1021 : memref<128xi32, #tpu.memory_space<vmem>>) semaphore(%dma_start3A_1026 : memref<!tpu.dma_semaphore, #tpu.memory_space<semaphore_mem>>)
      } else {
      }
      %parallel_loop3A_605 = arith.constant 0 : i32
      %parallel_loop3A_606 = arith.constant 128 : i32
      %parallel_loop3A_607 = arith.constant 1 : i32
      scf.for %parallel_loop3A_628 = %parallel_loop3A_605 to %parallel_loop3A_606 step %parallel_loop3A_607  : i32 {
        %parallel_loop3A_629 = arith.constant 1 : i32
        %parallel_loop3A_630 = arith.constant 1 : i32
        %parallel_loop3A_631 = arith.index_cast %parallel_loop3A_629 : i32 to index
        %parallel_loop3A_632 = arith.index_cast %parallel_loop3A_630 : i32 to index
        %parallel_loop3A_633 = arith.index_cast %parallel_loop3A_628 : i32 to index
        %parallel_loop3A_634 = arith.constant 0 : index
        %parallel_loop3A_635 = tpu.vector_load %arg11[%parallel_loop3A_631, %parallel_loop3A_632, %parallel_loop3A_633, %parallel_loop3A_634] {strides = array<i32>} : memref<2x3x128x128xf32, #tpu.memory_space<vmem>>, vector<1x1x1x16xf32>,
        %parallel_loop3A_636 = vector.shape_cast %parallel_loop3A_635 : vector<1x1x1x16xf32> to vector<16xf32>
        %parallel_loop3A_637 = arith.constant 1 : i32
        %parallel_loop3A_638 = arith.constant 2 : i32
        %parallel_loop3A_639 = arith.index_cast %parallel_loop3A_637 : i32 to index
        %parallel_loop3A_640 = arith.index_cast %parallel_loop3A_638 : i32 to index
        %parallel_loop3A_641 = arith.index_cast %parallel_loop3A_628 : i32 to index
        %parallel_loop3A_642 = arith.constant 0 : index
        %parallel_loop3A_643 = tpu.vector_load %arg11[%parallel_loop3A_639, %parallel_loop3A_640, %parallel_loop3A_641, %parallel_loop3A_642] {strides = array<i32>} : memref<2x3x128x128xf32, #tpu.memory_space<vmem>>, vector<1x1x1x16xf32>,
        %parallel_loop3A_644 = vector.shape_cast %parallel_loop3A_643 : vector<1x1x1x16xf32> to vector<16xf32>
        %parallel_loop3A_645 = arith.addf %parallel_loop3A_636, %parallel_loop3A_644 : vector<16xf32>
        %parallel_loop3A_646 = arith.constant 1 : i32
        %parallel_loop3A_647 = arith.constant 0 : i32
        %parallel_loop3A_648 = arith.index_cast %parallel_loop3A_646 : i32 to index
        %parallel_loop3A_649 = arith.index_cast %parallel_loop3A_647 : i32 to index
        %parallel_loop3A_650 = arith.index_cast %parallel_loop3A_628 : i32 to index
        %parallel_loop3A_651 = arith.constant 0 : index
        %parallel_loop3A_652 = tpu.vector_load %arg11[%parallel_loop3A_648, %parallel_loop3A_649, %parallel_loop3A_650, %parallel_loop3A_651] {strides = array<i32>} : memref<2x3x128x128xf32, #tpu.memory_space<vmem>>, vector<1x1x1x16xf32>,
        %parallel_loop3A_653 = vector.shape_cast %parallel_loop3A_652 : vector<1x1x1x16xf32> to vector<16xf32>
        %parallel_loop3A_654 = vector.shape_cast %parallel_loop3A_645 : vector<16xf32> to vector<1x1x1x16xf32>
        tpu.vector_store %arg11[%parallel_loop3A_648, %parallel_loop3A_649, %parallel_loop3A_650, %parallel_loop3A_651], %parallel_loop3A_654 {add = true, strides = array<i32>} : memref<2x3x128x128xf32, #tpu.memory_space<vmem>>, vector<1x1x1x16xf32>,
        %parallel_loop3A_655 = arith.constant 1 : i32
        %parallel_loop3A_656 = arith.constant 1 : i32
        %parallel_loop3A_657 = arith.index_cast %parallel_loop3A_655 : i32 to index
        %parallel_loop3A_658 = arith.index_cast %parallel_loop3A_656 : i32 to index
        %parallel_loop3A_659 = arith.index_cast %parallel_loop3A_628 : i32 to index
        %parallel_loop3A_660 = arith.constant 16 : index
        %parallel_loop3A_661 = tpu.vector_load %arg11[%parallel_loop3A_657, %parallel_loop3A_658, %parallel_loop3A_659, %parallel_loop3A_660] {strides = array<i32>} : memref<2x3x128x128xf32, #tpu.memory_space<vmem>>, vector<1x1x1x16xf32>,
        %parallel_loop3A_662 = vector.shape_cast %parallel_loop3A_661 : vector<1x1x1x16xf32> to vector<16xf32>
        %parallel_loop3A_663 = arith.constant 1 : i32
        %parallel_loop3A_664 = arith.constant 2 : i32
        %parallel_loop3A_665 = arith.index_cast %parallel_loop3A_663 : i32 to index
        %parallel_loop3A_666 = arith.index_cast %parallel_loop3A_664 : i32 to index
        %parallel_loop3A_667 = arith.index_cast %parallel_loop3A_628 : i32 to index
        %parallel_loop3A_668 = arith.constant 16 : index
        %parallel_loop3A_669 = tpu.vector_load %arg11[%parallel_loop3A_665, %parallel_loop3A_666, %parallel_loop3A_667, %parallel_loop3A_668] {strides = array<i32>} : memref<2x3x128x128xf32, #tpu.memory_space<vmem>>, vector<1x1x1x16xf32>,
        %parallel_loop3A_670 = vector.shape_cast %parallel_loop3A_669 : vector<1x1x1x16xf32> to vector<16xf32>
        %parallel_loop3A_671 = arith.addf %parallel_loop3A_662, %parallel_loop3A_670 : vector<16xf32>
        %parallel_loop3A_672 = arith.constant 1 : i32
        %parallel_loop3A_673 = arith.constant 0 : i32
        %parallel_loop3A_674 = arith.index_cast %parallel_loop3A_672 : i32 to index
        %parallel_loop3A_675 = arith.index_cast %parallel_loop3A_673 : i32 to index
        %parallel_loop3A_676 = arith.index_cast %parallel_loop3A_628 : i32 to index
        %parallel_loop3A_677 = arith.constant 16 : index
        %parallel_loop3A_678 = tpu.vector_load %arg11[%parallel_loop3A_674, %parallel_loop3A_675, %parallel_loop3A_676, %parallel_loop3A_677] {strides = array<i32>} : memref<2x3x128x128xf32, #tpu.memory_space<vmem>>, vector<1x1x1x16xf32>,
        %parallel_loop3A_679 = vector.shape_cast %parallel_loop3A_678 : vector<1x1x1x16xf32> to vector<16xf32>
        %parallel_loop3A_680 = vector.shape_cast %parallel_loop3A_671 : vector<16xf32> to vector<1x1x1x16xf32>
        tpu.vector_store %arg11[%parallel_loop3A_674, %parallel_loop3A_675, %parallel_loop3A_676, %parallel_loop3A_677], %parallel_loop3A_680 {add = true, strides = array<i32>} : memref<2x3x128x128xf32, #tpu.memory_space<vmem>>, vector<1x1x1x16xf32>,
        %parallel_loop3A_681 = arith.constant 1 : i32
        %parallel_loop3A_682 = arith.constant 1 : i32
        %parallel_loop3A_683 = arith.index_cast %parallel_loop3A_681 : i32 to index
        %parallel_loop3A_684 = arith.index_cast %parallel_loop3A_682 : i32 to index
        %parallel_loop3A_685 = arith.index_cast %parallel_loop3A_628 : i32 to index
        %parallel_loop3A_686 = arith.constant 32 : index
        %parallel_loop3A_687 = tpu.vector_load %arg11[%parallel_loop3A_683, %parallel_loop3A_684, %parallel_loop3A_685, %parallel_loop3A_686] {strides = array<i32>} : memref<2x3x128x128xf32, #tpu.memory_space<vmem>>, vector<1x1x1x16xf32>,
        %parallel_loop3A_688 = vector.shape_cast %parallel_loop3A_687 : vector<1x1x1x16xf32> to vector<16xf32>
        %parallel_loop3A_689 = arith.constant 1 : i32
        %parallel_loop3A_690 = arith.constant 2 : i32
        %parallel_loop3A_691 = arith.index_cast %parallel_loop3A_689 : i32 to index
        %parallel_loop3A_692 = arith.index_cast %parallel_loop3A_690 : i32 to index
        %parallel_loop3A_693 = arith.index_cast %parallel_loop3A_628 : i32 to index
        %parallel_loop3A_694 = arith.constant 32 : index
        %parallel_loop3A_695 = tpu.vector_load %arg11[%parallel_loop3A_691, %parallel_loop3A_692, %parallel_loop3A_693, %parallel_loop3A_694] {strides = array<i32>} : memref<2x3x128x128xf32, #tpu.memory_space<vmem>>, vector<1x1x1x16xf32>,
        %parallel_loop3A_696 = vector.shape_cast %parallel_loop3A_695 : vector<1x1x1x16xf32> to vector<16xf32>
        %parallel_loop3A_697 = arith.addf %parallel_loop3A_688, %parallel_loop3A_696 : vector<16xf32>
        %parallel_loop3A_698 = arith.constant 1 : i32
        %parallel_loop3A_699 = arith.constant 0 : i32
        %parallel_loop3A_700 = arith.index_cast %parallel_loop3A_698 : i32 to index
        %parallel_loop3A_701 = arith.index_cast %parallel_loop3A_699 : i32 to index
        %parallel_loop3A_702 = arith.index_cast %parallel_loop3A_628 : i32 to index
        %parallel_loop3A_703 = arith.constant 32 : index
        %parallel_loop3A_704 = tpu.vector_load %arg11[%parallel_loop3A_700, %parallel_loop3A_701, %parallel_loop3A_702, %parallel_loop3A_703] {strides = array<i32>} : memref<2x3x128x128xf32, #tpu.memory_space<vmem>>, vector<1x1x1x16xf32>,
        %parallel_loop3A_705 = vector.shape_cast %parallel_loop3A_704 : vector<1x1x1x16xf32> to vector<16xf32>
        %parallel_loop3A_706 = vector.shape_cast %parallel_loop3A_697 : vector<16xf32> to vector<1x1x1x16xf32>
        tpu.vector_store %arg11[%parallel_loop3A_700, %parallel_loop3A_701, %parallel_loop3A_702, %parallel_loop3A_703], %parallel_loop3A_706 {add = true, strides = array<i32>} : memref<2x3x128x128xf32, #tpu.memory_space<vmem>>, vector<1x1x1x16xf32>,
        %parallel_loop3A_707 = arith.constant 1 : i32
        %parallel_loop3A_708 = arith.constant 1 : i32
        %parallel_loop3A_709 = arith.index_cast %parallel_loop3A_707 : i32 to index
        %parallel_loop3A_710 = arith.index_cast %parallel_loop3A_708 : i32 to index
        %parallel_loop3A_711 = arith.index_cast %parallel_loop3A_628 : i32 to index
        %parallel_loop3A_712 = arith.constant 48 : index
        %parallel_loop3A_713 = tpu.vector_load %arg11[%parallel_loop3A_709, %parallel_loop3A_710, %parallel_loop3A_711, %parallel_loop3A_712] {strides = array<i32>} : memref<2x3x128x128xf32, #tpu.memory_space<vmem>>, vector<1x1x1x16xf32>,
        %parallel_loop3A_714 = vector.shape_cast %parallel_loop3A_713 : vector<1x1x1x16xf32> to vector<16xf32>
        %parallel_loop3A_715 = arith.constant 1 : i32
        %parallel_loop3A_716 = arith.constant 2 : i32
        %parallel_loop3A_717 = arith.index_cast %parallel_loop3A_715 : i32 to index
        %parallel_loop3A_718 = arith.index_cast %parallel_loop3A_716 : i32 to index
        %parallel_loop3A_719 = arith.index_cast %parallel_loop3A_628 : i32 to index
        %parallel_loop3A_720 = arith.constant 48 : index
        %parallel_loop3A_721 = tpu.vector_load %arg11[%parallel_loop3A_717, %parallel_loop3A_718, %parallel_loop3A_719, %parallel_loop3A_720] {strides = array<i32>} : memref<2x3x128x128xf32, #tpu.memory_space<vmem>>, vector<1x1x1x16xf32>,
        %parallel_loop3A_722 = vector.shape_cast %parallel_loop3A_721 : vector<1x1x1x16xf32> to vector<16xf32>
        %parallel_loop3A_723 = arith.addf %parallel_loop3A_714, %parallel_loop3A_722 : vector<16xf32>
        %parallel_loop3A_724 = arith.constant 1 : i32
        %parallel_loop3A_725 = arith.constant 0 : i32
        %parallel_loop3A_726 = arith.index_cast %parallel_loop3A_724 : i32 to index
        %parallel_loop3A_727 = arith.index_cast %parallel_loop3A_725 : i32 to index
        %parallel_loop3A_728 = arith.index_cast %parallel_loop3A_628 : i32 to index
        %parallel_loop3A_729 = arith.constant 48 : index
        %parallel_loop3A_730 = tpu.vector_load %arg11[%parallel_loop3A_726, %parallel_loop3A_727, %parallel_loop3A_728, %parallel_loop3A_729] {strides = array<i32>} : memref<2x3x128x128xf32, #tpu.memory_space<vmem>>, vector<1x1x1x16xf32>,
        %parallel_loop3A_731 = vector.shape_cast %parallel_loop3A_730 : vector<1x1x1x16xf32> to vector<16xf32>
        %parallel_loop3A_732 = vector.shape_cast %parallel_loop3A_723 : vector<16xf32> to vector<1x1x1x16xf32>
        tpu.vector_store %arg11[%parallel_loop3A_726, %parallel_loop3A_727, %parallel_loop3A_728, %parallel_loop3A_729], %parallel_loop3A_732 {add = true, strides = array<i32>} : memref<2x3x128x128xf32, #tpu.memory_space<vmem>>, vector<1x1x1x16xf32>,
        %parallel_loop3A_733 = arith.constant 1 : i32
        %parallel_loop3A_734 = arith.constant 1 : i32
        %parallel_loop3A_735 = arith.index_cast %parallel_loop3A_733 : i32 to index
        %parallel_loop3A_736 = arith.index_cast %parallel_loop3A_734 : i32 to index
        %parallel_loop3A_737 = arith.index_cast %parallel_loop3A_628 : i32 to index
        %parallel_loop3A_738 = arith.constant 64 : index
        %parallel_loop3A_739 = tpu.vector_load %arg11[%parallel_loop3A_735, %parallel_loop3A_736, %parallel_loop3A_737, %parallel_loop3A_738] {strides = array<i32>} : memref<2x3x128x128xf32, #tpu.memory_space<vmem>>, vector<1x1x1x16xf32>,
        %parallel_loop3A_740 = vector.shape_cast %parallel_loop3A_739 : vector<1x1x1x16xf32> to vector<16xf32>
        %parallel_loop3A_741 = arith.constant 1 : i32
        %parallel_loop3A_742 = arith.constant 2 : i32
        %parallel_loop3A_743 = arith.index_cast %parallel_loop3A_741 : i32 to index
        %parallel_loop3A_744 = arith.index_cast %parallel_loop3A_742 : i32 to index
        %parallel_loop3A_745 = arith.index_cast %parallel_loop3A_628 : i32 to index
        %parallel_loop3A_746 = arith.constant 64 : index
        %parallel_loop3A_747 = tpu.vector_load %arg11[%parallel_loop3A_743, %parallel_loop3A_744, %parallel_loop3A_745, %parallel_loop3A_746] {strides = array<i32>} : memref<2x3x128x128xf32, #tpu.memory_space<vmem>>, vector<1x1x1x16xf32>,
        %parallel_loop3A_748 = vector.shape_cast %parallel_loop3A_747 : vector<1x1x1x16xf32> to vector<16xf32>
        %parallel_loop3A_749 = arith.addf %parallel_loop3A_740, %parallel_loop3A_748 : vector<16xf32>
        %parallel_loop3A_750 = arith.constant 1 : i32
        %parallel_loop3A_751 = arith.constant 0 : i32
        %parallel_loop3A_752 = arith.index_cast %parallel_loop3A_750 : i32 to index
        %parallel_loop3A_753 = arith.index_cast %parallel_loop3A_751 : i32 to index
        %parallel_loop3A_754 = arith.index_cast %parallel_loop3A_628 : i32 to index
        %parallel_loop3A_755 = arith.constant 64 : index
        %parallel_loop3A_756 = tpu.vector_load %arg11[%parallel_loop3A_752, %parallel_loop3A_753, %parallel_loop3A_754, %parallel_loop3A_755] {strides = array<i32>} : memref<2x3x128x128xf32, #tpu.memory_space<vmem>>, vector<1x1x1x16xf32>,
        %parallel_loop3A_757 = vector.shape_cast %parallel_loop3A_756 : vector<1x1x1x16xf32> to vector<16xf32>
        %parallel_loop3A_758 = vector.shape_cast %parallel_loop3A_749 : vector<16xf32> to vector<1x1x1x16xf32>
        tpu.vector_store %arg11[%parallel_loop3A_752, %parallel_loop3A_753, %parallel_loop3A_754, %parallel_loop3A_755], %parallel_loop3A_758 {add = true, strides = array<i32>} : memref<2x3x128x128xf32, #tpu.memory_space<vmem>>, vector<1x1x1x16xf32>,
        %parallel_loop3A_759 = arith.constant 1 : i32
        %parallel_loop3A_760 = arith.constant 1 : i32
        %parallel_loop3A_761 = arith.index_cast %parallel_loop3A_759 : i32 to index
        %parallel_loop3A_762 = arith.index_cast %parallel_loop3A_760 : i32 to index
        %parallel_loop3A_763 = arith.index_cast %parallel_loop3A_628 : i32 to index
        %parallel_loop3A_764 = arith.constant 80 : index
        %parallel_loop3A_765 = tpu.vector_load %arg11[%parallel_loop3A_761, %parallel_loop3A_762, %parallel_loop3A_763, %parallel_loop3A_764] {strides = array<i32>} : memref<2x3x128x128xf32, #tpu.memory_space<vmem>>, vector<1x1x1x16xf32>,
        %parallel_loop3A_766 = vector.shape_cast %parallel_loop3A_765 : vector<1x1x1x16xf32> to vector<16xf32>
        %parallel_loop3A_767 = arith.constant 1 : i32
        %parallel_loop3A_768 = arith.constant 2 : i32
        %parallel_loop3A_769 = arith.index_cast %parallel_loop3A_767 : i32 to index
        %parallel_loop3A_770 = arith.index_cast %parallel_loop3A_768 : i32 to index
        %parallel_loop3A_771 = arith.index_cast %parallel_loop3A_628 : i32 to index
        %parallel_loop3A_772 = arith.constant 80 : index
        %parallel_loop3A_773 = tpu.vector_load %arg11[%parallel_loop3A_769, %parallel_loop3A_770, %parallel_loop3A_771, %parallel_loop3A_772] {strides = array<i32>} : memref<2x3x128x128xf32, #tpu.memory_space<vmem>>, vector<1x1x1x16xf32>,
        %parallel_loop3A_774 = vector.shape_cast %parallel_loop3A_773 : vector<1x1x1x16xf32> to vector<16xf32>
        %parallel_loop3A_775 = arith.addf %parallel_loop3A_766, %parallel_loop3A_774 : vector<16xf32>
        %parallel_loop3A_776 = arith.constant 1 : i32
        %parallel_loop3A_777 = arith.constant 0 : i32
        %parallel_loop3A_778 = arith.index_cast %parallel_loop3A_776 : i32 to index
        %parallel_loop3A_779 = arith.index_cast %parallel_loop3A_777 : i32 to index
        %parallel_loop3A_780 = arith.index_cast %parallel_loop3A_628 : i32 to index
        %parallel_loop3A_781 = arith.constant 80 : index
        %parallel_loop3A_782 = tpu.vector_load %arg11[%parallel_loop3A_778, %parallel_loop3A_779, %parallel_loop3A_780, %parallel_loop3A_781] {strides = array<i32>} : memref<2x3x128x128xf32, #tpu.memory_space<vmem>>, vector<1x1x1x16xf32>,
        %parallel_loop3A_783 = vector.shape_cast %parallel_loop3A_782 : vector<1x1x1x16xf32> to vector<16xf32>
        %parallel_loop3A_784 = vector.shape_cast %parallel_loop3A_775 : vector<16xf32> to vector<1x1x1x16xf32>
        tpu.vector_store %arg11[%parallel_loop3A_778, %parallel_loop3A_779, %parallel_loop3A_780, %parallel_loop3A_781], %parallel_loop3A_784 {add = true, strides = array<i32>} : memref<2x3x128x128xf32, #tpu.memory_space<vmem>>, vector<1x1x1x16xf32>,
        %parallel_loop3A_785 = arith.constant 1 : i32
        %parallel_loop3A_786 = arith.constant 1 : i32
        %parallel_loop3A_787 = arith.index_cast %parallel_loop3A_785 : i32 to index
        %parallel_loop3A_788 = arith.index_cast %parallel_loop3A_786 : i32 to index
        %parallel_loop3A_789 = arith.index_cast %parallel_loop3A_628 : i32 to index
        %parallel_loop3A_790 = arith.constant 96 : index
        %parallel_loop3A_791 = tpu.vector_load %arg11[%parallel_loop3A_787, %parallel_loop3A_788, %parallel_loop3A_789, %parallel_loop3A_790] {strides = array<i32>} : memref<2x3x128x128xf32, #tpu.memory_space<vmem>>, vector<1x1x1x16xf32>,
        %parallel_loop3A_792 = vector.shape_cast %parallel_loop3A_791 : vector<1x1x1x16xf32> to vector<16xf32>
        %parallel_loop3A_793 = arith.constant 1 : i32
        %parallel_loop3A_794 = arith.constant 2 : i32
        %parallel_loop3A_795 = arith.index_cast %parallel_loop3A_793 : i32 to index
        %parallel_loop3A_796 = arith.index_cast %parallel_loop3A_794 : i32 to index
        %parallel_loop3A_797 = arith.index_cast %parallel_loop3A_628 : i32 to index
        %parallel_loop3A_798 = arith.constant 96 : index
        %parallel_loop3A_799 = tpu.vector_load %arg11[%parallel_loop3A_795, %parallel_loop3A_796, %parallel_loop3A_797, %parallel_loop3A_798] {strides = array<i32>} : memref<2x3x128x128xf32, #tpu.memory_space<vmem>>, vector<1x1x1x16xf32>,
        %parallel_loop3A_800 = vector.shape_cast %parallel_loop3A_799 : vector<1x1x1x16xf32> to vector<16xf32>
        %parallel_loop3A_801 = arith.addf %parallel_loop3A_792, %parallel_loop3A_800 : vector<16xf32>
        %parallel_loop3A_802 = arith.constant 1 : i32
        %parallel_loop3A_803 = arith.constant 0 : i32
        %parallel_loop3A_804 = arith.index_cast %parallel_loop3A_802 : i32 to index
        %parallel_loop3A_805 = arith.index_cast %parallel_loop3A_803 : i32 to index
        %parallel_loop3A_806 = arith.index_cast %parallel_loop3A_628 : i32 to index
        %parallel_loop3A_807 = arith.constant 96 : index
        %parallel_loop3A_808 = tpu.vector_load %arg11[%parallel_loop3A_804, %parallel_loop3A_805, %parallel_loop3A_806, %parallel_loop3A_807] {strides = array<i32>} : memref<2x3x128x128xf32, #tpu.memory_space<vmem>>, vector<1x1x1x16xf32>,
        %parallel_loop3A_809 = vector.shape_cast %parallel_loop3A_808 : vector<1x1x1x16xf32> to vector<16xf32>
        %parallel_loop3A_810 = vector.shape_cast %parallel_loop3A_801 : vector<16xf32> to vector<1x1x1x16xf32>
        tpu.vector_store %arg11[%parallel_loop3A_804, %parallel_loop3A_805, %parallel_loop3A_806, %parallel_loop3A_807], %parallel_loop3A_810 {add = true, strides = array<i32>} : memref<2x3x128x128xf32, #tpu.memory_space<vmem>>, vector<1x1x1x16xf32>,
        %parallel_loop3A_811 = arith.constant 1 : i32
        %parallel_loop3A_812 = arith.constant 1 : i32
        %parallel_loop3A_813 = arith.index_cast %parallel_loop3A_811 : i32 to index
        %parallel_loop3A_814 = arith.index_cast %parallel_loop3A_812 : i32 to index
        %parallel_loop3A_815 = arith.index_cast %parallel_loop3A_628 : i32 to index
        %parallel_loop3A_816 = arith.constant 112 : index
        %parallel_loop3A_817 = tpu.vector_load %arg11[%parallel_loop3A_813, %parallel_loop3A_814, %parallel_loop3A_815, %parallel_loop3A_816] {strides = array<i32>} : memref<2x3x128x128xf32, #tpu.memory_space<vmem>>, vector<1x1x1x16xf32>,
        %parallel_loop3A_818 = vector.shape_cast %parallel_loop3A_817 : vector<1x1x1x16xf32> to vector<16xf32>
        %parallel_loop3A_819 = arith.constant 1 : i32
        %parallel_loop3A_820 = arith.constant 2 : i32
        %parallel_loop3A_821 = arith.index_cast %parallel_loop3A_819 : i32 to index
        %parallel_loop3A_822 = arith.index_cast %parallel_loop3A_820 : i32 to index
        %parallel_loop3A_823 = arith.index_cast %parallel_loop3A_628 : i32 to index
        %parallel_loop3A_824 = arith.constant 112 : index
        %parallel_loop3A_825 = tpu.vector_load %arg11[%parallel_loop3A_821, %parallel_loop3A_822, %parallel_loop3A_823, %parallel_loop3A_824] {strides = array<i32>} : memref<2x3x128x128xf32, #tpu.memory_space<vmem>>, vector<1x1x1x16xf32>,
        %parallel_loop3A_826 = vector.shape_cast %parallel_loop3A_825 : vector<1x1x1x16xf32> to vector<16xf32>
        %parallel_loop3A_827 = arith.addf %parallel_loop3A_818, %parallel_loop3A_826 : vector<16xf32>
        %parallel_loop3A_828 = arith.constant 1 : i32
        %parallel_loop3A_829 = arith.constant 0 : i32
        %parallel_loop3A_830 = arith.index_cast %parallel_loop3A_828 : i32 to index
        %parallel_loop3A_831 = arith.index_cast %parallel_loop3A_829 : i32 to index
        %parallel_loop3A_832 = arith.index_cast %parallel_loop3A_628 : i32 to index
        %parallel_loop3A_833 = arith.constant 112 : index
        %parallel_loop3A_834 = tpu.vector_load %arg11[%parallel_loop3A_830, %parallel_loop3A_831, %parallel_loop3A_832, %parallel_loop3A_833] {strides = array<i32>} : memref<2x3x128x128xf32, #tpu.memory_space<vmem>>, vector<1x1x1x16xf32>,
        %parallel_loop3A_835 = vector.shape_cast %parallel_loop3A_834 : vector<1x1x1x16xf32> to vector<16xf32>
        %parallel_loop3A_836 = vector.shape_cast %parallel_loop3A_827 : vector<16xf32> to vector<1x1x1x16xf32>
        tpu.vector_store %arg11[%parallel_loop3A_830, %parallel_loop3A_831, %parallel_loop3A_832, %parallel_loop3A_833], %parallel_loop3A_836 {add = true, strides = array<i32>} : memref<2x3x128x128xf32, #tpu.memory_space<vmem>>, vector<1x1x1x16xf32>,
      } {sc.loop_unroll_factor = 4 : i64, sc.parallel_access}
      %mul3A_608 = arith.constant 128 : i32
      %mul3A_609 = arith.muli %add3A_536, %mul3A_608 : i32
      %add3A_610 = arith.addi %mul3A_2, %mul3A_609 : i32
      %dma_start3A_611 = arith.constant 1 : i32
      %dma_start3A_612 = arith.constant 0 : i32
      %dma_start3A_613 = arith.constant 1 : i32
      %dma_start3A_614 = arith.constant 0 : i32
      %dma_start3A_615 = arith.constant 0 : i32
      %dma_start3A_616 = tpu.memref_slice %arg11[%dma_start3A_611, %dma_start3A_612, %dma_start3A_614, %dma_start3A_615] : memref<2x3x128x128xf32, #tpu.memory_space<vmem>> -> memref<1x1x128x128xf32, #tpu.memory_space<vmem>>
      %dma_start3A_617 = tpu.memref_squeeze %dma_start3A_616 : memref<1x1x128x128xf32, #tpu.memory_space<vmem>> -> memref<128x128xf32, #tpu.memory_space<vmem>>
      %dma_start3A_618 = arith.constant 0 : i32
      %dma_start3A_619 = tpu.memref_slice %arg8[%add3A_610, %dma_start3A_618] : memref<262144x128xf32, #tpu.memory_space<hbm>> -> memref<128x128xf32, #tpu.memory_space<hbm>>
      %dma_start3A_620 = tpu.memref_slice %arg16[%dma_start3A_613] : memref<2x!tpu.dma_semaphore, #tpu.memory_space<semaphore_mem>> -> memref<1x!tpu.dma_semaphore, #tpu.memory_space<semaphore_mem>>
      %dma_start3A_621 = tpu.memref_squeeze %dma_start3A_620 : memref<1x!tpu.dma_semaphore, #tpu.memory_space<semaphore_mem>> -> memref<!tpu.dma_semaphore, #tpu.memory_space<semaphore_mem>>
      %dma_start3A_622 = arith.constant 0 : i32
      %dma_start3A_623 = tpu.memref_slice %arg8[%add3A_610, %dma_start3A_622] : memref<262144x128xf32, #tpu.memory_space<hbm>> -> memref<128x128xf32, #tpu.memory_space<hbm>>
      %dma_start3A_624 = arith.constant 0 : i32
      %dma_start3A_625 = arith.constant 0 : i32
      %dma_start3A_626 = tpu.memref_slice %arg11[%dma_start3A_611, %dma_start3A_612, %dma_start3A_624, %dma_start3A_625] : memref<2x3x128x128xf32, #tpu.memory_space<vmem>> -> memref<1x1x128x128xf32, #tpu.memory_space<vmem>>
      %dma_start3A_627 = tpu.memref_squeeze %dma_start3A_626 : memref<1x1x128x128xf32, #tpu.memory_space<vmem>> -> memref<128x128xf32, #tpu.memory_space<vmem>>
      tpu.enqueue_dma source(%dma_start3A_627 : memref<128x128xf32, #tpu.memory_space<vmem>>) target(%dma_start3A_623 : memref<128x128xf32, #tpu.memory_space<hbm>>) target_semaphore(%dma_start3A_621 : memref<!tpu.dma_semaphore, #tpu.memory_space<semaphore_mem>>)
    }
    %scan3A_408 = arith.constant 32 : i32
    %dma_wait3A = arith.constant 0 : i32
    %dma_wait3A_409 = arith.constant 0 : i32
    %dma_wait3A_410 = arith.constant 0 : i32
    %dma_wait3A_411 = arith.constant 0 : i32
    %dma_wait3A_412 = arith.constant 0 : i32
    %dma_wait3A_413 = tpu.memref_slice %arg11[%dma_wait3A, %dma_wait3A_409, %dma_wait3A_411, %dma_wait3A_412] : memref<2x3x128x128xf32, #tpu.memory_space<vmem>> -> memref<1x1x128x128xf32, #tpu.memory_space<vmem>>
    %dma_wait3A_414 = tpu.memref_squeeze %dma_wait3A_413 : memref<1x1x128x128xf32, #tpu.memory_space<vmem>> -> memref<128x128xf32, #tpu.memory_space<vmem>>
    %dma_wait3A_415 = arith.constant 0 : i32
    %dma_wait3A_416 = tpu.memref_slice %arg8[%mul3A_2, %dma_wait3A_415] : memref<262144x128xf32, #tpu.memory_space<hbm>> -> memref<128x128xf32, #tpu.memory_space<hbm>>
    %dma_wait3A_417 = tpu.memref_slice %arg16[%dma_wait3A_410] : memref<2x!tpu.dma_semaphore, #tpu.memory_space<semaphore_mem>> -> memref<1x!tpu.dma_semaphore, #tpu.memory_space<semaphore_mem>>
    %dma_wait3A_418 = tpu.memref_squeeze %dma_wait3A_417 : memref<1x!tpu.dma_semaphore, #tpu.memory_space<semaphore_mem>> -> memref<!tpu.dma_semaphore, #tpu.memory_space<semaphore_mem>>
    %dma_wait3A_419 = arith.constant 0 : i32
    %dma_wait3A_420 = tpu.memref_slice %arg8[%mul3A_2, %dma_wait3A_419] : memref<262144x128xf32, #tpu.memory_space<hbm>> -> memref<128x128xf32, #tpu.memory_space<hbm>>
    %dma_wait3A_421 = arith.constant 0 : i32
    %dma_wait3A_422 = arith.constant 0 : i32
    %dma_wait3A_423 = tpu.memref_slice %arg11[%dma_wait3A, %dma_wait3A_409, %dma_wait3A_421, %dma_wait3A_422] : memref<2x3x128x128xf32, #tpu.memory_space<vmem>> -> memref<1x1x128x128xf32, #tpu.memory_space<vmem>>
    %dma_wait3A_424 = tpu.memref_squeeze %dma_wait3A_423 : memref<1x1x128x128xf32, #tpu.memory_space<vmem>> -> memref<128x128xf32, #tpu.memory_space<vmem>>
    tpu.wait_dma2 semaphore(%dma_wait3A_418 : memref<!tpu.dma_semaphore, #tpu.memory_space<semaphore_mem>>) src(%dma_wait3A_424 : memref<128x128xf32, #tpu.memory_space<vmem>>) dst(%dma_wait3A_420 : memref<128x128xf32, #tpu.memory_space<hbm>>)
    %dma_wait3A_425 = arith.constant 1 : i32
    %dma_wait3A_426 = arith.constant 0 : i32
    %dma_wait3A_427 = arith.constant 1 : i32
    %dma_wait3A_428 = arith.constant 0 : i32
    %dma_wait3A_429 = arith.constant 0 : i32
    %dma_wait3A_430 = tpu.memref_slice %arg11[%dma_wait3A_425, %dma_wait3A_426, %dma_wait3A_428, %dma_wait3A_429] : memref<2x3x128x128xf32, #tpu.memory_space<vmem>> -> memref<1x1x128x128xf32, #tpu.memory_space<vmem>>
    %dma_wait3A_431 = tpu.memref_squeeze %dma_wait3A_430 : memref<1x1x128x128xf32, #tpu.memory_space<vmem>> -> memref<128x128xf32, #tpu.memory_space<vmem>>
    %dma_wait3A_432 = arith.constant 0 : i32
    %dma_wait3A_433 = tpu.memref_slice %arg8[%mul3A_2, %dma_wait3A_432] : memref<262144x128xf32, #tpu.memory_space<hbm>> -> memref<128x128xf32, #tpu.memory_space<hbm>>
    %dma_wait3A_434 = tpu.memref_slice %arg16[%dma_wait3A_427] : memref<2x!tpu.dma_semaphore, #tpu.memory_space<semaphore_mem>> -> memref<1x!tpu.dma_semaphore, #tpu.memory_space<semaphore_mem>>
    %dma_wait3A_435 = tpu.memref_squeeze %dma_wait3A_434 : memref<1x!tpu.dma_semaphore, #tpu.memory_space<semaphore_mem>> -> memref<!tpu.dma_semaphore, #tpu.memory_space<semaphore_mem>>
    %dma_wait3A_436 = arith.constant 0 : i32
    %dma_wait3A_437 = tpu.memref_slice %arg8[%mul3A_2, %dma_wait3A_436] : memref<262144x128xf32, #tpu.memory_space<hbm>> -> memref<128x128xf32, #tpu.memory_space<hbm>>
    %dma_wait3A_438 = arith.constant 0 : i32
    %dma_wait3A_439 = arith.constant 0 : i32
    %dma_wait3A_440 = tpu.memref_slice %arg11[%dma_wait3A_425, %dma_wait3A_426, %dma_wait3A_438, %dma_wait3A_439] : memref<2x3x128x128xf32, #tpu.memory_space<vmem>> -> memref<1x1x128x128xf32, #tpu.memory_space<vmem>>
    %dma_wait3A_441 = tpu.memref_squeeze %dma_wait3A_440 : memref<1x1x128x128xf32, #tpu.memory_space<vmem>> -> memref<128x128xf32, #tpu.memory_space<vmem>>
    tpu.wait_dma2 semaphore(%dma_wait3A_435 : memref<!tpu.dma_semaphore, #tpu.memory_space<semaphore_mem>>) src(%dma_wait3A_441 : memref<128x128xf32, #tpu.memory_space<vmem>>) dst(%dma_wait3A_437 : memref<128x128xf32, #tpu.memory_space<hbm>>)
    return
  }
}

</mosaic_0001>

<sc_bundles>
// kernel: _sc_lookup.3.cloned.1.call-start
scs
__scs_entry_jumppad:
0x0: {  	(pc) =	sbr.rel $0x88, $3  }
0x1: {  	(tag) =	ssettag $0x0;
	lr =	simm.s32 $0x1  }
0x2: {  	[smem:$0x3F9B] =	sst lr;
	_ =	strace $0xD0000000  }
0x3: {  	_ = 	snop  }
0x4: {  	_ = 	snop  }
0x5: {  	_ = 	snop  }
0x6: {  	_ = 	snop  }
0x7: {  	_ = 	snop  }
__scs_overlays_trampoline_lowered:
0x8: {  	[smem:$0x3FAA] =	sst s0  }
0x9: {  	[smem:$0x3FAB] =	sst s1  }
0xa: {  	[smem:$0x3FAC] =	sst s2  }
0xb: {  	[smem:$0x3FAD] =	sst s3  }
0xc: {  	[smem:$0x3FAE] =	sst s4  }
0xd: {  	[smem:$0x3FAF] =	sst s5  }
0xe: {  	[smem:$0x3FB0] =	sst s6  }
0xf: {  	[smem:$0x3FB1] =	sst s7  }
0x10: {  	[smem:$0x3FB2] =	sst s8  }
0x11: {  	[smem:$0x3FB3] =	sst s9;
	s0 =	simm.s32 @!p0 $0x0  }
0x12: {  	s1 =	sld [smem:$0x3F99];
	s0 =	simm.s32 @p0 $0x1  }
0x13: {  	[smem:$0x3FB4] =	sst s0;
	s0 =	simm.s32 @!p1 $0x0  }
0x14: {  	s2 =	sld [smem:$0x3F98];
	s0 =	simm.s32 @p1 $0x1  }
0x15: {  	[smem:$0x3FB5] =	sst s0;
	s0 =	simm.s32 @!p2 $0x0  }
0x16: {  	s3 =	sld [smem:$0x3FDB];
	s0 =	simm.s32 @p2 $0x1  }
0x17: {  	s4 =	simm.s32 $0x1BF5;
	[smem:$0x3FB7] =	sst s0  }
0x18: {  	s0 =	sld [smem:$0x3F9A];
	_ =	swait.ge [sflag:s4], $0x0  }
0x19: {  	s7 =	sld [smem:$0x3F9B]  }
0x1a: {  	s8 =	sadd.s32 $0xFFFFE003, lr  }
0x1b: {  	s9 =	sadd.s32 $0xFFFFFEF7, lr;
	s5 =	simm.s32 $0xFFFFFFFF;
	p2 =	slt.u32 s8, $0xFFFFF086  }
0x1c: {  	p1 =	slt.u32 s9, $0xF7A;
	s5 =	simm.s32 @!p2 $0x0  }
0x1d: {  	s5 =	simm.s32 @p1 $0x1;
	p0 =	seq.s32 s7, s2  }
0x1e: {  	s7 =	smul.u32 @!p0 $0xF7A, s2;
	p2 =	seq.s32 @!p0 s5, $0x0  }
0x1f: {  	s9 =	smul.u32 $0xF7A, s1;
	s8 =	simm.s32 @!p0 $0x1BF5;
	p2 =	por !p2, p0  }
0x20: {  	[sflag:s8] =	ssyncset.s32 @!p0 $0xFFFFF086;
	s6 =	sadd.s32 @!p0 s3, s7;
	s7 =	simm.s32 @!p0 $0x108  }
0x21: {  	s3 =	sadd.s32 s3, s9;
	s6 =	sadd.s32 @!p0 $0x88, s6;
	s7 =	simm.s32 @p2 $0x1082  }
0x22: {  	[simem:s7], [sflag:s8] =	dma.local @!p0 [hbm:s6], $0xF7A  }
0x23: {  	s9 =	sor.u32 $0xD0000000, s2;
	s6 =	simm.s32 $0x108;
	_ =	swait.ge @!p0 [sflag:s8], $0x0  }
0x24: {  	s3 =	sadd.s32 $0x88, s3;
	s6 =	simm.s32 @!p1 $0x1082;
	[sflag:s4] =	ssyncset.s32 $0xFFFFF086  }
0x25: {  	[simem:s6], [sflag:s4] =	dma.local [hbm:s3], $0xF7A  }
0x26: {  	[smem:$0x3F9B] =	sst s1;
	(tag) =	ssettag s2;
	_ =	strace s9  }
0x27: {  	s1 =	sld [smem:$0x3FAB]  }
0x28: {  	s2 =	sld [smem:$0x3FAC]  }
0x29: {  	s4 =	sld [smem:$0x3FAE]  }
0x2a: {  	p0 =	seq.s32 s5, $0x0;
	s5 =	sld [smem:$0x3FAF]  }
0x2b: {  	s6 =	sld [smem:$0x3FB0]  }
0x2c: {  	s7 =	sld [smem:$0x3FB1]  }
0x2d: {  	s3 =	simm.s32 $0x108;
	s8 =	sld [smem:$0x3FB2]  }
0x2e: {  	s3 =	simm.s32 @!p0 $0x1082;
	s9 =	sld [smem:$0x3FB3]  }
0x2f: {  	lr =	sadd.s32 s0, s3;
	s0 =	sld [smem:$0x3FAA]  }
0x30: {  	s3 =	sld [smem:$0x3FAD]  }
0x31: {  	[smem:$0x3FB6] =	sst s10  }
0x32: {  	s10 =	sld [smem:$0x3FB4];
	_ =	sdelay $0x3  }
0x33: {  	p0 =	seq.s32 s10, $0x1;
	s10 =	sld [smem:$0x3FB6];
	_ =	sdelay $0x3  }
0x34: {  	[smem:$0x3FB6] =	sst s10  }
0x35: {  	s10 =	sld [smem:$0x3FB5];
	_ =	sdelay $0x3  }
0x36: {  	p1 =	seq.s32 s10, $0x1;
	s10 =	sld [smem:$0x3FB6];
	_ =	sdelay $0x3  }
0x37: {  	[smem:$0x3FB6] =	sst s10  }
0x38: {  	s10 =	sld [smem:$0x3FB7]  }
0x39: {  	_ = 	snop;
	(pc) =	sbr.ind lr, $3  }
0x3a: {  	_ = 	snop  }
0x3b: {  	_ = 	snop  }
0x3c: {  	p2 =	seq.s32 s10, $0x1;
	s10 =	sld [smem:$0x3FB6]  }
0x3d: {  	_ =	shalt  }
0x3e: {  	_ =	shalt  }
0x3f: {  	_ =	shalt  }
0x40: {  	_ =	shalt  }
0x41: {  	_ =	shalt  }
0x42: {  	_ =	shalt  }
0x43: {  	_ =	shalt  }
0x44: {  	_ =	shalt  }
0x45: {  	_ =	shalt  }
0x46: {  	_ =	shalt  }
0x47: {  	_ =	shalt  }
0x48: {  	_ =	shalt  }
0x49: {  	_ =	shalt  }
0x4a: {  	_ =	shalt  }
0x4b: {  	_ =	shalt  }
0x4c: {  	_ =	shalt  }
0x4d: {  	_ =	shalt  }
0x4e: {  	_ =	shalt  }
0x4f: {  	_ =	shalt  }
0x50: {  	_ =	shalt  }
0x51: {  	_ =	shalt  }
0x52: {  	_ =	shalt  }
0x53: {  	_ =	shalt  }
0x54: {  	_ =	shalt  }
0x55: {  	_ =	shalt  }
0x56: {  	_ =	shalt  }
0x57: {  	_ =	shalt  }
0x58: {  	_ =	shalt  }
0x59: {  	_ =	shalt  }
0x5a: {  	_ =	shalt  }
0x5b: {  	_ =	shalt  }
0x5c: {  	_ =	shalt  }
0x5d: {  	_ =	shalt  }
0x5e: {  	_ =	shalt  }
0x5f: {  	_ =	shalt  }
0x60: {  	_ =	shalt  }
0x61: {  	_ =	shalt  }
0x62: {  	_ =	shalt  }
0x63: {  	_ =	shalt  }
0x64: {  	_ =	shalt  }
0x65: {  	_ =	shalt  }
0x66: {  	_ =	shalt  }
0x67: {  	_ =	shalt  }
0x68: {  	_ =	shalt  }
0x69: {  	_ =	shalt  }
0x6a: {  	_ =	shalt  }
0x6b: {  	_ =	shalt  }
0x6c: {  	_ =	shalt  }
0x6d: {  	_ =	shalt  }
0x6e: {  	_ =	shalt  }
0x6f: {  	_ =	shalt  }
0x70: {  	_ =	shalt  }
0x71: {  	_ =	shalt  }
0x72: {  	_ =	shalt  }
0x73: {  	_ =	shalt  }
0x74: {  	_ =	shalt  }
0x75: {  	_ =	shalt  }
0x76: {  	_ =	shalt  }
0x77: {  	_ =	shalt  }
0x78: {  	_ =	shalt  }
0x79: {  	_ =	shalt  }
0x7a: {  	_ =	shalt  }
0x7b: {  	_ =	shalt  }
0x7c: {  	_ =	shalt  }
0x7d: {  	_ =	shalt  }
0x7e: {  	_ =	shalt  }
0x7f: {  	_ =	shalt  }
0x80: {  	_ =	shalt  }
0x81: {  	_ =	shalt  }
0x82: {  	_ =	shalt  }
0x83: {  	_ =	shalt  }
0x84: {  	_ =	shalt  }
0x85: {  	_ =	shalt  }
0x86: {  	_ =	shalt  }
0x87: {  	_ =	shalt  }
.Lfunc_end0:
.L_simem_size_0:
called_computation_lowered:
.L_overlay_start_0:
0x88: {  	s2 =	sld [smem:$0x3FD9]  }
0x89: {  	s3 =	sld [smem:$0x3FFE];
	_ =	sdelay $0x1  }
0x8a: {  	s1 =	srdreg.scid  }
0x8b: {  	s0 =	sand.u32 $0x1, s1  }
0x8c: {  	s18 =	sshll.u32 s0, $0xA;
	s2 =	sadd.s32 s3, s2  }
0x8d: {  	s2 =	sadd.s32 s2, s18  }
0x8e: {  	[smem:$0x3FC2] =	sst s2  }
0x8f: {  	_ = 	snop  }
0x90: {  	s2 =	sld [smem:$0x3FC9]  }
0x91: {  	s19 =	sld [smem:$0x3FC8]  }
0x92: {  	s4 =	sld [smem:$0x3FC7]  }
0x93: {  	s5 =	sld [smem:$0x3FC6]  }
0x94: {  	s6 =	sld [smem:$0x3FC5]  }
0x95: {  	s7 =	sld [smem:$0x3FC4]  }
0x96: {  	s8 =	sld [smem:$0x3FD0];
	(tm) =	ssettm $0x1  }
0x97: {  	s9 =	sld [smem:$0x3FFB];
	_ =	sdelay $0x3  }
0x98: {  	_ =	strace s9  }
0x99: {  	s9 =	sld [smem:$0x3FFC];
	_ =	sdelay $0x3  }
0x9a: {  	_ =	strace s9  }
0x9b: {  	s9 =	sld [smem:$0x3FFD];
	_ =	sdelay $0x3  }
0x9c: {  	_ =	strace s9  }
0x9d: {  	_ =	strace $0x8FFFFFFF  }
0x9e: {  	s20 =	sld [smem:$0x3FDB];
	_ =	sdelay $0x1  }
0x9f: {  	s10 =	simm.s32 $_scs_section_size  }
0xa0: {  	s11 =	simm.s32 $_size__tile_overlayer_lowered;
	s12 =	simm.s32 $_tile_overlayer_lowered  }
0xa1: {  	s23 =	simm.s32 $0x1BFF;
	s22 =	sshll.u32 s12, $0x1;
	s9 =	sadd.s32 s10, s20  }
0xa2: {  	s13 =	simm.s32 $0x0;
	s21 =	sshll.u32 s11, $0x1;
	s11 =	sadd.s32 s22, s9  }
0xa3: {  	[timem:s13], [sflag:s23] =	dma.local [hbm:s11], s21  }
0xa4: {  	_ =	swait.ge [sflag:s23], s21  }
0xa5: {  	s10 =	ssub.s32 $0x0, s21;
	[sflag:s23] =	ssyncset.done $0x0  }
0xa6: {  	[sflag:s23] =	ssyncadd.s32 s10;
	_ =	sdelay $0x1  }
0xa7: {  	s24 =	simm.s32 $0x1B8B  }
0xa8: {  	_ =	swait.ge [sflag:s24], $0x1  }
0xa9: {  	[sflag:s24] =	ssyncset.done $0x0  }
0xaa: {  	s25 =	simm.s32 $0x1B8E;
	[sflag:s24] =	ssyncadd.s32 $0xFFFFFFFF  }
0xab: {  	s26 =	simm.s32 $execute0_lowered;
	[smem:$0x3FD2] =	sst s25  }
0xac: {  	s10 =	sshll.u32 s26, $0x1;
	_ =	strace $0x80000046;
	[dreg:$0x1] =	wrdreg $0xFFFFFFFF  }
0xad: {  	s28 =	simm.s32 $_size_execute0_lowered;
	s9 =	sadd.s32 s9, s10;
	[dreg:$0x0] =	wrdreg $0x0  }
0xae: {  	s10 =	sshll.u32 s28, $0x1;
	[dreg:$0x2] =	wrdreg s9  }
0xaf: {  	[dreg:$0x3] =	wrdreg s10  }
0xb0: {  	[dreg:$0x4] =	wrdreg $0xC0  }
0xb1: {  	_ =	task [dreg:s13], $0x5FFFF  }
0xb2: {  	[dreg:$0x1] =	wrdreg $0xFFFFFFFF  }
0xb3: {  	[dreg:$0x0] =	wrdreg $0x60  }
0xb4: {  	[dreg:$0x2] =	wrdreg s2  }
0xb5: {  	[dreg:$0x3] =	wrdreg s19  }
0xb6: {  	[dreg:$0x4] =	wrdreg s4  }
0xb7: {  	[dreg:$0x5] =	wrdreg s5  }
0xb8: {  	[dreg:$0x6] =	wrdreg s6  }
0xb9: {  	[dreg:$0x7] =	wrdreg s7  }
0xba: {  	[dreg:$0x8] =	wrdreg s8  }
0xbb: {  	[dreg:$0x9] =	wrdreg $0x1B4000  }
0xbc: {  	[dreg:$0xa] =	wrdreg $0x1C3A00  }
0xbd: {  	[dreg:$0xb] =	wrdreg $0x1D3400  }
0xbe: {  	[dreg:$0xc] =	wrdreg $0x9  }
0xbf: {  	_ =	task.clear_ibuf [dreg:s13], $0xDFFFF;
	_ =	strace $0x90000046  }
0xc0: {  	s29 =	simm.s32 $0x9;
	_ =	strace $0x80000048  }
0xc1: {  	_ =	swait.ge [sflag:s29], $0x1  }
0xc2: {  	[sflag:s29] =	ssyncadd.s32 $0xFFFFFFFF  }
0xc3: {  	_ =	strace $0x90000048  }
0xc4: {  	_ =	sfence  }
0xc5: {  	s30 =	sld [smem:$0x0];
	_ =	sdelay $0x2  }
0xc6: {  	s31 =	sshll.u32 s1, $0xD;
	s1 =	sshrl.u32 s1, $0x2  }
0xc7: {  	s3 =	sand.u32 $0x4000, s31;
	s1 =	sadd.s32 s1, s30  }
0xc8: {  	s0 =	sor.u32 s3, s0;
	s1 =	sshll.u32 s1, $0x11  }
0xc9: {  	s0 =	sor.u32 s1, s0  }
0xca: {  	s0 =	sadd.s32 $0x8F2B, s0  }
0xcb: {  	[sflag:s0] =	ssyncadd.remote.s32 $0x1  }
0xcc: {  	_ =	sfence.sel $0xFFFF  }
0xcd: {  	[dreg:$0x0] =	wrdreg $0xFFFFFFFF;
	(pc) =	sbr.abs _section_cstart, $3  }
0xce: {  	[dreg:$0x1] =	wrdreg $0xFFFFFFFF  }
0xcf: {  	_ =	task.clear_ibuf [dreg:s13], $0x2FFFF;
	_ =	strace $0x9FFFFFFF  }
0xd0: {  	(tm) =	ssettm $0x7FFFFFFF  }
0xd1: {  	_ =	shalt  }
tec
execute0_lowered:
.L_overlay_start_1:
0x0: {  	(tag) =	ssettag $0x1  }
0x1: {  	s0 =	rddreg [dreg:$0x0]  }
0x2: {  	s1 =	rddreg [dreg:$0x1]  }
0x3: {  	s2 =	rddreg [dreg:$0x2]  }
0x4: {  	s3 =	rddreg [dreg:$0x6]  }
0x5: {  	s4 =	rddreg [dreg:$0x7]  }
0x6: {  	s5 =	rddreg [dreg:$0x8]  }
0x7: {  	s6 =	rddreg [dreg:$0x9];
	s8 =	srdreg.scid;
	s7 =	simm.s32 $0x0  }
0x8: {  	s9 =	stileid.u32;
	s16 =	simm.s32 $0x5;
	s19 =	simm.s32 $0x80  }
0x9: {  	s20 =	simm.s32 $0x3000;
	s21 =	simm.s32 $0x3400;
	s22 =	simm.s32 $0x3080  }
0xa: {  	s23 =	simm.s32 $0x7400;
	s28 =	simm.s32 $0x3200;
	s29 =	simm.s32 $0xF400  }
0xb: {  	s30 =	simm.s32 $0x3280;
	s31 =	simm.s32 $0x13400;
	s17 =	simm.s32 $0x4  }
0xc: {  	s18 =	simm.s32 $0x0;
	s8 =	sand.u32 $0x1, s8;
	[smem:$0x7FF] =	sst s7  }
0xd: {  	s11 =	sshll.u32 s9, $0x1;
	p0 =	sne.s32 s9, $0x0;
	s10 =	ssub.s32 $0x2, s8  }
0xe: {  	_ =	strace $0x80000047;
	s8 =	sor.u32 s8, s11;
	s15 =	sshrl.u32 @!p0 s6, $0x3  }
0xf: {  	s12 =	sshrl.u32 s10, $0x1;
	s11 =	sshll.u32 s8, $0x11;
	s8 =	sshll.u32 s8, $0x9  }
0x10: {  	s10 =	ssub.s32 s10, s12;
	s0 =	sadd.s32 s0, s8;
	s24 =	sadd.s32 s1, s8  }
0x11: {  	s25 =	sadd.s32 s2, s8;
	s11 =	sadd.s32 s3, s11;
	[dreg:$0xb] =	wrdreg s0  }
0x12: {  	s2 =	simm.s32 $0x3300;
	s1 =	simm.s32 $0x2;
	[dreg:$0xc] =	wrdreg s24  }
0x13: {  	s3 =	simm.s32 $0x3;
	[dreg:$0xd] =	wrdreg s25;
	s26 =	smax.u32 s10, $0x1  }
0x14: {  	s0 =	sshrl.u32 @!p0 s4, $0x3;
	s24 =	simm.s32 $0x3100;
	[dreg:$0xe] =	wrdreg s26  }
0x15: {  	s25 =	simm.s32 $0xB400;
	[dreg:$0xf] =	wrdreg s0;
	s0 =	sshrl.u32 @!p0 s5, $0x3  }
0x16: {  	s26 =	simm.s32 $0x1;
	[dreg:$0x10] =	wrdreg s0;
	s0 =	simm.s32 $0x17400  }
.LBB2_1:
0x17: {  	s9 =	rddreg [dreg:$0x3]  }
0x18: {  	s8 =	simm.s32 @!p0 $0x1C05;
	s10 =	rddreg [dreg:$0xf]  }
0x19: {  	[spmem:s10], [sflag:s8] =	dma.local @!p0 [hbm:s9], $0x1F40  }
0x1a: {  	s9 =	simm.s32 @!p0 $0x5  }
0x1b: {  	_ =	swait.ge @!p0 [sflag:s9], $0x1F40  }
0x1c: {  	[sflag:s9] =	ssyncset.done @!p0 $0x0  }
0x1d: {  	s12 =	rddreg [dreg:$0x10];
	[sflag:s9] =	ssyncadd.s32 @!p0 $0xFFFFE0C0  }
0x1e: {  	s10 =	rddreg [dreg:$0x4]  }
0x1f: {  	[spmem:s12], [sflag:s8] =	dma.local @!p0 [hbm:s10], $0x1F40  }
0x20: {  	_ =	swait.ge @!p0 [sflag:s9], $0x1F40  }
0x21: {  	[sflag:s9] =	ssyncset.done @!p0 $0x0  }
0x22: {  	[sflag:s9] =	ssyncadd.s32 @!p0 $0xFFFFE0C0  }
0x23: {  	s10 =	rddreg [dreg:$0x5]  }
0x24: {  	[spmem:s15], [sflag:s8] =	dma.local @!p0 [hbm:s10], $0x1F40  }
0x25: {  	_ =	swait.ge @!p0 [sflag:s9], $0x1F40  }
0x26: {  	[sflag:s9] =	ssyncset.done @!p0 $0x0  }
0x27: {  	[sflag:s9] =	ssyncadd.s32 @!p0 $0xFFFFE0C0;
	s9 =	rddreg [dreg:$0xb]  }
0x28: {  	[tilespmem:s7], [sflag:$0x5] =	stream.linear.gather [hbm4b:s9+s7], $0x1000, $0x38;
	[tilespmem:$0x1E2E0] =	vst v63  }
0x29: {  	_ =	swait.ge [sflag:s16], $0x1000  }
0x2a: {  	[sflag:s16] =	ssyncset.done $0x0  }
0x2b: {  	s12 =	simm.s32 $0x1000;
	s10 =	rddreg [dreg:$0xc];
	[sflag:s16] =	ssyncadd.s32 $0xFFFFF000  }
0x2c: {  	[tilespmem:s12], [sflag:$0x5] =	stream.linear.gather [hbm4b:s10+s7], $0x1000, $0x38;
	[tilespmem:$0x1E2E0] =	vst v63  }
0x2d: {  	_ =	swait.ge [sflag:s16], $0x1000  }
0x2e: {  	[sflag:s16] =	ssyncset.done $0x0  }
0x2f: {  	s14 =	simm.s32 $0x2000;
	s13 =	rddreg [dreg:$0xd];
	[sflag:s16] =	ssyncadd.s32 $0xFFFFF000  }
0x30: {  	[tilespmem:s14], [sflag:$0x5] =	stream.linear.gather [hbm4b:s13+s7], $0x1000, $0x38;
	[tilespmem:$0x1E2E0] =	vst v63  }
0x31: {  	_ =	swait.ge [sflag:s16], $0x1000  }
0x32: {  	[sflag:s16] =	ssyncset.done $0x0  }
0x33: {  	[sflag:s16] =	ssyncadd.s32 $0xFFFFF000  }
0x34: {  	[bflag:$0x0] =	sbarrier.arrive $0xFFFF  }
0x35: {  	v0 =	vld [tilespmem:$0x0];
	_ =	sdelay $0x1  }
0x36: {  	v1 =	vld [tilespmem:$0x10];
	_ =	sdelay $0x1  }
0x37: {  	v2 =	vld [tilespmem:$0x20]  }
0x38: {  	v3 =	vand.u32 $0xFFFF, v0  }
0x39: {  	v33 =	vld [tilespmem:$0x30];
	v0 =	vshrl.u32 v0, $0x10;
	[tilespmem:$0x3000] =	vst v3  }
0x3a: {  	v34 =	vand.u32 $0xFFFF, v1;
	[tilespmem:$0x3040] =	vst v0  }
0x3b: {  	v36 =	vld [tilespmem:$0x1000];
	v35 =	vshrl.u32 v1, $0x10;
	[tilespmem:$0x3010] =	vst v34  }
0x3c: {  	v37 =	vand.u32 $0xFFFF, v2;
	[tilespmem:$0x3050] =	vst v35  }
0x3d: {  	v39 =	vld [tilespmem:$0x1010];
	v38 =	vshrl.u32 v2, $0x10;
	[tilespmem:$0x3020] =	vst v37  }
0x3e: {  	v40 =	vand.u32 $0xFFFF, v33;
	[tilespmem:$0x3060] =	vst v38  }
0x3f: {  	v42 =	vld [tilespmem:$0x1020];
	v41 =	vshrl.u32 v33, $0x10;
	[tilespmem:$0x3030] =	vst v40  }
0x40: {  	v43 =	vand.u32 $0xFFFF, v36;
	[tilespmem:$0x3070] =	vst v41  }
0x41: {  	v45 =	vld [tilespmem:$0x1030];
	v44 =	vshrl.u32 v36, $0x10;
	[tilespmem:$0x3080] =	vst v43  }
0x42: {  	v46 =	vand.u32 $0xFFFF, v39;
	[tilespmem:$0x30C0] =	vst v44  }
0x43: {  	v48 =	vld [tilespmem:$0x2000];
	v47 =	vshrl.u32 v39, $0x10;
	[tilespmem:$0x3090] =	vst v46  }
0x44: {  	v49 =	vand.u32 $0xFFFF, v42;
	[tilespmem:$0x30D0] =	vst v47  }
0x45: {  	v51 =	vld [tilespmem:$0x2010];
	v50 =	vshrl.u32 v42, $0x10;
	[tilespmem:$0x30A0] =	vst v49  }
0x46: {  	v52 =	vand.u32 $0xFFFF, v45;
	[tilespmem:$0x30E0] =	vst v50  }
0x47: {  	v54 =	vld [tilespmem:$0x2020];
	v53 =	vshrl.u32 v45, $0x10;
	[tilespmem:$0x30B0] =	vst v52  }
0x48: {  	v55 =	vand.u32 $0xFFFF, v48;
	[tilespmem:$0x30F0] =	vst v53  }
0x49: {  	v57 =	vld [tilespmem:$0x2030];
	v56 =	vshrl.u32 v48, $0x10;
	[tilespmem:$0x3100] =	vst v55  }
0x4a: {  	v58 =	vand.u32 $0xFFFF, v51;
	[tilespmem:$0x3140] =	vst v56  }
0x4b: {  	v59 =	vshrl.u32 v51, $0x10;
	[tilespmem:$0x3110] =	vst v58  }
0x4c: {  	v60 =	vand.u32 $0xFFFF, v54;
	[tilespmem:$0x3150] =	vst v59  }
0x4d: {  	v61 =	vshrl.u32 v54, $0x10;
	[tilespmem:$0x3120] =	vst v60  }
0x4e: {  	v62 =	vand.u32 $0xFFFF, v57;
	[tilespmem:$0x3160] =	vst v61  }
0x4f: {  	v63 =	vshrl.u32 v57, $0x10;
	[tilespmem:$0x3130] =	vst v62  }
0x50: {  	[tilespmem:$0x3170] =	vst v63  }
0x51: {  	[tilespmem:s21], [sflag:$0x1] =	stream.indirect.gather [spmem:s4], $0x80, s20, s19, $0xb8;
	[tilespmem:$0x1E2E0] =	vst v63  }
0x52: {  	_ = 	snop  }
0x53: {  	[tilespmem:s23], [sflag:$0x1] =	stream.indirect.gather [spmem:s5], $0x80, s22, s19, $0xb8;
	[tilespmem:$0x1E2E0] =	vst v63  }
0x54: {  	s8 =	simm.s32 $0x0  }
0x55: {  	[tilespmem:s25], [sflag:$0x1] =	stream.indirect.gather [spmem:s6], $0x80, s24, s19, $0xb8;
	[tilespmem:$0x1E2E0] =	vst v63  }
.LBB2_2:
0x56: {  	_ =	swait.ge [sflag:s26], $0x4000  }
0x57: {  	[sflag:s26] =	ssyncset.done $0x0  }
0x58: {  	[sflag:s26] =	ssyncadd.s32 $0xFFFFC000  }
0x59: {  	_ =	swait.ge [sflag:s26], $0x4000  }
0x5a: {  	[sflag:s26] =	ssyncset.done $0x0  }
0x5b: {  	[sflag:s26] =	ssyncadd.s32 $0xFFFFC000  }
0x5c: {  	_ =	swait.ge [sflag:s26], $0x4000  }
0x5d: {  	p1 =	seq.s32 s8, $0x0;
	[sflag:s26] =	ssyncset.done $0x0  }
0x5e: {  	s9 =	simm.s32 @!p1 $0x4;
	[sflag:s26] =	ssyncadd.s32 $0xFFFFC000  }
0x5f: {  	_ =	swait.ge @!p1 [sflag:s9], $0x4000  }
0x60: {  	s10 =	sshll.u32 s8, $0x9;
	[sflag:s9] =	ssyncset.done @!p1 $0x0  }
0x61: {  	s10 =	sshra.s32 s10, $0x2;
	[sflag:s9] =	ssyncadd.s32 @!p1 $0xFFFFC000  }
0x62: {  	v0 =	vld [tilespmem:s10+$0x40];
	_ =	sdelay $0x4  }
0x63: {  	v1 =	vand.u32 $0xFFFF, v0  }
0x64: {  	v0 =	vshrl.u32 v0, $0x10;
	[tilespmem:$0x3200] =	vst v1  }
0x65: {  	[tilespmem:$0x3240] =	vst v0  }
0x66: {  	v0 =	vld [tilespmem:s10+$0x50];
	_ =	sdelay $0x4  }
0x67: {  	v1 =	vand.u32 $0xFFFF, v0  }
0x68: {  	v0 =	vshrl.u32 v0, $0x10;
	[tilespmem:$0x3210] =	vst v1  }
0x69: {  	[tilespmem:$0x3250] =	vst v0  }
0x6a: {  	v0 =	vld [tilespmem:s10+$0x60];
	_ =	sdelay $0x4  }
0x6b: {  	v1 =	vand.u32 $0xFFFF, v0  }
0x6c: {  	v0 =	vshrl.u32 v0, $0x10;
	[tilespmem:$0x3220] =	vst v1  }
0x6d: {  	[tilespmem:$0x3260] =	vst v0  }
0x6e: {  	v0 =	vld [tilespmem:s10+$0x70];
	_ =	sdelay $0x4  }
0x6f: {  	v1 =	vand.u32 $0xFFFF, v0  }
0x70: {  	v0 =	vshrl.u32 v0, $0x10;
	[tilespmem:$0x3230] =	vst v1  }
0x71: {  	[tilespmem:$0x3270] =	vst v0  }
0x72: {  	v0 =	vld [tilespmem:s10+$0x1040];
	_ =	sdelay $0x4  }
0x73: {  	v1 =	vand.u32 $0xFFFF, v0  }
0x74: {  	v0 =	vshrl.u32 v0, $0x10;
	[tilespmem:$0x3280] =	vst v1  }
0x75: {  	[tilespmem:$0x32C0] =	vst v0  }
0x76: {  	v0 =	vld [tilespmem:s10+$0x1050];
	_ =	sdelay $0x4  }
0x77: {  	v1 =	vand.u32 $0xFFFF, v0  }
0x78: {  	v0 =	vshrl.u32 v0, $0x10;
	[tilespmem:$0x3290] =	vst v1  }
0x79: {  	[tilespmem:$0x32D0] =	vst v0  }
0x7a: {  	v0 =	vld [tilespmem:s10+$0x1060];
	_ =	sdelay $0x4  }
0x7b: {  	v1 =	vand.u32 $0xFFFF, v0  }
0x7c: {  	v0 =	vshrl.u32 v0, $0x10;
	[tilespmem:$0x32A0] =	vst v1  }
0x7d: {  	[tilespmem:$0x32E0] =	vst v0  }
0x7e: {  	v0 =	vld [tilespmem:s10+$0x1070];
	_ =	sdelay $0x4  }
0x7f: {  	v1 =	vand.u32 $0xFFFF, v0  }
0x80: {  	v0 =	vshrl.u32 v0, $0x10;
	[tilespmem:$0x32B0] =	vst v1  }
0x81: {  	[tilespmem:$0x32F0] =	vst v0  }
0x82: {  	v0 =	vld [tilespmem:s10+$0x2040];
	_ =	sdelay $0x4  }
0x83: {  	v1 =	vand.u32 $0xFFFF, v0  }
0x84: {  	v0 =	vshrl.u32 v0, $0x10;
	[tilespmem:$0x3300] =	vst v1  }
0x85: {  	[tilespmem:$0x3340] =	vst v0  }
0x86: {  	v0 =	vld [tilespmem:s10+$0x2050];
	_ =	sdelay $0x4  }
0x87: {  	v1 =	vand.u32 $0xFFFF, v0  }
0x88: {  	v0 =	vshrl.u32 v0, $0x10;
	[tilespmem:$0x3310] =	vst v1  }
0x89: {  	[tilespmem:$0x3350] =	vst v0  }
0x8a: {  	v0 =	vld [tilespmem:s10+$0x2060];
	_ =	sdelay $0x4  }
0x8b: {  	v1 =	vand.u32 $0xFFFF, v0  }
0x8c: {  	v0 =	vshrl.u32 v0, $0x10;
	[tilespmem:$0x3320] =	vst v1  }
0x8d: {  	[tilespmem:$0x3360] =	vst v0  }
0x8e: {  	v0 =	vld [tilespmem:s10+$0x2070];
	_ =	sdelay $0x4  }
0x8f: {  	v1 =	vand.u32 $0xFFFF, v0  }
0x90: {  	v0 =	vshrl.u32 v0, $0x10;
	[tilespmem:$0x3330] =	vst v1  }
0x91: {  	[tilespmem:$0x3370] =	vst v0  }
0x92: {  	[tilespmem:s29], [sflag:$0x2] =	stream.indirect.gather [spmem:s4], $0x80, s28, s19, $0xb8;
	[tilespmem:$0x1E2E0] =	vst v63  }
0x93: {  	_ = 	snop  }
0x94: {  	[tilespmem:s31], [sflag:$0x2] =	stream.indirect.gather [spmem:s5], $0x80, s30, s19, $0xb8;
	[tilespmem:$0x1E2E0] =	vst v63  }
0x95: {  	s12 =	simm.s32 $0x3400  }
0x96: {  	[tilespmem:s0], [sflag:$0x2] =	stream.indirect.gather [spmem:s6], $0x80, s2, s19, $0xb8;
	[tilespmem:$0x1E2E0] =	vst v63  }
0x97: {  	v0 =	vld [tilespmem:s12+$0x4000]  }
0x98: {  	v1 =	vld [tilespmem:s12+$0x81C0]  }
0x99: {  	v2 =	vld [tilespmem:s12+$0x81F0]  }
0x9a: {  	v3 =	vld [tilespmem:s12+$0x81B0]  }
0x9b: {  	v4 =	vld [tilespmem:s12+$0x8180]  }
0x9c: {  	v5 =	vld [tilespmem:s12+$0x41F0]  }
0x9d: {  	v6 =	vld [tilespmem:s12+$0x81E0]  }
0x9e: {  	v7 =	vld [tilespmem:s12+$0x41E0]  }
0x9f: {  	v8 =	vld [tilespmem:s12+$0x81D0]  }
0xa0: {  	v9 =	vld [tilespmem:s12+$0x41D0]  }
0xa1: {  	v10 =	vld [tilespmem:s12+$0x8000]  }
0xa2: {  	v63 =	vld [tilespmem:s12+$0x8050]  }
0xa3: {  	v22 =	vld [tilespmem:s12+$0x41C0]  }
0xa4: {  	v23 =	vld [tilespmem:s12+$0x41B0]  }
0xa5: {  	v24 =	vld [tilespmem:s12+$0x81A0]  }
0xa6: {  	v25 =	vld [tilespmem:s12+$0x41A0]  }
0xa7: {  	v11 =	vld [tilespmem:s12+$0x8190]  }
0xa8: {  	v26 =	vld [tilespmem:s12+$0x4190]  }
0xa9: {  	v28 =	vld [tilespmem:s12+$0x8130]  }
0xaa: {  	v29 =	vld [tilespmem:s12+$0x4180]  }
0xab: {  	v30 =	vld [tilespmem:s12+$0x8170]  }
0xac: {  	v31 =	vld [tilespmem:s12+$0x4170]  }
0xad: {  	v32 =	vld [tilespmem:s12+$0x8160]  }
0xae: {  	v12 =	vld [tilespmem:s12+$0x4160]  }
0xaf: {  	v13 =	vld [tilespmem:s12+$0x8150]  }
0xb0: {  	v33 =	vld [tilespmem:s12+$0x4150]  }
0xb1: {  	v34 =	vld [tilespmem:s12+$0x4140]  }
0xb2: {  	v36 =	vld [tilespmem:s12+$0x4130]  }
0xb3: {  	v37 =	vld [tilespmem:s12+$0x8010]  }
0xb4: {  	v38 =	vld [tilespmem:s12+$0x8040]  }
0xb5: {  	v40 =	vld [tilespmem:s12+$0x8080]  }
0xb6: {  	v41 =	vld [tilespmem:s12+$0x8090]  }
0xb7: {  	v42 =	vld [tilespmem:s12+$0x80B0]  }
0xb8: {  	v43 =	vld [tilespmem:s12+$0x80D0]  }
0xb9: {  	v44 =	vld [tilespmem:s12+$0x80E0]  }
0xba: {  	v45 =	vld [tilespmem:s12+$0x8120]  }
0xbb: {  	v14 =	vld [tilespmem:s12+$0x4120]  }
0xbc: {  	v15 =	vld [tilespmem:s12+$0x8110]  }
0xbd: {  	v16 =	vld [tilespmem:s12+$0x4110]  }
0xbe: {  	v17 =	vld [tilespmem:s12+$0x8100]  }
0xbf: {  	v18 =	vld [tilespmem:s12+$0x4100]  }
0xc0: {  	v19 =	vld [tilespmem:s12+$0x80F0]  }
0xc1: {  	v46 =	vld [tilespmem:s12+$0x40F0]  }
0xc2: {  	v47 =	vld [tilespmem:s12+$0x40E0]  }
0xc3: {  	v48 =	vld [tilespmem:s12+$0x40D0]  }
0xc4: {  	v49 =	vld [tilespmem:s12+$0x80C0]  }
0xc5: {  	v50 =	vld [tilespmem:s12+$0x40C0]  }
0xc6: {  	v51 =	vld [tilespmem:s12+$0x40B0]  }
0xc7: {  	v20 =	vld [tilespmem:s12+$0x80A0]  }
0xc8: {  	v52 =	vld [tilespmem:s12+$0x40A0]  }
0xc9: {  	v53 =	vld [tilespmem:s12+$0x4090]  }
0xca: {  	v54 =	vld [tilespmem:s12+$0x4080]  }
0xcb: {  	v55 =	vld [tilespmem:s12+$0x4070]  }
0xcc: {  	v56 =	vld [tilespmem:s12+$0x4060]  }
0xcd: {  	v57 =	vld [tilespmem:s12+$0x4050]  }
0xce: {  	v58 =	vld [tilespmem:s12+$0x4040]  }
0xcf: {  	v59 =	vld [tilespmem:s12+$0x8030]  }
0xd0: {  	v60 =	vld [tilespmem:s12+$0x4030];
	v2 =	vadd.f32 v2, v5  }
0xd1: {  	v61 =	vld [tilespmem:s12+$0x4010]  }
0xd2: {  	v6 =	vadd.f32 v6, v7;
	[tilespmem:s12+$0x1F0] =	vst.add.f32.msk $0xffff, v2  }
0xd3: {  	v21 =	vadd.f32 v8, v9;
	v2 =	vld [tilespmem:s12+$0x8140]  }
0xd4: {  	v1 =	vadd.f32 v1, v22;
	[tilespmem:s12+$0x1E0] =	vst.add.f32.msk $0xffff, v6  }
0xd5: {  	[tilespmem:s12+$0x1D0] =	vst.add.f32.msk $0xffff, v21  }
0xd6: {  	v3 =	vadd.f32 v3, v23;
	[tilespmem:s12+$0x1C0] =	vst.add.f32.msk $0xffff, v1  }
0xd7: {  	v1 =	vld [tilespmem:s12+$0x8020]  }
0xd8: {  	v27 =	vadd.f32 v24, v25;
	[tilespmem:s12+$0x1B0] =	vst.add.f32.msk $0xffff, v3  }
0xd9: {  	v4 =	vadd.f32 v4, v29;
	v3 =	vld [tilespmem:s12+$0x8070]  }
0xda: {  	v8 =	vadd.f32 v30, v31;
	[tilespmem:s12+$0x1A0] =	vst.add.f32.msk $0xffff, v27  }
0xdb: {  	v35 =	vadd.f32 v32, v12;
	[tilespmem:s12+$0x180] =	vst.add.f32.msk $0xffff, v4  }
0xdc: {  	v39 =	vadd.f32 v28, v36;
	[tilespmem:s12+$0x170] =	vst.add.f32.msk $0xffff, v8  }
0xdd: {  	v15 =	vadd.f32 v15, v16;
	[tilespmem:s12+$0x160] =	vst.add.f32.msk $0xffff, v35  }
0xde: {  	v16 =	vadd.f32 v49, v50;
	[tilespmem:s12+$0x130] =	vst.add.f32.msk $0xffff, v39  }
0xdf: {  	v7 =	vadd.f32 v41, v53;
	[tilespmem:s12+$0x110] =	vst.add.f32.msk $0xffff, v15  }
0xe0: {  	v5 =	vadd.f32 v63, v57;
	[tilespmem:s12+$0xC0] =	vst.add.f32.msk $0xffff, v16  }
0xe1: {  	v62 =	vadd.f32 v59, v60;
	[tilespmem:s12+$0x90] =	vst.add.f32.msk $0xffff, v7  }
0xe2: {  	[tilespmem:s12+$0x50] =	vst.add.f32.msk $0xffff, v5;
	v2 =	vadd.f32 v2, v34  }
0xe3: {  	[tilespmem:s12+$0x30] =	vst.add.f32.msk $0xffff, v62  }
0xe4: {  	v63 =	vadd.f32 v44, v47;
	[tilespmem:s12+$0x140] =	vst.add.f32.msk $0xffff, v2  }
0xe5: {  	v6 =	vadd.f32 v11, v26;
	v2 =	vld [tilespmem:s12+$0x8060]  }
0xe6: {  	v11 =	vadd.f32 v43, v48;
	[tilespmem:s12+$0xE0] =	vst.add.f32.msk $0xffff, v63  }
0xe7: {  	v8 =	vadd.f32 v42, v51;
	[tilespmem:s12+$0x190] =	vst.add.f32.msk $0xffff, v6  }
0xe8: {  	v15 =	vadd.f32 v20, v52;
	[tilespmem:s12+$0xD0] =	vst.add.f32.msk $0xffff, v11  }
0xe9: {  	v4 =	vadd.f32 v38, v58;
	[tilespmem:s12+$0xB0] =	vst.add.f32.msk $0xffff, v8  }
0xea: {  	[tilespmem:s12+$0xA0] =	vst.add.f32.msk $0xffff, v15;
	v2 =	vadd.f32 v2, v56  }
0xeb: {  	[tilespmem:s12+$0x40] =	vst.add.f32.msk $0xffff, v4  }
0xec: {  	v6 =	vadd.f32 v13, v33;
	[tilespmem:s12+$0x60] =	vst.add.f32.msk $0xffff, v2  }
0xed: {  	v13 =	vadd.f32 v45, v14;
	v2 =	vld [tilespmem:s12+$0x4020]  }
0xee: {  	v14 =	vadd.f32 v19, v46;
	[tilespmem:s12+$0x150] =	vst.add.f32.msk $0xffff, v6  }
0xef: {  	[tilespmem:s12+$0x120] =	vst.add.f32.msk $0xffff, v13;
	v3 =	vadd.f32 v3, v55  }
0xf0: {  	[tilespmem:s12+$0xF0] =	vst.add.f32.msk $0xffff, v14;
	v6 =	vadd.f32 v40, v54  }
0xf1: {  	[tilespmem:s12+$0x70] =	vst.add.f32.msk $0xffff, v3;
	v3 =	vadd.f32 v37, v61  }
0xf2: {  	[tilespmem:s12+$0x80] =	vst.add.f32.msk $0xffff, v6;
	v1 =	vadd.f32 v1, v2  }
0xf3: {  	[tilespmem:s12+$0x10] =	vst.add.f32.msk $0xffff, v3;
	v2 =	vadd.f32 v17, v18  }
0xf4: {  	s13 =	sshll.u32 s8, $0xC;
	v0 =	vadd.f32 v10, v0;
	[tilespmem:s12+$0x20] =	vst.add.f32.msk $0xffff, v1  }
0xf5: {  	s14 =	simm.s32 $0x0;
	s9 =	sor.u32 $0x800, s13;
	[tilespmem:s12+$0x100] =	vst.add.f32.msk $0xffff, v2  }
.LBB2_3:
0xf6: {  	s14 =	sadd.s32 $0x4, s14;
	[tilespmem:s12+$0x0] =	vst.add.f32.msk $0xffff, v0;
	s12 =	sadd.s32 $0x200, s12  }
0xf7: {  	v0 =	vld [tilespmem:s12+$0x4000];
	p1 =	slt.u32 s14, $0x7C  }
0xf8: {  	v3 =	vld [tilespmem:s12+$0x81C0]  }
0xf9: {  	v2 =	vld [tilespmem:s12+$0x81F0]  }
0xfa: {  	v4 =	vld [tilespmem:s12+$0x81B0]  }
0xfb: {  	v5 =	vld [tilespmem:s12+$0x8180]  }
0xfc: {  	v6 =	vld [tilespmem:s12+$0x41F0]  }
0xfd: {  	v7 =	vld [tilespmem:s12+$0x81E0]  }
0xfe: {  	v8 =	vld [tilespmem:s12+$0x41E0]  }
0xff: {  	v9 =	vld [tilespmem:s12+$0x81D0]  }
0x100: {  	v10 =	vld [tilespmem:s12+$0x41D0]  }
0x101: {  	v1 =	vld [tilespmem:s12+$0x8000];
	v6 =	vadd.f32 v2, v6  }
0x102: {  	v2 =	vld [tilespmem:s12+$0x8050]  }
0x103: {  	v7 =	vadd.f32 v7, v8;
	[tilespmem:s12+$0x1F0] =	vst.add.f32.msk $0xffff, v6  }
0x104: {  	v6 =	vld [tilespmem:s12+$0x8140]  }
0x105: {  	v8 =	vadd.f32 v9, v10;
	[tilespmem:s12+$0x1E0] =	vst.add.f32.msk $0xffff, v7  }
0x106: {  	v7 =	vld [tilespmem:s12+$0x41C0]  }
0x107: {  	[tilespmem:s12+$0x1D0] =	vst.add.f32.msk $0xffff, v8  }
0x108: {  	v8 =	vld [tilespmem:s12+$0x41B0]  }
0x109: {  	v9 =	vld [tilespmem:s12+$0x81A0]  }
0x10a: {  	v10 =	vld [tilespmem:s12+$0x41A0]  }
0x10b: {  	v11 =	vld [tilespmem:s12+$0x8190];
	v3 =	vadd.f32 v3, v7  }
0x10c: {  	v7 =	vld [tilespmem:s12+$0x4190]  }
0x10d: {  	v4 =	vadd.f32 v4, v8;
	[tilespmem:s12+$0x1C0] =	vst.add.f32.msk $0xffff, v3  }
0x10e: {  	v3 =	vld [tilespmem:s12+$0x8020]  }
0x10f: {  	v8 =	vadd.f32 v9, v10;
	[tilespmem:s12+$0x1B0] =	vst.add.f32.msk $0xffff, v4  }
0x110: {  	v4 =	vld [tilespmem:s12+$0x8070]  }
0x111: {  	v7 =	vadd.f32 v11, v7;
	[tilespmem:s12+$0x1A0] =	vst.add.f32.msk $0xffff, v8  }
0x112: {  	v8 =	vld [tilespmem:s12+$0x8130]  }
0x113: {  	[tilespmem:s12+$0x190] =	vst.add.f32.msk $0xffff, v7  }
0x114: {  	v7 =	vld [tilespmem:s12+$0x4180]  }
0x115: {  	v9 =	vld [tilespmem:s12+$0x8170]  }
0x116: {  	v10 =	vld [tilespmem:s12+$0x4170]  }
0x117: {  	v11 =	vld [tilespmem:s12+$0x8160]  }
0x118: {  	v12 =	vld [tilespmem:s12+$0x4160]  }
0x119: {  	v13 =	vld [tilespmem:s12+$0x8150];
	v5 =	vadd.f32 v5, v7  }
0x11a: {  	v7 =	vld [tilespmem:s12+$0x4150]  }
0x11b: {  	v9 =	vadd.f32 v9, v10;
	[tilespmem:s12+$0x180] =	vst.add.f32.msk $0xffff, v5  }
0x11c: {  	v5 =	vld [tilespmem:s12+$0x4140]  }
0x11d: {  	v10 =	vadd.f32 v11, v12;
	[tilespmem:s12+$0x170] =	vst.add.f32.msk $0xffff, v9  }
0x11e: {  	v9 =	vld [tilespmem:s12+$0x4130]  }
0x11f: {  	v7 =	vadd.f32 v13, v7;
	[tilespmem:s12+$0x160] =	vst.add.f32.msk $0xffff, v10  }
0x120: {  	v10 =	vld [tilespmem:s12+$0x8010]  }
0x121: {  	v5 =	vadd.f32 v6, v5;
	[tilespmem:s12+$0x150] =	vst.add.f32.msk $0xffff, v7  }
0x122: {  	v6 =	vld [tilespmem:s12+$0x8040]  }
0x123: {  	v7 =	vadd.f32 v8, v9;
	[tilespmem:s12+$0x140] =	vst.add.f32.msk $0xffff, v5  }
0x124: {  	v5 =	vld [tilespmem:s12+$0x8060]  }
0x125: {  	[tilespmem:s12+$0x130] =	vst.add.f32.msk $0xffff, v7  }
0x126: {  	v7 =	vld [tilespmem:s12+$0x8080]  }
0x127: {  	v8 =	vld [tilespmem:s12+$0x8090]  }
0x128: {  	v9 =	vld [tilespmem:s12+$0x80B0]  }
0x129: {  	v11 =	vld [tilespmem:s12+$0x80D0]  }
0x12a: {  	v12 =	vld [tilespmem:s12+$0x80E0]  }
0x12b: {  	v13 =	vld [tilespmem:s12+$0x8120]  }
0x12c: {  	v14 =	vld [tilespmem:s12+$0x4120]  }
0x12d: {  	v15 =	vld [tilespmem:s12+$0x8110]  }
0x12e: {  	v16 =	vld [tilespmem:s12+$0x4110]  }
0x12f: {  	v17 =	vld [tilespmem:s12+$0x8100]  }
0x130: {  	v18 =	vld [tilespmem:s12+$0x4100]  }
0x131: {  	v19 =	vld [tilespmem:s12+$0x80F0];
	v13 =	vadd.f32 v13, v14  }
0x132: {  	v14 =	vld [tilespmem:s12+$0x40F0]  }
0x133: {  	v15 =	vadd.f32 v15, v16;
	[tilespmem:s12+$0x120] =	vst.add.f32.msk $0xffff, v13  }
0x134: {  	v13 =	vld [tilespmem:s12+$0x40E0]  }
0x135: {  	v16 =	vadd.f32 v17, v18;
	[tilespmem:s12+$0x110] =	vst.add.f32.msk $0xffff, v15  }
0x136: {  	v15 =	vld [tilespmem:s12+$0x40D0]  }
0x137: {  	v17 =	vld [tilespmem:s12+$0x80C0];
	v14 =	vadd.f32 v19, v14  }
0x138: {  	v18 =	vld [tilespmem:s12+$0x40C0]  }
0x139: {  	v12 =	vadd.f32 v12, v13;
	[tilespmem:s12+$0xF0] =	vst.add.f32.msk $0xffff, v14  }
0x13a: {  	v13 =	vld [tilespmem:s12+$0x40B0]  }
0x13b: {  	v14 =	vld [tilespmem:s12+$0x80A0];
	v11 =	vadd.f32 v11, v15  }
0x13c: {  	v15 =	vld [tilespmem:s12+$0x40A0]  }
0x13d: {  	v17 =	vadd.f32 v17, v18;
	[tilespmem:s12+$0xD0] =	vst.add.f32.msk $0xffff, v11  }
0x13e: {  	v11 =	vld [tilespmem:s12+$0x4090]  }
0x13f: {  	v9 =	vadd.f32 v9, v13;
	[tilespmem:s12+$0xC0] =	vst.add.f32.msk $0xffff, v17  }
0x140: {  	v13 =	vld [tilespmem:s12+$0x4080]  }
0x141: {  	v14 =	vadd.f32 v14, v15;
	[tilespmem:s12+$0xB0] =	vst.add.f32.msk $0xffff, v9  }
0x142: {  	v9 =	vld [tilespmem:s12+$0x4070]  }
0x143: {  	v8 =	vadd.f32 v8, v11;
	[tilespmem:s12+$0xA0] =	vst.add.f32.msk $0xffff, v14  }
0x144: {  	v11 =	vld [tilespmem:s12+$0x4060]  }
0x145: {  	v7 =	vadd.f32 v7, v13;
	[tilespmem:s12+$0x90] =	vst.add.f32.msk $0xffff, v8  }
0x146: {  	v8 =	vld [tilespmem:s12+$0x4050]  }
0x147: {  	v4 =	vadd.f32 v4, v9;
	[tilespmem:s12+$0x80] =	vst.add.f32.msk $0xffff, v7  }
0x148: {  	v7 =	vld [tilespmem:s12+$0x4040]  }
0x149: {  	v9 =	vld [tilespmem:s12+$0x8030];
	v5 =	vadd.f32 v5, v11  }
0x14a: {  	v11 =	vld [tilespmem:s12+$0x4030]  }
0x14b: {  	v2 =	vadd.f32 v2, v8;
	[tilespmem:s12+$0x60] =	vst.add.f32.msk $0xffff, v5  }
0x14c: {  	v5 =	vld [tilespmem:s12+$0x4020]  }
0x14d: {  	v6 =	vadd.f32 v6, v7;
	[tilespmem:s12+$0x50] =	vst.add.f32.msk $0xffff, v2  }
0x14e: {  	v2 =	vld [tilespmem:s12+$0x4010]  }
0x14f: {  	v7 =	vadd.f32 v9, v11;
	[tilespmem:s12+$0x40] =	vst.add.f32.msk $0xffff, v6  }
0x150: {  	[tilespmem:s12+$0x70] =	vst.add.f32.msk $0xffff, v4  }
.Ltmp0:
0x151: {  	v3 =	vadd.f32 v3, v5;
	[tilespmem:s12+$0x30] =	vst.add.f32.msk $0xffff, v7;
	(pc) =	sbr.rel @p1 .LBB2_3-.Ltmp0, $4  }
0x152: {  	[tilespmem:s12+$0xE0] =	vst.add.f32.msk $0xffff, v12  }
0x153: {  	v2 =	vadd.f32 v10, v2;
	[tilespmem:s12+$0x20] =	vst.add.f32.msk $0xffff, v3  }
0x154: {  	v0 =	vadd.f32 v1, v0;
	[tilespmem:s12+$0x100] =	vst.add.f32.msk $0xffff, v16  }
0x155: {  	[tilespmem:s12+$0x10] =	vst.add.f32.msk $0xffff, v2  }
0x156: {  	[tilespmem:s12+$0x0] =	vst.add.f32.msk $0xffff, v0;
	s14 =	sadd.s32 s13, s11  }
0x157: {  	[hbm4b:s14+s7] =	stream.linear.scatter [tilespmem:s21], [sflag:$0x3], $0x4000, $0x38;
	[tilespmem:$0x1E2E0] =	vst v63  }
0x158: {  	_ =	swait.ge [sflag:s1], $0x4000  }
0x159: {  	[sflag:s1] =	ssyncset.done $0x0  }
0x15a: {  	[sflag:s1] =	ssyncadd.s32 $0xFFFFC000  }
0x15b: {  	p1 =	seq.s32 s8, $0x1F;
	_ =	swait.ge [sflag:s1], $0x4000  }
.Ltmp1:
0x15c: {  	[sflag:s1] =	ssyncset.done $0x0;
	(pc) =	sbr.rel @p1 .LBB2_6-.Ltmp1, $4  }
0x15d: {  	[sflag:s1] =	ssyncadd.s32 $0xFFFFC000  }
0x15e: {  	_ =	swait.ge [sflag:s1], $0x4000  }
0x15f: {  	[sflag:s1] =	ssyncset.done $0x0  }
0x160: {  	[sflag:s1] =	ssyncadd.s32 $0xFFFFC000  }
0x161: {  	_ =	swait.ge [sflag:s3], $0x4000  }
0x162: {  	[sflag:s3] =	ssyncset.done $0x0  }
0x163: {  	[sflag:s3] =	ssyncadd.s32 $0xFFFFC000  }
0x164: {  	v0 =	vld [tilespmem:s10+$0x80];
	_ =	sdelay $0x4  }
0x165: {  	v1 =	vand.u32 $0xFFFF, v0  }
0x166: {  	v0 =	vshrl.u32 v0, $0x10;
	[tilespmem:$0x3000] =	vst v1  }
0x167: {  	[tilespmem:$0x3040] =	vst v0  }
0x168: {  	v0 =	vld [tilespmem:s10+$0x90];
	_ =	sdelay $0x4  }
0x169: {  	v53 =	vand.u32 $0xFFFF, v0  }
0x16a: {  	v0 =	vshrl.u32 v0, $0x10;
	[tilespmem:$0x3010] =	vst v53  }
0x16b: {  	[tilespmem:$0x3050] =	vst v0  }
0x16c: {  	v0 =	vld [tilespmem:s10+$0xA0];
	_ =	sdelay $0x4  }
0x16d: {  	v54 =	vand.u32 $0xFFFF, v0  }
0x16e: {  	v0 =	vshrl.u32 v0, $0x10;
	[tilespmem:$0x3020] =	vst v54  }
0x16f: {  	[tilespmem:$0x3060] =	vst v0  }
0x170: {  	v0 =	vld [tilespmem:s10+$0xB0];
	_ =	sdelay $0x4  }
0x171: {  	v55 =	vand.u32 $0xFFFF, v0  }
0x172: {  	v0 =	vshrl.u32 v0, $0x10;
	[tilespmem:$0x3030] =	vst v55  }
0x173: {  	[tilespmem:$0x3070] =	vst v0  }
0x174: {  	v0 =	vld [tilespmem:s10+$0x1080];
	_ =	sdelay $0x4  }
0x175: {  	v56 =	vand.u32 $0xFFFF, v0  }
0x176: {  	v0 =	vshrl.u32 v0, $0x10;
	[tilespmem:$0x3080] =	vst v56  }
0x177: {  	[tilespmem:$0x30C0] =	vst v0  }
0x178: {  	v0 =	vld [tilespmem:s10+$0x1090];
	_ =	sdelay $0x4  }
0x179: {  	v57 =	vand.u32 $0xFFFF, v0  }
0x17a: {  	v0 =	vshrl.u32 v0, $0x10;
	[tilespmem:$0x3090] =	vst v57  }
0x17b: {  	[tilespmem:$0x30D0] =	vst v0  }
0x17c: {  	v0 =	vld [tilespmem:s10+$0x10A0];
	_ =	sdelay $0x4  }
0x17d: {  	v58 =	vand.u32 $0xFFFF, v0  }
0x17e: {  	v0 =	vshrl.u32 v0, $0x10;
	[tilespmem:$0x30A0] =	vst v58  }
0x17f: {  	[tilespmem:$0x30E0] =	vst v0  }
0x180: {  	v0 =	vld [tilespmem:s10+$0x10B0];
	_ =	sdelay $0x4  }
0x181: {  	v59 =	vand.u32 $0xFFFF, v0  }
0x182: {  	v0 =	vshrl.u32 v0, $0x10;
	[tilespmem:$0x30B0] =	vst v59  }
0x183: {  	[tilespmem:$0x30F0] =	vst v0  }
0x184: {  	v0 =	vld [tilespmem:s10+$0x2080];
	_ =	sdelay $0x4  }
0x185: {  	v60 =	vand.u32 $0xFFFF, v0  }
0x186: {  	v0 =	vshrl.u32 v0, $0x10;
	[tilespmem:$0x3100] =	vst v60  }
0x187: {  	[tilespmem:$0x3140] =	vst v0  }
0x188: {  	v0 =	vld [tilespmem:s10+$0x2090];
	_ =	sdelay $0x4  }
0x189: {  	v61 =	vand.u32 $0xFFFF, v0  }
0x18a: {  	v0 =	vshrl.u32 v0, $0x10;
	[tilespmem:$0x3110] =	vst v61  }
0x18b: {  	[tilespmem:$0x3150] =	vst v0  }
0x18c: {  	v0 =	vld [tilespmem:s10+$0x20A0];
	_ =	sdelay $0x4  }
0x18d: {  	v62 =	vand.u32 $0xFFFF, v0  }
0x18e: {  	v0 =	vshrl.u32 v0, $0x10;
	[tilespmem:$0x3120] =	vst v62  }
0x18f: {  	[tilespmem:$0x3160] =	vst v0  }
0x190: {  	v0 =	vld [tilespmem:s10+$0x20B0];
	_ =	sdelay $0x4  }
0x191: {  	v63 =	vand.u32 $0xFFFF, v0  }
0x192: {  	v0 =	vshrl.u32 v0, $0x10;
	[tilespmem:$0x3130] =	vst v63  }
0x193: {  	[tilespmem:$0x3170] =	vst v0  }
0x194: {  	[tilespmem:s21], [sflag:$0x1] =	stream.indirect.gather [spmem:s4], $0x80, s20, s19, $0xb8;
	[tilespmem:$0x1E2E0] =	vst v63  }
0x195: {  	_ = 	snop  }
0x196: {  	[tilespmem:s23], [sflag:$0x1] =	stream.indirect.gather [spmem:s5], $0x80, s22, s19, $0xb8;
	[tilespmem:$0x1E2E0] =	vst v63  }
0x197: {  	_ = 	snop  }
0x198: {  	[tilespmem:s25], [sflag:$0x1] =	stream.indirect.gather [spmem:s6], $0x80, s24, s19, $0xb8;
	[tilespmem:$0x1E2E0] =	vst v63  }
.LBB2_6:
0x199: {  	s10 =	simm.s32 $0xF400  }
0x19a: {  	v0 =	vld [tilespmem:s10+$0x4000]  }
0x19b: {  	v1 =	vld [tilespmem:s10+$0x81C0]  }
0x19c: {  	v2 =	vld [tilespmem:s10+$0x81F0]  }
0x19d: {  	v3 =	vld [tilespmem:s10+$0x81B0]  }
0x19e: {  	v4 =	vld [tilespmem:s10+$0x8180]  }
0x19f: {  	v5 =	vld [tilespmem:s10+$0x41F0]  }
0x1a0: {  	v6 =	vld [tilespmem:s10+$0x81E0]  }
0x1a1: {  	v7 =	vld [tilespmem:s10+$0x41E0]  }
0x1a2: {  	v8 =	vld [tilespmem:s10+$0x81D0]  }
0x1a3: {  	v9 =	vld [tilespmem:s10+$0x41D0]  }
0x1a4: {  	v10 =	vld [tilespmem:s10+$0x8000]  }
0x1a5: {  	v63 =	vld [tilespmem:s10+$0x8050]  }
0x1a6: {  	v22 =	vld [tilespmem:s10+$0x41C0]  }
0x1a7: {  	v23 =	vld [tilespmem:s10+$0x41B0]  }
0x1a8: {  	v24 =	vld [tilespmem:s10+$0x81A0]  }
0x1a9: {  	v25 =	vld [tilespmem:s10+$0x41A0]  }
0x1aa: {  	v11 =	vld [tilespmem:s10+$0x8190]  }
0x1ab: {  	v26 =	vld [tilespmem:s10+$0x4190]  }
0x1ac: {  	v28 =	vld [tilespmem:s10+$0x8130]  }
0x1ad: {  	v29 =	vld [tilespmem:s10+$0x4180]  }
0x1ae: {  	v30 =	vld [tilespmem:s10+$0x8170]  }
0x1af: {  	v31 =	vld [tilespmem:s10+$0x4170]  }
0x1b0: {  	v32 =	vld [tilespmem:s10+$0x8160]  }
0x1b1: {  	v12 =	vld [tilespmem:s10+$0x4160]  }
0x1b2: {  	v13 =	vld [tilespmem:s10+$0x8150]  }
0x1b3: {  	v33 =	vld [tilespmem:s10+$0x4150]  }
0x1b4: {  	v34 =	vld [tilespmem:s10+$0x4140]  }
0x1b5: {  	v36 =	vld [tilespmem:s10+$0x4130]  }
0x1b6: {  	v37 =	vld [tilespmem:s10+$0x8010]  }
0x1b7: {  	v38 =	vld [tilespmem:s10+$0x8040]  }
0x1b8: {  	v40 =	vld [tilespmem:s10+$0x8080]  }
0x1b9: {  	v41 =	vld [tilespmem:s10+$0x8090]  }
0x1ba: {  	v42 =	vld [tilespmem:s10+$0x80B0]  }
0x1bb: {  	v43 =	vld [tilespmem:s10+$0x80D0]  }
0x1bc: {  	v44 =	vld [tilespmem:s10+$0x80E0]  }
0x1bd: {  	v45 =	vld [tilespmem:s10+$0x8120]  }
0x1be: {  	v14 =	vld [tilespmem:s10+$0x4120]  }
0x1bf: {  	v15 =	vld [tilespmem:s10+$0x8110]  }
0x1c0: {  	v16 =	vld [tilespmem:s10+$0x4110]  }
0x1c1: {  	v17 =	vld [tilespmem:s10+$0x8100]  }
0x1c2: {  	v18 =	vld [tilespmem:s10+$0x4100]  }
0x1c3: {  	v19 =	vld [tilespmem:s10+$0x80F0]  }
0x1c4: {  	v46 =	vld [tilespmem:s10+$0x40F0]  }
0x1c5: {  	v47 =	vld [tilespmem:s10+$0x40E0]  }
0x1c6: {  	v48 =	vld [tilespmem:s10+$0x40D0]  }
0x1c7: {  	v49 =	vld [tilespmem:s10+$0x80C0]  }
0x1c8: {  	v50 =	vld [tilespmem:s10+$0x40C0]  }
0x1c9: {  	v51 =	vld [tilespmem:s10+$0x40B0]  }
0x1ca: {  	v20 =	vld [tilespmem:s10+$0x80A0]  }
0x1cb: {  	v52 =	vld [tilespmem:s10+$0x40A0]  }
0x1cc: {  	v53 =	vld [tilespmem:s10+$0x4090]  }
0x1cd: {  	v54 =	vld [tilespmem:s10+$0x4080]  }
0x1ce: {  	v55 =	vld [tilespmem:s10+$0x4070]  }
0x1cf: {  	v56 =	vld [tilespmem:s10+$0x4060]  }
0x1d0: {  	v57 =	vld [tilespmem:s10+$0x4050]  }
0x1d1: {  	v58 =	vld [tilespmem:s10+$0x4040]  }
0x1d2: {  	v59 =	vld [tilespmem:s10+$0x8030]  }
0x1d3: {  	v60 =	vld [tilespmem:s10+$0x4030];
	v2 =	vadd.f32 v2, v5  }
0x1d4: {  	v61 =	vld [tilespmem:s10+$0x4010]  }
0x1d5: {  	v6 =	vadd.f32 v6, v7;
	[tilespmem:s10+$0x1F0] =	vst.add.f32.msk $0xffff, v2  }
0x1d6: {  	v21 =	vadd.f32 v8, v9;
	v2 =	vld [tilespmem:s10+$0x8140]  }
0x1d7: {  	v1 =	vadd.f32 v1, v22;
	[tilespmem:s10+$0x1E0] =	vst.add.f32.msk $0xffff, v6  }
0x1d8: {  	[tilespmem:s10+$0x1D0] =	vst.add.f32.msk $0xffff, v21  }
0x1d9: {  	v3 =	vadd.f32 v3, v23;
	[tilespmem:s10+$0x1C0] =	vst.add.f32.msk $0xffff, v1  }
0x1da: {  	v1 =	vld [tilespmem:s10+$0x8020]  }
0x1db: {  	v27 =	vadd.f32 v24, v25;
	[tilespmem:s10+$0x1B0] =	vst.add.f32.msk $0xffff, v3  }
0x1dc: {  	v4 =	vadd.f32 v4, v29;
	v3 =	vld [tilespmem:s10+$0x8070]  }
0x1dd: {  	v8 =	vadd.f32 v30, v31;
	[tilespmem:s10+$0x1A0] =	vst.add.f32.msk $0xffff, v27  }
0x1de: {  	v35 =	vadd.f32 v32, v12;
	[tilespmem:s10+$0x180] =	vst.add.f32.msk $0xffff, v4  }
0x1df: {  	v39 =	vadd.f32 v28, v36;
	[tilespmem:s10+$0x170] =	vst.add.f32.msk $0xffff, v8  }
0x1e0: {  	v15 =	vadd.f32 v15, v16;
	[tilespmem:s10+$0x160] =	vst.add.f32.msk $0xffff, v35  }
0x1e1: {  	v16 =	vadd.f32 v49, v50;
	[tilespmem:s10+$0x130] =	vst.add.f32.msk $0xffff, v39  }
0x1e2: {  	v7 =	vadd.f32 v41, v53;
	[tilespmem:s10+$0x110] =	vst.add.f32.msk $0xffff, v15  }
0x1e3: {  	v5 =	vadd.f32 v63, v57;
	[tilespmem:s10+$0xC0] =	vst.add.f32.msk $0xffff, v16  }
0x1e4: {  	v62 =	vadd.f32 v59, v60;
	[tilespmem:s10+$0x90] =	vst.add.f32.msk $0xffff, v7  }
0x1e5: {  	[tilespmem:s10+$0x50] =	vst.add.f32.msk $0xffff, v5;
	v2 =	vadd.f32 v2, v34  }
0x1e6: {  	[tilespmem:s10+$0x30] =	vst.add.f32.msk $0xffff, v62  }
0x1e7: {  	v63 =	vadd.f32 v44, v47;
	[tilespmem:s10+$0x140] =	vst.add.f32.msk $0xffff, v2  }
0x1e8: {  	v6 =	vadd.f32 v11, v26;
	v2 =	vld [tilespmem:s10+$0x8060]  }
0x1e9: {  	v11 =	vadd.f32 v43, v48;
	[tilespmem:s10+$0xE0] =	vst.add.f32.msk $0xffff, v63  }
0x1ea: {  	v8 =	vadd.f32 v42, v51;
	[tilespmem:s10+$0x190] =	vst.add.f32.msk $0xffff, v6  }
0x1eb: {  	v15 =	vadd.f32 v20, v52;
	[tilespmem:s10+$0xD0] =	vst.add.f32.msk $0xffff, v11  }
0x1ec: {  	v4 =	vadd.f32 v38, v58;
	[tilespmem:s10+$0xB0] =	vst.add.f32.msk $0xffff, v8  }
0x1ed: {  	[tilespmem:s10+$0xA0] =	vst.add.f32.msk $0xffff, v15;
	v2 =	vadd.f32 v2, v56  }
0x1ee: {  	[tilespmem:s10+$0x40] =	vst.add.f32.msk $0xffff, v4  }
0x1ef: {  	v6 =	vadd.f32 v13, v33;
	[tilespmem:s10+$0x60] =	vst.add.f32.msk $0xffff, v2  }
0x1f0: {  	v13 =	vadd.f32 v45, v14;
	v2 =	vld [tilespmem:s10+$0x4020]  }
0x1f1: {  	v14 =	vadd.f32 v19, v46;
	[tilespmem:s10+$0x150] =	vst.add.f32.msk $0xffff, v6  }
0x1f2: {  	[tilespmem:s10+$0x120] =	vst.add.f32.msk $0xffff, v13;
	v3 =	vadd.f32 v3, v55  }
0x1f3: {  	[tilespmem:s10+$0xF0] =	vst.add.f32.msk $0xffff, v14;
	v6 =	vadd.f32 v40, v54  }
0x1f4: {  	[tilespmem:s10+$0x70] =	vst.add.f32.msk $0xffff, v3;
	v3 =	vadd.f32 v37, v61  }
0x1f5: {  	[tilespmem:s10+$0x80] =	vst.add.f32.msk $0xffff, v6;
	v1 =	vadd.f32 v1, v2  }
0x1f6: {  	[tilespmem:s10+$0x10] =	vst.add.f32.msk $0xffff, v3;
	v2 =	vadd.f32 v17, v18  }
0x1f7: {  	v0 =	vadd.f32 v10, v0;
	[tilespmem:s10+$0x20] =	vst.add.f32.msk $0xffff, v1  }
0x1f8: {  	s12 =	simm.s32 $0x0;
	[tilespmem:s10+$0x100] =	vst.add.f32.msk $0xffff, v2  }
.LBB2_7:
0x1f9: {  	s12 =	sadd.s32 $0x4, s12;
	[tilespmem:s10+$0x0] =	vst.add.f32.msk $0xffff, v0;
	s10 =	sadd.s32 $0x200, s10  }
0x1fa: {  	v0 =	vld [tilespmem:s10+$0x4000];
	p1 =	slt.u32 s12, $0x7C  }
0x1fb: {  	v3 =	vld [tilespmem:s10+$0x81C0]  }
0x1fc: {  	v2 =	vld [tilespmem:s10+$0x81F0]  }
0x1fd: {  	v4 =	vld [tilespmem:s10+$0x81B0]  }
0x1fe: {  	v5 =	vld [tilespmem:s10+$0x8180]  }
0x1ff: {  	v6 =	vld [tilespmem:s10+$0x41F0]  }
0x200: {  	v7 =	vld [tilespmem:s10+$0x81E0]  }
0x201: {  	v8 =	vld [tilespmem:s10+$0x41E0]  }
0x202: {  	v9 =	vld [tilespmem:s10+$0x81D0]  }
0x203: {  	v10 =	vld [tilespmem:s10+$0x41D0]  }
0x204: {  	v1 =	vld [tilespmem:s10+$0x8000];
	v6 =	vadd.f32 v2, v6  }
0x205: {  	v2 =	vld [tilespmem:s10+$0x8050]  }
0x206: {  	v7 =	vadd.f32 v7, v8;
	[tilespmem:s10+$0x1F0] =	vst.add.f32.msk $0xffff, v6  }
0x207: {  	v6 =	vld [tilespmem:s10+$0x8140]  }
0x208: {  	v8 =	vadd.f32 v9, v10;
	[tilespmem:s10+$0x1E0] =	vst.add.f32.msk $0xffff, v7  }
0x209: {  	v7 =	vld [tilespmem:s10+$0x41C0]  }
0x20a: {  	[tilespmem:s10+$0x1D0] =	vst.add.f32.msk $0xffff, v8  }
0x20b: {  	v8 =	vld [tilespmem:s10+$0x41B0]  }
0x20c: {  	v9 =	vld [tilespmem:s10+$0x81A0]  }
0x20d: {  	v10 =	vld [tilespmem:s10+$0x41A0]  }
0x20e: {  	v11 =	vld [tilespmem:s10+$0x8190];
	v3 =	vadd.f32 v3, v7  }
0x20f: {  	v7 =	vld [tilespmem:s10+$0x4190]  }
0x210: {  	v4 =	vadd.f32 v4, v8;
	[tilespmem:s10+$0x1C0] =	vst.add.f32.msk $0xffff, v3  }
0x211: {  	v3 =	vld [tilespmem:s10+$0x8020]  }
0x212: {  	v8 =	vadd.f32 v9, v10;
	[tilespmem:s10+$0x1B0] =	vst.add.f32.msk $0xffff, v4  }
0x213: {  	v4 =	vld [tilespmem:s10+$0x8070]  }
0x214: {  	v7 =	vadd.f32 v11, v7;
	[tilespmem:s10+$0x1A0] =	vst.add.f32.msk $0xffff, v8  }
0x215: {  	v8 =	vld [tilespmem:s10+$0x8130]  }
0x216: {  	[tilespmem:s10+$0x190] =	vst.add.f32.msk $0xffff, v7  }
0x217: {  	v7 =	vld [tilespmem:s10+$0x4180]  }
0x218: {  	v9 =	vld [tilespmem:s10+$0x8170]  }
0x219: {  	v10 =	vld [tilespmem:s10+$0x4170]  }
0x21a: {  	v11 =	vld [tilespmem:s10+$0x8160]  }
0x21b: {  	v12 =	vld [tilespmem:s10+$0x4160]  }
0x21c: {  	v13 =	vld [tilespmem:s10+$0x8150];
	v5 =	vadd.f32 v5, v7  }
0x21d: {  	v7 =	vld [tilespmem:s10+$0x4150]  }
0x21e: {  	v9 =	vadd.f32 v9, v10;
	[tilespmem:s10+$0x180] =	vst.add.f32.msk $0xffff, v5  }
0x21f: {  	v5 =	vld [tilespmem:s10+$0x4140]  }
0x220: {  	v10 =	vadd.f32 v11, v12;
	[tilespmem:s10+$0x170] =	vst.add.f32.msk $0xffff, v9  }
0x221: {  	v9 =	vld [tilespmem:s10+$0x4130]  }
0x222: {  	v7 =	vadd.f32 v13, v7;
	[tilespmem:s10+$0x160] =	vst.add.f32.msk $0xffff, v10  }
0x223: {  	v10 =	vld [tilespmem:s10+$0x8010]  }
0x224: {  	v5 =	vadd.f32 v6, v5;
	[tilespmem:s10+$0x150] =	vst.add.f32.msk $0xffff, v7  }
0x225: {  	v6 =	vld [tilespmem:s10+$0x8040]  }
0x226: {  	v7 =	vadd.f32 v8, v9;
	[tilespmem:s10+$0x140] =	vst.add.f32.msk $0xffff, v5  }
0x227: {  	v5 =	vld [tilespmem:s10+$0x8060]  }
0x228: {  	[tilespmem:s10+$0x130] =	vst.add.f32.msk $0xffff, v7  }
0x229: {  	v7 =	vld [tilespmem:s10+$0x8080]  }
0x22a: {  	v8 =	vld [tilespmem:s10+$0x8090]  }
0x22b: {  	v9 =	vld [tilespmem:s10+$0x80B0]  }
0x22c: {  	v11 =	vld [tilespmem:s10+$0x80D0]  }
0x22d: {  	v12 =	vld [tilespmem:s10+$0x80E0]  }
0x22e: {  	v13 =	vld [tilespmem:s10+$0x8120]  }
0x22f: {  	v14 =	vld [tilespmem:s10+$0x4120]  }
0x230: {  	v15 =	vld [tilespmem:s10+$0x8110]  }
0x231: {  	v16 =	vld [tilespmem:s10+$0x4110]  }
0x232: {  	v17 =	vld [tilespmem:s10+$0x8100]  }
0x233: {  	v18 =	vld [tilespmem:s10+$0x4100]  }
0x234: {  	v19 =	vld [tilespmem:s10+$0x80F0];
	v13 =	vadd.f32 v13, v14  }
0x235: {  	v14 =	vld [tilespmem:s10+$0x40F0]  }
0x236: {  	v15 =	vadd.f32 v15, v16;
	[tilespmem:s10+$0x120] =	vst.add.f32.msk $0xffff, v13  }
0x237: {  	v13 =	vld [tilespmem:s10+$0x40E0]  }
0x238: {  	v16 =	vadd.f32 v17, v18;
	[tilespmem:s10+$0x110] =	vst.add.f32.msk $0xffff, v15  }
0x239: {  	v15 =	vld [tilespmem:s10+$0x40D0]  }
0x23a: {  	v17 =	vld [tilespmem:s10+$0x80C0];
	v14 =	vadd.f32 v19, v14  }
0x23b: {  	v18 =	vld [tilespmem:s10+$0x40C0]  }
0x23c: {  	v12 =	vadd.f32 v12, v13;
	[tilespmem:s10+$0xF0] =	vst.add.f32.msk $0xffff, v14  }
0x23d: {  	v13 =	vld [tilespmem:s10+$0x40B0]  }
0x23e: {  	v14 =	vld [tilespmem:s10+$0x80A0];
	v11 =	vadd.f32 v11, v15  }
0x23f: {  	v15 =	vld [tilespmem:s10+$0x40A0]  }
0x240: {  	v17 =	vadd.f32 v17, v18;
	[tilespmem:s10+$0xD0] =	vst.add.f32.msk $0xffff, v11  }
0x241: {  	v11 =	vld [tilespmem:s10+$0x4090]  }
0x242: {  	v9 =	vadd.f32 v9, v13;
	[tilespmem:s10+$0xC0] =	vst.add.f32.msk $0xffff, v17  }
0x243: {  	v13 =	vld [tilespmem:s10+$0x4080]  }
0x244: {  	v14 =	vadd.f32 v14, v15;
	[tilespmem:s10+$0xB0] =	vst.add.f32.msk $0xffff, v9  }
0x245: {  	v9 =	vld [tilespmem:s10+$0x4070]  }
0x246: {  	v8 =	vadd.f32 v8, v11;
	[tilespmem:s10+$0xA0] =	vst.add.f32.msk $0xffff, v14  }
0x247: {  	v11 =	vld [tilespmem:s10+$0x4060]  }
0x248: {  	v7 =	vadd.f32 v7, v13;
	[tilespmem:s10+$0x90] =	vst.add.f32.msk $0xffff, v8  }
0x249: {  	v8 =	vld [tilespmem:s10+$0x4050]  }
0x24a: {  	v4 =	vadd.f32 v4, v9;
	[tilespmem:s10+$0x80] =	vst.add.f32.msk $0xffff, v7  }
0x24b: {  	v7 =	vld [tilespmem:s10+$0x4040]  }
0x24c: {  	v9 =	vld [tilespmem:s10+$0x8030];
	v5 =	vadd.f32 v5, v11  }
0x24d: {  	v11 =	vld [tilespmem:s10+$0x4030]  }
0x24e: {  	v2 =	vadd.f32 v2, v8;
	[tilespmem:s10+$0x60] =	vst.add.f32.msk $0xffff, v5  }
0x24f: {  	v5 =	vld [tilespmem:s10+$0x4020]  }
0x250: {  	v6 =	vadd.f32 v6, v7;
	[tilespmem:s10+$0x50] =	vst.add.f32.msk $0xffff, v2  }
0x251: {  	v2 =	vld [tilespmem:s10+$0x4010]  }
0x252: {  	v7 =	vadd.f32 v9, v11;
	[tilespmem:s10+$0x40] =	vst.add.f32.msk $0xffff, v6  }
0x253: {  	[tilespmem:s10+$0x70] =	vst.add.f32.msk $0xffff, v4  }
.Ltmp2:
0x254: {  	v3 =	vadd.f32 v3, v5;
	[tilespmem:s10+$0x30] =	vst.add.f32.msk $0xffff, v7;
	(pc) =	sbr.rel @p1 .LBB2_7-.Ltmp2, $4  }
0x255: {  	[tilespmem:s10+$0xE0] =	vst.add.f32.msk $0xffff, v12  }
0x256: {  	v2 =	vadd.f32 v10, v2;
	[tilespmem:s10+$0x20] =	vst.add.f32.msk $0xffff, v3  }
0x257: {  	v0 =	vadd.f32 v1, v0;
	[tilespmem:s10+$0x100] =	vst.add.f32.msk $0xffff, v16  }
0x258: {  	[tilespmem:s10+$0x10] =	vst.add.f32.msk $0xffff, v2  }
0x259: {  	s8 =	sadd.s32 $0x1, s8  }
0x25a: {  	p1 =	sne.s32 s8, $0x20  }
.Ltmp3:
0x25b: {  	_ = 	snop;
	(pc) =	sbr.rel @p1 .LBB2_2-.Ltmp3, $3  }
0x25c: {  	_ =	sdelay $0x1  }
0x25d: {  	[tilespmem:s10+$0x0] =	vst.add.f32.msk $0xffff, v0;
	s9 =	sadd.s32 s9, s11  }
0x25e: {  	[hbm4b:s9+s7] =	stream.linear.scatter [tilespmem:s29], [sflag:$0x4], $0x4000, $0x38;
	[tilespmem:$0x1E2E0] =	vst v63  }
0x25f: {  	_ =	swait.ge [sflag:s3], $0x4000  }
0x260: {  	[sflag:s3] =	ssyncset.done $0x0  }
0x261: {  	[sflag:s3] =	ssyncadd.s32 $0xFFFFC000  }
0x262: {  	_ =	swait.ge [sflag:s17], $0x4000  }
0x263: {  	s18 =	sadd.s32 $0x1, s18;
	s8 =	rddreg [dreg:$0xe]  }
0x264: {  	p1 =	sne.s32 s18, s8  }
.Ltmp4:
0x265: {  	_ = 	snop;
	(pc) =	sbr.rel @p1 .LBB2_1-.Ltmp4, $3  }
0x266: {  	_ =	sdelay $0x1  }
0x267: {  	[sflag:s17] =	ssyncset.done $0x0  }
0x268: {  	[sflag:s17] =	ssyncadd.s32 $0xFFFFC000  }
0x269: {  	_ =	sfence.sel $0x180000  }
0x26a: {  	[bflag:$0x0] =	sbarrier.arrive $0xFFFF  }
0x26b: {  	_ =	strace $0x90000047  }
0x26c: {  	[bflag:$0x2] =	sbarrier.arrive $0xFFFF  }
0x26d: {  	s0 =	rddreg [dreg:$0xa]  }
0x26e: {  	s0 =	sadd.s32 @!p0 $0x100000, s0  }
0x26f: {  	[sflag:s0] =	ssyncadd.tile.s32 @!p0 $0x1;
	_ =	shalt  }
.Lfunc_end2:
_tile_overlayer_lowered:
.L_overlay_start_2:
0x270: {  	(tag) =	ssettag $0x2  }
0x271: {  	s0 =	rddreg [dreg:$0x0];
	s2 =	stileid.u32  }
0x272: {  	s1 =	rddreg [dreg:$0x1];
	p0 =	sne.s32 s2, $0x0  }
0x273: {  	s3 =	rddreg [dreg:$0x2];
	[bflag:$0x3] =	sbarrier.arrive $0xFFFF;
	s2 =	simm.s32 @!p0 $0x1C05  }
0x274: {  	[timem:s3], [sflag:s2] =	dma.local @!p0 [hbm:s0], s1  }
0x275: {  	s0 =	simm.s32 @!p0 $0x5  }
0x276: {  	_ =	swait.ge @!p0 [sflag:s0], s1  }
0x277: {  	s1 =	ssub.s32 @!p0 $0x0, s1;
	[sflag:s0] =	ssyncset.done @!p0 $0x0  }
0x278: {  	[sflag:s0] =	ssyncadd.s32 @!p0 s1  }
0x279: {  	[bflag:$0x3] =	sbarrier.arrive $0xFFFF  }
0x27a: {  	_ =	shalt  }

</sc_bundles>
